<compile_context>
chip_gen: v7x
topology: tpu7x:2x2x1
jax: 0.10.2.dev20260603
libtpu: 0.0.44.dev20260713+nightly
codegen_flags: <defaults>
</compile_context>

<pallas_src>
import functools

import jax
import jax.numpy as jnp
from jax import lax
from jax.experimental import pallas as pl
from jax.experimental.pallas import tpu as pltpu
from jax.experimental.pallas import tpu_sc as plsc

NC = 2
NS = 16
NW = NC * NS

EDGE_C = 128
N_GRAPHS = 16
BR = 2000


def _sc_mesh():
    return plsc.VectorSubcoreMesh(core_axis_name="c", subcore_axis_name="s")


def _make_deg_kernel(n_acc, k, c):
    dpt = n_acc // NS

    @functools.partial(
        pl.kernel,
        out_type=jax.ShapeDtypeStruct((NC * n_acc,), jnp.float32),
        mesh=_sc_mesh(),
        scratch_types=[
            pltpu.VMEM((k, c), jnp.int32),
            pltpu.VMEM((c,), jnp.float32),
            pltpu.VMEM_SHARED((n_acc,), jnp.float32),
        ],
    )
    def deg_kernel(dst_hbm, zeros_hbm, out_hbm, dst_v, ones_v, acc_sh):
        ci = lax.axis_index("c")
        s = lax.axis_index("s")
        w = s * NC + ci
        pltpu.sync_copy(zeros_hbm, acc_sh.at[pl.ds(s * dpt, dpt)])
        pltpu.sync_copy(dst_hbm.at[w], dst_v)
        for i in range(c // 16):
            ones_v[pl.ds(i * 16, 16)] = jnp.ones((16,), jnp.float32)
        plsc.subcore_barrier()

        @pl.loop(0, k)
        def _(j):
            pltpu.sync_copy(ones_v, acc_sh.at[dst_v.at[j]], add=True)

        plsc.subcore_barrier()
        pltpu.sync_copy(acc_sh.at[pl.ds(s * dpt, dpt)],
                        out_hbm.at[pl.ds(ci * n_acc + s * dpt, dpt)])

    return deg_kernel


def _make_agg_kernel(n_acc, d, k, c):
    rpt = n_acc // NS
    assert k % 2 == 0 and c % 16 == 0

    @functools.partial(
        pl.kernel,
        out_type=jax.ShapeDtypeStruct((NC, n_acc, d), jnp.float32),
        mesh=_sc_mesh(),
        scratch_types=[
            pltpu.VMEM((k, c), jnp.int32),
            pltpu.VMEM((2, c), jnp.int32),
            pltpu.VMEM((2, c), jnp.int32),
            pltpu.VMEM((2, c, d), jnp.float32),
            pltpu.VMEM_SHARED((n_acc, d), jnp.float32),
            pltpu.SemaphoreType.DMA,
            pltpu.SemaphoreType.DMA,
        ],
    )
    def agg_kernel(g_hbm, pk_hbm, zeros_hbm, out_hbm,
                   pk_v, src_v, dst_v, rows_v, acc_sh, *gsems):
        ci = lax.axis_index("c")
        s = lax.axis_index("s")
        w = s * NC + ci
        pltpu.sync_copy(zeros_hbm, acc_sh.at[pl.ds(s * rpt, rpt)])
        pltpu.sync_copy(pk_hbm.at[w], pk_v)

        def unpack(j, b):
            for i in range(c // 16):
                v = pk_v[j, pl.ds(i * 16, 16)]
                src_v[b, pl.ds(i * 16, 16)] = lax.bitwise_and(v, 16383)
                dst_v[b, pl.ds(i * 16, 16)] = lax.shift_right_logical(v, 14)

        def gath(b):
            pltpu.async_copy(g_hbm.at[src_v.at[b]], rows_v.at[b], gsems[b])

        def wait_g(b):
            pltpu.make_async_copy(
                g_hbm.at[src_v.at[b]], rows_v.at[b], gsems[b]).wait()

        def scat(b):
            pltpu.sync_copy(rows_v.at[b], acc_sh.at[dst_v.at[b]], add=True)

        plsc.subcore_barrier()
        unpack(0, 0)
        gath(0)

        @pl.loop(0, k, step=2)
        def _(j):
            unpack(j + 1, 1)
            gath(1)
            wait_g(0)
            scat(0)

            @pl.when(j + 2 < k)
            def _():
                unpack(j + 2, 0)
                gath(0)
            wait_g(1)
            scat(1)

        plsc.subcore_barrier()
        pltpu.sync_copy(acc_sh.at[pl.ds(s * rpt, rpt)],
                        out_hbm.at[ci, pl.ds(s * rpt, rpt)])

    return agg_kernel


def _mm1_body(d0_ref, d1_ref, x_ref, w_ref, g_ref):
    dinv = lax.rsqrt(d0_ref[...] + d1_ref[...] + 1.0)
    g_ref[...] = jnp.dot(x_ref[...], w_ref[...],
                         preferred_element_type=jnp.float32) * dinv


def _mid_body(d0_ref, d1_ref, s0_ref, s1_ref, g1_ref, b1_ref, w2_ref, g2_ref):
    dinv = lax.rsqrt(d0_ref[...] + d1_ref[...] + 1.0)
    h = (s0_ref[...] + s1_ref[...] + g1_ref[...]) * dinv + b1_ref[...]
    h = jnp.maximum(h, 0.0)
    g2_ref[...] = jnp.dot(h, w2_ref[...],
                          preferred_element_type=jnp.float32) * dinv


def _fin_body(d0_ref, d1_ref, s0_ref, s1_ref, g2_ref, b2_ref, batch_ref,
              out_ref, sums_sc, cnts_sc):
    i = pl.program_id(0)

    @pl.when(i == 0)
    def _():
        sums_sc[...] = jnp.zeros_like(sums_sc)
        cnts_sc[...] = jnp.zeros_like(cnts_sc)

    dinv = lax.rsqrt(d0_ref[...] + d1_ref[...] + 1.0)
    h = (s0_ref[...] + s1_ref[...] + g2_ref[...]) * dinv + b2_ref[...]
    h = jnp.maximum(h, 0.0)
    m = (batch_ref[...] == lax.broadcasted_iota(
        jnp.int32, (h.shape[0], N_GRAPHS), 1)).astype(jnp.float32)
    dn = (((0,), (0,)), ((), ()))
    sums_sc[...] += lax.dot_general(m, h, dn,
                                    preferred_element_type=jnp.float32)
    cnts_sc[...] += lax.dot_general(m, jnp.ones_like(h), dn,
                                    preferred_element_type=jnp.float32)
    out_ref[...] = sums_sc[...] / jnp.maximum(cnts_sc[...], 1.0)


def _row_spec(w):
    return pl.BlockSpec((BR, w), lambda i: (i, 0))


def _full_spec(h, w):
    return pl.BlockSpec((h, w), lambda i: (0, 0))


def kernel(x, edge_index, batch, W1, b1, W2, b2):
    n, d = x.shape
    e = edge_index.shape[1]
    c = EDGE_C
    epw = e // NW
    k = ((epw + 2 * c - 1) // (2 * c)) * 2
    pad = k * c - epw
    n_acc = ((n + NS * c - 1) // (NS * c)) * (NS * c)

    src3 = jnp.pad(edge_index[0].reshape(NW, epw), ((0, 0), (0, pad)),
                   constant_values=0).reshape(NW, k, c)
    dst3 = jnp.pad(edge_index[1].reshape(NW, epw), ((0, 0), (0, pad)),
                   constant_values=n).reshape(NW, k, c)
    pk3 = jnp.bitwise_or(src3, jnp.left_shift(dst3, 14))
    zeros_deg = jnp.zeros((n_acc // NS,), jnp.float32)
    zeros_rows = jnp.zeros((n_acc // NS, d), jnp.float32)

    deg_p = _make_deg_kernel(n_acc, k, c)(dst3, zeros_deg).reshape(NC, n_acc)
    d0 = deg_p[0, :n].reshape(n, 1)
    d1 = deg_p[1, :n].reshape(n, 1)

    agg = _make_agg_kernel(n_acc, d, k, c)
    nb = n // BR

    g1 = pl.pallas_call(
        _mm1_body,
        grid=(nb,),
        in_specs=[_row_spec(1), _row_spec(1), _row_spec(d), _full_spec(d, d)],
        out_specs=_row_spec(d),
        out_shape=jax.ShapeDtypeStruct((n, d), jnp.float32),
    )(d0, d1, x, W1)

    s1 = agg(g1, pk3, zeros_rows)

    g2 = pl.pallas_call(
        _mid_body,
        grid=(nb,),
        in_specs=[_row_spec(1), _row_spec(1), _row_spec(d), _row_spec(d),
                  _row_spec(d), _full_spec(1, d), _full_spec(d, d)],
        out_specs=_row_spec(d),
        out_shape=jax.ShapeDtypeStruct((n, d), jnp.float32),
    )(d0, d1, s1[0, :n], s1[1, :n], g1, b1.reshape(1, d), W2)

    s2 = agg(g2, pk3, zeros_rows)

    out = pl.pallas_call(
        _fin_body,
        grid=(nb,),
        in_specs=[_row_spec(1), _row_spec(1), _row_spec(d), _row_spec(d),
                  _row_spec(d), _full_spec(1, d), _row_spec(1)],
        out_specs=_full_spec(N_GRAPHS, d),
        out_shape=jax.ShapeDtypeStruct((N_GRAPHS, d), jnp.float32),
        scratch_shapes=[pltpu.VMEM((N_GRAPHS, d), jnp.float32),
                        pltpu.VMEM((N_GRAPHS, d), jnp.float32)],
    )(d0, d1, s2[0, :n], s2[1, :n], g2, b2.reshape(1, d), batch.reshape(n, 1))

    return out

# --- scband reference (transcript-rebuilt; emitter-appended) ---
"""Pipeline reference for scband-gnnencoder-21766894256816 (READ-ONLY COPY).

The authoritative reference and input builder live on the scoring server;
editing this copy changes nothing except your own understanding.
"""

import jax, jax.numpy as jnp
import numpy as np

N_NODES = 10000
N_EDGES = 320000
D_FEAT = 128
HIDDEN = 128
OUT = 128
N_GRAPHS = 16


def gcn_conv(x, edge_index, W, b):
    # GCNConv: x' = D^{-1/2} (A + I) D^{-1/2} X W + b
    n = x.shape[0]
    loop = jnp.arange(n, dtype=edge_index.dtype)
    src = jnp.concatenate([edge_index[0], loop])
    dst = jnp.concatenate([edge_index[1], loop])
    deg = jnp.zeros((n,), dtype=x.dtype).at[dst].add(1.0)
    deg_inv_sqrt = jnp.where(deg > 0, deg ** -0.5, 0.0)
    norm = deg_inv_sqrt[src] * deg_inv_sqrt[dst]
    h = x @ W
    msg = h[src] * norm[:, None]
    out = jnp.zeros((n, W.shape[1]), dtype=x.dtype).at[dst].add(msg)
    return out + b


def setup_inputs(seed: int = 0) -> dict:
    key = jax.random.key(seed)
    ks = jax.random.split(key, 8)
    x = jax.random.normal(ks[0], (N_NODES, D_FEAT), dtype=jnp.float32)
    edge_index = jax.random.randint(ks[1], (2, N_EDGES), 0, N_NODES, dtype=jnp.int32)
    batch = jnp.sort(jax.random.randint(ks[2], (N_NODES,), 0, N_GRAPHS, dtype=jnp.int32))
    s1 = 1.0 / np.sqrt(D_FEAT)
    W1 = jax.random.uniform(ks[3], (D_FEAT, HIDDEN), minval=-s1, maxval=s1, dtype=jnp.float32)
    b1 = jnp.zeros((HIDDEN,), dtype=jnp.float32)
    s2 = 1.0 / np.sqrt(HIDDEN)
    W2 = jax.random.uniform(ks[4], (HIDDEN, OUT), minval=-s2, maxval=s2, dtype=jnp.float32)
    b2 = jnp.zeros((OUT,), dtype=jnp.float32)
    return {"x": x, "edge_index": edge_index, "batch": batch, "W1": W1, "b1": b1, "W2": W2, "b2": b2}


def reference(x, edge_index, batch, W1, b1, W2, b2):
    h = gcn_conv(x, edge_index, W1, b1)
    h = jax.nn.relu(h)
    h = gcn_conv(h, edge_index, W2, b2)
    h = jax.nn.relu(h)
    ones = jnp.ones((h.shape[0],), dtype=h.dtype)
    counts = jax.ops.segment_sum(ones, batch, num_segments=N_GRAPHS)
    sums = jax.ops.segment_sum(h, batch, num_segments=N_GRAPHS)
    graph_emb = sums / jnp.maximum(counts, 1.0)[:, None]
    return graph_emb

if __name__ == "__main__":
    import jax
    _d = setup_inputs()
    print(jax.jit(kernel)(*tuple(_d.values())))

</pallas_src>

<mosaic_0001>
#map = affine_map<(d0, d1) -> (0, 0)>
#map1 = affine_map<(d0, d1) -> (0, 0, 0)>
module attributes {stable_mosaic.version = 14 : i64} {
  func.func @agg_kernel(%arg0: i32, %arg1: i32, %arg2: memref<10000x128xf32, #tpu.memory_space<hbm>>, %arg3: memref<32x80x128xi32, #tpu.memory_space<hbm>>, %arg4: memref<640x128xf32, #tpu.memory_space<hbm>>, %arg5: memref<2x10240x128xf32, #tpu.memory_space<hbm>>, %arg6: memref<80x128xi32, #tpu.memory_space<vmem>>, %arg7: memref<2x128xi32, #tpu.memory_space<vmem>>, %arg8: memref<2x128xi32, #tpu.memory_space<vmem>>, %arg9: memref<2x128x128xf32, #tpu.memory_space<vmem>>, %arg10: memref<10240x128xf32, #tpu.memory_space<vmem_shared>>, %arg11: memref<!tpu.dma_semaphore, #tpu.memory_space<semaphore_mem>>, %arg12: memref<!tpu.dma_semaphore, #tpu.memory_space<semaphore_mem>>) attributes {dimension_semantics = [#tpu.dimension_semantics<core_parallel>, #tpu.dimension_semantics<subcore_parallel>], iteration_bounds = array<i64: 2, 16>, scalar_prefetch = 0 : i64, scratch_operands = 7 : i64, tpu.core_type = #tpu.core_type<sc_vector_subcore>, window_params = [{transform_indices = #map}, {transform_indices = #map1}, {transform_indices = #map}, {transform_indices = #map1}]} {
    %mul3A = arith.constant 2 : i32
    %mul3A_0 = arith.muli %arg1, %mul3A : i32
    %add3A = arith.addi %mul3A_0, %arg0 : i32
    %mul3A_1 = arith.constant 640 : i32
    %mul3A_2 = arith.muli %arg1, %mul3A_1 : i32
    "tpu.region"() ({
      %run_scoped3A = tpu.sem_alloc : memref<!tpu.dma_semaphore, #tpu.memory_space<semaphore_mem>>
      %dma_start3A_203 = arith.constant 0 : i32
      %dma_start3A_204 = tpu.memref_slice %arg10[%mul3A_2, %dma_start3A_203] : memref<10240x128xf32, #tpu.memory_space<vmem_shared>> -> memref<640x128xf32, #tpu.memory_space<vmem_shared>>
      tpu.enqueue_dma source(%arg4 : memref<640x128xf32, #tpu.memory_space<hbm>>) target(%dma_start3A_204 : memref<640x128xf32, #tpu.memory_space<vmem_shared>>) target_semaphore(%run_scoped3A : memref<!tpu.dma_semaphore, #tpu.memory_space<semaphore_mem>>)
      %dma_wait3A = arith.constant 0 : i32
      %dma_wait3A_205 = tpu.memref_slice %arg10[%mul3A_2, %dma_wait3A] : memref<10240x128xf32, #tpu.memory_space<vmem_shared>> -> memref<640x128xf32, #tpu.memory_space<vmem_shared>>
      tpu.wait_dma2 semaphore(%run_scoped3A : memref<!tpu.dma_semaphore, #tpu.memory_space<semaphore_mem>>) src(%arg4 : memref<640x128xf32, #tpu.memory_space<hbm>>) dst(%dma_wait3A_205 : memref<640x128xf32, #tpu.memory_space<vmem_shared>>)
      tpu.yield
    }) : () -> ()
    "tpu.region"() ({
      %run_scoped3A = tpu.sem_alloc : memref<!tpu.dma_semaphore, #tpu.memory_space<semaphore_mem>>
      %dma_start3A_203 = arith.constant 0 : i32
      %dma_start3A_204 = arith.constant 0 : i32
      %dma_start3A_205 = tpu.memref_slice %arg3[%add3A, %dma_start3A_203, %dma_start3A_204] : memref<32x80x128xi32, #tpu.memory_space<hbm>> -> memref<1x80x128xi32, #tpu.memory_space<hbm>>
      %dma_start3A_206 = tpu.memref_squeeze %dma_start3A_205 : memref<1x80x128xi32, #tpu.memory_space<hbm>> -> memref<80x128xi32, #tpu.memory_space<hbm>>
      %dma_start3A_207 = arith.constant 0 : i32
      %dma_start3A_208 = arith.constant 0 : i32
      %dma_start3A_209 = tpu.memref_slice %arg3[%add3A, %dma_start3A_207, %dma_start3A_208] : memref<32x80x128xi32, #tpu.memory_space<hbm>> -> memref<1x80x128xi32, #tpu.memory_space<hbm>>
      %dma_start3A_210 = tpu.memref_squeeze %dma_start3A_209 : memref<1x80x128xi32, #tpu.memory_space<hbm>> -> memref<80x128xi32, #tpu.memory_space<hbm>>
      tpu.enqueue_dma source(%dma_start3A_210 : memref<80x128xi32, #tpu.memory_space<hbm>>) target(%arg6 : memref<80x128xi32, #tpu.memory_space<vmem>>) target_semaphore(%run_scoped3A : memref<!tpu.dma_semaphore, #tpu.memory_space<semaphore_mem>>)
      %dma_wait3A = arith.constant 0 : i32
      %dma_wait3A_211 = arith.constant 0 : i32
      %dma_wait3A_212 = tpu.memref_slice %arg3[%add3A, %dma_wait3A, %dma_wait3A_211] : memref<32x80x128xi32, #tpu.memory_space<hbm>> -> memref<1x80x128xi32, #tpu.memory_space<hbm>>
      %dma_wait3A_213 = tpu.memref_squeeze %dma_wait3A_212 : memref<1x80x128xi32, #tpu.memory_space<hbm>> -> memref<80x128xi32, #tpu.memory_space<hbm>>
      %dma_wait3A_214 = arith.constant 0 : i32
      %dma_wait3A_215 = arith.constant 0 : i32
      %dma_wait3A_216 = tpu.memref_slice %arg3[%add3A, %dma_wait3A_214, %dma_wait3A_215] : memref<32x80x128xi32, #tpu.memory_space<hbm>> -> memref<1x80x128xi32, #tpu.memory_space<hbm>>
      %dma_wait3A_217 = tpu.memref_squeeze %dma_wait3A_216 : memref<1x80x128xi32, #tpu.memory_space<hbm>> -> memref<80x128xi32, #tpu.memory_space<hbm>>
      tpu.wait_dma2 semaphore(%run_scoped3A : memref<!tpu.dma_semaphore, #tpu.memory_space<semaphore_mem>>) src(%dma_wait3A_217 : memref<80x128xi32, #tpu.memory_space<hbm>>) dst(%arg6 : memref<80x128xi32, #tpu.memory_space<vmem>>)
      tpu.yield
    }) : () -> ()
    %barrier3A = arith.constant 0 : index
    tpu.barrier barrier_id(%barrier3A)
    %get3A = arith.constant 0 : i32
    %get3A_3 = arith.index_cast %get3A : i32 to index
    %get3A_4 = arith.constant 0 : index
    %get3A_5 = tpu.vector_load %arg6[%get3A_3, %get3A_4] {strides = array<i32>} : memref<80x128xi32, #tpu.memory_space<vmem>>, vector<1x16xi32>,
    %get3A_6 = vector.shape_cast %get3A_5 : vector<1x16xi32> to vector<16xi32>
    %and3A = arith.constant 16383 : i32
    %and3A_7 = vector.broadcast %and3A : i32 to vector<16xi32>
    %and3A_8 = arith.andi %get3A_6, %and3A_7 : vector<16xi32>
    %swap3A = arith.constant 0 : i32
    %swap3A_9 = arith.index_cast %swap3A : i32 to index
    %swap3A_10 = arith.constant 0 : index
    %swap3A_11 = tpu.vector_load %arg7[%swap3A_9, %swap3A_10] {strides = array<i32>} : memref<2x128xi32, #tpu.memory_space<vmem>>, vector<1x16xi32>,
    %swap3A_12 = vector.shape_cast %swap3A_11 : vector<1x16xi32> to vector<16xi32>
    %swap3A_13 = vector.shape_cast %and3A_8 : vector<16xi32> to vector<1x16xi32>
    tpu.vector_store %arg7[%swap3A_9, %swap3A_10], %swap3A_13 {strides = array<i32>} : memref<2x128xi32, #tpu.memory_space<vmem>>, vector<1x16xi32>,
    %shift_right_logical3A = arith.constant 14 : i32
    %shift_right_logical3A_14 = vector.broadcast %shift_right_logical3A : i32 to vector<16xi32>
    %shift_right_logical3A_15 = arith.shrui %get3A_6, %shift_right_logical3A_14 : vector<16xi32>
    %swap3A_16 = arith.constant 0 : i32
    %swap3A_17 = arith.index_cast %swap3A_16 : i32 to index
    %swap3A_18 = arith.constant 0 : index
    %swap3A_19 = tpu.vector_load %arg8[%swap3A_17, %swap3A_18] {strides = array<i32>} : memref<2x128xi32, #tpu.memory_space<vmem>>, vector<1x16xi32>,
    %swap3A_20 = vector.shape_cast %swap3A_19 : vector<1x16xi32> to vector<16xi32>
    %swap3A_21 = vector.shape_cast %shift_right_logical3A_15 : vector<16xi32> to vector<1x16xi32>
    tpu.vector_store %arg8[%swap3A_17, %swap3A_18], %swap3A_21 {strides = array<i32>} : memref<2x128xi32, #tpu.memory_space<vmem>>, vector<1x16xi32>,
    %get3A_22 = arith.constant 0 : i32
    %get3A_23 = arith.index_cast %get3A_22 : i32 to index
    %get3A_24 = arith.constant 16 : index
    %get3A_25 = tpu.vector_load %arg6[%get3A_23, %get3A_24] {strides = array<i32>} : memref<80x128xi32, #tpu.memory_space<vmem>>, vector<1x16xi32>,
    %get3A_26 = vector.shape_cast %get3A_25 : vector<1x16xi32> to vector<16xi32>
    %and3A_27 = arith.constant 16383 : i32
    %and3A_28 = vector.broadcast %and3A_27 : i32 to vector<16xi32>
    %and3A_29 = arith.andi %get3A_26, %and3A_28 : vector<16xi32>
    %swap3A_30 = arith.constant 0 : i32
    %swap3A_31 = arith.index_cast %swap3A_30 : i32 to index
    %swap3A_32 = arith.constant 16 : index
    %swap3A_33 = tpu.vector_load %arg7[%swap3A_31, %swap3A_32] {strides = array<i32>} : memref<2x128xi32, #tpu.memory_space<vmem>>, vector<1x16xi32>,
    %swap3A_34 = vector.shape_cast %swap3A_33 : vector<1x16xi32> to vector<16xi32>
    %swap3A_35 = vector.shape_cast %and3A_29 : vector<16xi32> to vector<1x16xi32>
    tpu.vector_store %arg7[%swap3A_31, %swap3A_32], %swap3A_35 {strides = array<i32>} : memref<2x128xi32, #tpu.memory_space<vmem>>, vector<1x16xi32>,
    %shift_right_logical3A_36 = arith.constant 14 : i32
    %shift_right_logical3A_37 = vector.broadcast %shift_right_logical3A_36 : i32 to vector<16xi32>
    %shift_right_logical3A_38 = arith.shrui %get3A_26, %shift_right_logical3A_37 : vector<16xi32>
    %swap3A_39 = arith.constant 0 : i32
    %swap3A_40 = arith.index_cast %swap3A_39 : i32 to index
    %swap3A_41 = arith.constant 16 : index
    %swap3A_42 = tpu.vector_load %arg8[%swap3A_40, %swap3A_41] {strides = array<i32>} : memref<2x128xi32, #tpu.memory_space<vmem>>, vector<1x16xi32>,
    %swap3A_43 = vector.shape_cast %swap3A_42 : vector<1x16xi32> to vector<16xi32>
    %swap3A_44 = vector.shape_cast %shift_right_logical3A_38 : vector<16xi32> to vector<1x16xi32>
    tpu.vector_store %arg8[%swap3A_40, %swap3A_41], %swap3A_44 {strides = array<i32>} : memref<2x128xi32, #tpu.memory_space<vmem>>, vector<1x16xi32>,
    %get3A_45 = arith.constant 0 : i32
    %get3A_46 = arith.index_cast %get3A_45 : i32 to index
    %get3A_47 = arith.constant 32 : index
    %get3A_48 = tpu.vector_load %arg6[%get3A_46, %get3A_47] {strides = array<i32>} : memref<80x128xi32, #tpu.memory_space<vmem>>, vector<1x16xi32>,
    %get3A_49 = vector.shape_cast %get3A_48 : vector<1x16xi32> to vector<16xi32>
    %and3A_50 = arith.constant 16383 : i32
    %and3A_51 = vector.broadcast %and3A_50 : i32 to vector<16xi32>
    %and3A_52 = arith.andi %get3A_49, %and3A_51 : vector<16xi32>
    %swap3A_53 = arith.constant 0 : i32
    %swap3A_54 = arith.index_cast %swap3A_53 : i32 to index
    %swap3A_55 = arith.constant 32 : index
    %swap3A_56 = tpu.vector_load %arg7[%swap3A_54, %swap3A_55] {strides = array<i32>} : memref<2x128xi32, #tpu.memory_space<vmem>>, vector<1x16xi32>,
    %swap3A_57 = vector.shape_cast %swap3A_56 : vector<1x16xi32> to vector<16xi32>
    %swap3A_58 = vector.shape_cast %and3A_52 : vector<16xi32> to vector<1x16xi32>
    tpu.vector_store %arg7[%swap3A_54, %swap3A_55], %swap3A_58 {strides = array<i32>} : memref<2x128xi32, #tpu.memory_space<vmem>>, vector<1x16xi32>,
    %shift_right_logical3A_59 = arith.constant 14 : i32
    %shift_right_logical3A_60 = vector.broadcast %shift_right_logical3A_59 : i32 to vector<16xi32>
    %shift_right_logical3A_61 = arith.shrui %get3A_49, %shift_right_logical3A_60 : vector<16xi32>
    %swap3A_62 = arith.constant 0 : i32
    %swap3A_63 = arith.index_cast %swap3A_62 : i32 to index
    %swap3A_64 = arith.constant 32 : index
    %swap3A_65 = tpu.vector_load %arg8[%swap3A_63, %swap3A_64] {strides = array<i32>} : memref<2x128xi32, #tpu.memory_space<vmem>>, vector<1x16xi32>,
    %swap3A_66 = vector.shape_cast %swap3A_65 : vector<1x16xi32> to vector<16xi32>
    %swap3A_67 = vector.shape_cast %shift_right_logical3A_61 : vector<16xi32> to vector<1x16xi32>
    tpu.vector_store %arg8[%swap3A_63, %swap3A_64], %swap3A_67 {strides = array<i32>} : memref<2x128xi32, #tpu.memory_space<vmem>>, vector<1x16xi32>,
    %get3A_68 = arith.constant 0 : i32
    %get3A_69 = arith.index_cast %get3A_68 : i32 to index
    %get3A_70 = arith.constant 48 : index
    %get3A_71 = tpu.vector_load %arg6[%get3A_69, %get3A_70] {strides = array<i32>} : memref<80x128xi32, #tpu.memory_space<vmem>>, vector<1x16xi32>,
    %get3A_72 = vector.shape_cast %get3A_71 : vector<1x16xi32> to vector<16xi32>
    %and3A_73 = arith.constant 16383 : i32
    %and3A_74 = vector.broadcast %and3A_73 : i32 to vector<16xi32>
    %and3A_75 = arith.andi %get3A_72, %and3A_74 : vector<16xi32>
    %swap3A_76 = arith.constant 0 : i32
    %swap3A_77 = arith.index_cast %swap3A_76 : i32 to index
    %swap3A_78 = arith.constant 48 : index
    %swap3A_79 = tpu.vector_load %arg7[%swap3A_77, %swap3A_78] {strides = array<i32>} : memref<2x128xi32, #tpu.memory_space<vmem>>, vector<1x16xi32>,
    %swap3A_80 = vector.shape_cast %swap3A_79 : vector<1x16xi32> to vector<16xi32>
    %swap3A_81 = vector.shape_cast %and3A_75 : vector<16xi32> to vector<1x16xi32>
    tpu.vector_store %arg7[%swap3A_77, %swap3A_78], %swap3A_81 {strides = array<i32>} : memref<2x128xi32, #tpu.memory_space<vmem>>, vector<1x16xi32>,
    %shift_right_logical3A_82 = arith.constant 14 : i32
    %shift_right_logical3A_83 = vector.broadcast %shift_right_logical3A_82 : i32 to vector<16xi32>
    %shift_right_logical3A_84 = arith.shrui %get3A_72, %shift_right_logical3A_83 : vector<16xi32>
    %swap3A_85 = arith.constant 0 : i32
    %swap3A_86 = arith.index_cast %swap3A_85 : i32 to index
    %swap3A_87 = arith.constant 48 : index
    %swap3A_88 = tpu.vector_load %arg8[%swap3A_86, %swap3A_87] {strides = array<i32>} : memref<2x128xi32, #tpu.memory_space<vmem>>, vector<1x16xi32>,
    %swap3A_89 = vector.shape_cast %swap3A_88 : vector<1x16xi32> to vector<16xi32>
    %swap3A_90 = vector.shape_cast %shift_right_logical3A_84 : vector<16xi32> to vector<1x16xi32>
    tpu.vector_store %arg8[%swap3A_86, %swap3A_87], %swap3A_90 {strides = array<i32>} : memref<2x128xi32, #tpu.memory_space<vmem>>, vector<1x16xi32>,
    %get3A_91 = arith.constant 0 : i32
    %get3A_92 = arith.index_cast %get3A_91 : i32 to index
    %get3A_93 = arith.constant 64 : index
    %get3A_94 = tpu.vector_load %arg6[%get3A_92, %get3A_93] {strides = array<i32>} : memref<80x128xi32, #tpu.memory_space<vmem>>, vector<1x16xi32>,
    %get3A_95 = vector.shape_cast %get3A_94 : vector<1x16xi32> to vector<16xi32>
    %and3A_96 = arith.constant 16383 : i32
    %and3A_97 = vector.broadcast %and3A_96 : i32 to vector<16xi32>
    %and3A_98 = arith.andi %get3A_95, %and3A_97 : vector<16xi32>
    %swap3A_99 = arith.constant 0 : i32
    %swap3A_100 = arith.index_cast %swap3A_99 : i32 to index
    %swap3A_101 = arith.constant 64 : index
    %swap3A_102 = tpu.vector_load %arg7[%swap3A_100, %swap3A_101] {strides = array<i32>} : memref<2x128xi32, #tpu.memory_space<vmem>>, vector<1x16xi32>,
    %swap3A_103 = vector.shape_cast %swap3A_102 : vector<1x16xi32> to vector<16xi32>
    %swap3A_104 = vector.shape_cast %and3A_98 : vector<16xi32> to vector<1x16xi32>
    tpu.vector_store %arg7[%swap3A_100, %swap3A_101], %swap3A_104 {strides = array<i32>} : memref<2x128xi32, #tpu.memory_space<vmem>>, vector<1x16xi32>,
    %shift_right_logical3A_105 = arith.constant 14 : i32
    %shift_right_logical3A_106 = vector.broadcast %shift_right_logical3A_105 : i32 to vector<16xi32>
    %shift_right_logical3A_107 = arith.shrui %get3A_95, %shift_right_logical3A_106 : vector<16xi32>
    %swap3A_108 = arith.constant 0 : i32
    %swap3A_109 = arith.index_cast %swap3A_108 : i32 to index
    %swap3A_110 = arith.constant 64 : index
    %swap3A_111 = tpu.vector_load %arg8[%swap3A_109, %swap3A_110] {strides = array<i32>} : memref<2x128xi32, #tpu.memory_space<vmem>>, vector<1x16xi32>,
    %swap3A_112 = vector.shape_cast %swap3A_111 : vector<1x16xi32> to vector<16xi32>
    %swap3A_113 = vector.shape_cast %shift_right_logical3A_107 : vector<16xi32> to vector<1x16xi32>
    tpu.vector_store %arg8[%swap3A_109, %swap3A_110], %swap3A_113 {strides = array<i32>} : memref<2x128xi32, #tpu.memory_space<vmem>>, vector<1x16xi32>,
    %get3A_114 = arith.constant 0 : i32
    %get3A_115 = arith.index_cast %get3A_114 : i32 to index
    %get3A_116 = arith.constant 80 : index
    %get3A_117 = tpu.vector_load %arg6[%get3A_115, %get3A_116] {strides = array<i32>} : memref<80x128xi32, #tpu.memory_space<vmem>>, vector<1x16xi32>,
    %get3A_118 = vector.shape_cast %get3A_117 : vector<1x16xi32> to vector<16xi32>
    %and3A_119 = arith.constant 16383 : i32
    %and3A_120 = vector.broadcast %and3A_119 : i32 to vector<16xi32>
    %and3A_121 = arith.andi %get3A_118, %and3A_120 : vector<16xi32>
    %swap3A_122 = arith.constant 0 : i32
    %swap3A_123 = arith.index_cast %swap3A_122 : i32 to index
    %swap3A_124 = arith.constant 80 : index
    %swap3A_125 = tpu.vector_load %arg7[%swap3A_123, %swap3A_124] {strides = array<i32>} : memref<2x128xi32, #tpu.memory_space<vmem>>, vector<1x16xi32>,
    %swap3A_126 = vector.shape_cast %swap3A_125 : vector<1x16xi32> to vector<16xi32>
    %swap3A_127 = vector.shape_cast %and3A_121 : vector<16xi32> to vector<1x16xi32>
    tpu.vector_store %arg7[%swap3A_123, %swap3A_124], %swap3A_127 {strides = array<i32>} : memref<2x128xi32, #tpu.memory_space<vmem>>, vector<1x16xi32>,
    %shift_right_logical3A_128 = arith.constant 14 : i32
    %shift_right_logical3A_129 = vector.broadcast %shift_right_logical3A_128 : i32 to vector<16xi32>
    %shift_right_logical3A_130 = arith.shrui %get3A_118, %shift_right_logical3A_129 : vector<16xi32>
    %swap3A_131 = arith.constant 0 : i32
    %swap3A_132 = arith.index_cast %swap3A_131 : i32 to index
    %swap3A_133 = arith.constant 80 : index
    %swap3A_134 = tpu.vector_load %arg8[%swap3A_132, %swap3A_133] {strides = array<i32>} : memref<2x128xi32, #tpu.memory_space<vmem>>, vector<1x16xi32>,
    %swap3A_135 = vector.shape_cast %swap3A_134 : vector<1x16xi32> to vector<16xi32>
    %swap3A_136 = vector.shape_cast %shift_right_logical3A_130 : vector<16xi32> to vector<1x16xi32>
    tpu.vector_store %arg8[%swap3A_132, %swap3A_133], %swap3A_136 {strides = array<i32>} : memref<2x128xi32, #tpu.memory_space<vmem>>, vector<1x16xi32>,
    %get3A_137 = arith.constant 0 : i32
    %get3A_138 = arith.index_cast %get3A_137 : i32 to index
    %get3A_139 = arith.constant 96 : index
    %get3A_140 = tpu.vector_load %arg6[%get3A_138, %get3A_139] {strides = array<i32>} : memref<80x128xi32, #tpu.memory_space<vmem>>, vector<1x16xi32>,
    %get3A_141 = vector.shape_cast %get3A_140 : vector<1x16xi32> to vector<16xi32>
    %and3A_142 = arith.constant 16383 : i32
    %and3A_143 = vector.broadcast %and3A_142 : i32 to vector<16xi32>
    %and3A_144 = arith.andi %get3A_141, %and3A_143 : vector<16xi32>
    %swap3A_145 = arith.constant 0 : i32
    %swap3A_146 = arith.index_cast %swap3A_145 : i32 to index
    %swap3A_147 = arith.constant 96 : index
    %swap3A_148 = tpu.vector_load %arg7[%swap3A_146, %swap3A_147] {strides = array<i32>} : memref<2x128xi32, #tpu.memory_space<vmem>>, vector<1x16xi32>,
    %swap3A_149 = vector.shape_cast %swap3A_148 : vector<1x16xi32> to vector<16xi32>
    %swap3A_150 = vector.shape_cast %and3A_144 : vector<16xi32> to vector<1x16xi32>
    tpu.vector_store %arg7[%swap3A_146, %swap3A_147], %swap3A_150 {strides = array<i32>} : memref<2x128xi32, #tpu.memory_space<vmem>>, vector<1x16xi32>,
    %shift_right_logical3A_151 = arith.constant 14 : i32
    %shift_right_logical3A_152 = vector.broadcast %shift_right_logical3A_151 : i32 to vector<16xi32>
    %shift_right_logical3A_153 = arith.shrui %get3A_141, %shift_right_logical3A_152 : vector<16xi32>
    %swap3A_154 = arith.constant 0 : i32
    %swap3A_155 = arith.index_cast %swap3A_154 : i32 to index
    %swap3A_156 = arith.constant 96 : index
    %swap3A_157 = tpu.vector_load %arg8[%swap3A_155, %swap3A_156] {strides = array<i32>} : memref<2x128xi32, #tpu.memory_space<vmem>>, vector<1x16xi32>,
    %swap3A_158 = vector.shape_cast %swap3A_157 : vector<1x16xi32> to vector<16xi32>
    %swap3A_159 = vector.shape_cast %shift_right_logical3A_153 : vector<16xi32> to vector<1x16xi32>
    tpu.vector_store %arg8[%swap3A_155, %swap3A_156], %swap3A_159 {strides = array<i32>} : memref<2x128xi32, #tpu.memory_space<vmem>>, vector<1x16xi32>,
    %get3A_160 = arith.constant 0 : i32
    %get3A_161 = arith.index_cast %get3A_160 : i32 to index
    %get3A_162 = arith.constant 112 : index
    %get3A_163 = tpu.vector_load %arg6[%get3A_161, %get3A_162] {strides = array<i32>} : memref<80x128xi32, #tpu.memory_space<vmem>>, vector<1x16xi32>,
    %get3A_164 = vector.shape_cast %get3A_163 : vector<1x16xi32> to vector<16xi32>
    %and3A_165 = arith.constant 16383 : i32
    %and3A_166 = vector.broadcast %and3A_165 : i32 to vector<16xi32>
    %and3A_167 = arith.andi %get3A_164, %and3A_166 : vector<16xi32>
    %swap3A_168 = arith.constant 0 : i32
    %swap3A_169 = arith.index_cast %swap3A_168 : i32 to index
    %swap3A_170 = arith.constant 112 : index
    %swap3A_171 = tpu.vector_load %arg7[%swap3A_169, %swap3A_170] {strides = array<i32>} : memref<2x128xi32, #tpu.memory_space<vmem>>, vector<1x16xi32>,
    %swap3A_172 = vector.shape_cast %swap3A_171 : vector<1x16xi32> to vector<16xi32>
    %swap3A_173 = vector.shape_cast %and3A_167 : vector<16xi32> to vector<1x16xi32>
    tpu.vector_store %arg7[%swap3A_169, %swap3A_170], %swap3A_173 {strides = array<i32>} : memref<2x128xi32, #tpu.memory_space<vmem>>, vector<1x16xi32>,
    %shift_right_logical3A_174 = arith.constant 14 : i32
    %shift_right_logical3A_175 = vector.broadcast %shift_right_logical3A_174 : i32 to vector<16xi32>
    %shift_right_logical3A_176 = arith.shrui %get3A_164, %shift_right_logical3A_175 : vector<16xi32>
    %swap3A_177 = arith.constant 0 : i32
    %swap3A_178 = arith.index_cast %swap3A_177 : i32 to index
    %swap3A_179 = arith.constant 112 : index
    %swap3A_180 = tpu.vector_load %arg8[%swap3A_178, %swap3A_179] {strides = array<i32>} : memref<2x128xi32, #tpu.memory_space<vmem>>, vector<1x16xi32>,
    %swap3A_181 = vector.shape_cast %swap3A_180 : vector<1x16xi32> to vector<16xi32>
    %swap3A_182 = vector.shape_cast %shift_right_logical3A_176 : vector<16xi32> to vector<1x16xi32>
    tpu.vector_store %arg8[%swap3A_178, %swap3A_179], %swap3A_182 {strides = array<i32>} : memref<2x128xi32, #tpu.memory_space<vmem>>, vector<1x16xi32>,
    %dma_start3A = arith.constant 0 : i32
    %dma_start3A_183 = arith.constant 0 : i32
    %dma_start3A_184 = arith.constant 0 : i32
    %dma_start3A_185 = arith.constant 0 : i32
    %dma_start3A_186 = tpu.memref_slice %arg9[%dma_start3A_183, %dma_start3A_184, %dma_start3A_185] : memref<2x128x128xf32, #tpu.memory_space<vmem>> -> memref<1x128x128xf32, #tpu.memory_space<vmem>>
    %dma_start3A_187 = tpu.memref_squeeze %dma_start3A_186 : memref<1x128x128xf32, #tpu.memory_space<vmem>> -> memref<128x128xf32, #tpu.memory_space<vmem>>
    %dma_start3A_188 = arith.constant 0 : i32
    %dma_start3A_189 = tpu.memref_slice %arg7[%dma_start3A, %dma_start3A_188] : memref<2x128xi32, #tpu.memory_space<vmem>> -> memref<1x128xi32, #tpu.memory_space<vmem>>
    %dma_start3A_190 = tpu.memref_squeeze %dma_start3A_189 : memref<1x128xi32, #tpu.memory_space<vmem>> -> memref<128xi32, #tpu.memory_space<vmem>>
    %dma_start3A_191 = arith.constant 0 : i32
    %dma_start3A_192 = arith.constant 0 : i32
    %dma_start3A_193 = tpu.memref_slice %arg2[%dma_start3A_191, %dma_start3A_192] : memref<10000x128xf32, #tpu.memory_space<hbm>> -> memref<10000x128xf32, #tpu.memory_space<hbm>>
    tpu.enqueue_indirect_dma source(%dma_start3A_193 : memref<10000x128xf32, #tpu.memory_space<hbm>>) target(%dma_start3A_187 : memref<128x128xf32, #tpu.memory_space<vmem>>) offsets(%dma_start3A_190 : memref<128xi32, #tpu.memory_space<vmem>>) semaphore(%arg11 : memref<!tpu.dma_semaphore, #tpu.memory_space<semaphore_mem>>)
    %scan3A = arith.constant 0 : i32
    %scan3A_194 = arith.constant 40 : i32
    %scan3A_195 = arith.addi %scan3A, %scan3A_194 : i32
    %scan3A_196 = arith.constant 1 : i32
    scf.for %scan3A_203 = %scan3A to %scan3A_195 step %scan3A_196  : i32 {
      %mul3A_204 = arith.constant 2 : i32
      %mul3A_205 = arith.muli %scan3A_203, %mul3A_204 : i32
      %add3A_206 = arith.constant 0 : i32
      %add3A_207 = arith.addi %add3A_206, %mul3A_205 : i32
      %add3A_208 = arith.constant 1 : i32
      %add3A_209 = arith.addi %add3A_207, %add3A_208 : i32
      %get3A_210 = arith.index_cast %add3A_209 : i32 to index
      %get3A_211 = arith.constant 0 : index
      %get3A_212 = tpu.vector_load %arg6[%get3A_210, %get3A_211] {strides = array<i32>} : memref<80x128xi32, #tpu.memory_space<vmem>>, vector<1x16xi32>,
      %get3A_213 = vector.shape_cast %get3A_212 : vector<1x16xi32> to vector<16xi32>
      %and3A_214 = arith.constant 16383 : i32
      %and3A_215 = vector.broadcast %and3A_214 : i32 to vector<16xi32>
      %and3A_216 = arith.andi %get3A_213, %and3A_215 : vector<16xi32>
      %swap3A_217 = arith.constant 1 : i32
      %swap3A_218 = arith.index_cast %swap3A_217 : i32 to index
      %swap3A_219 = arith.constant 0 : index
      %swap3A_220 = tpu.vector_load %arg7[%swap3A_218, %swap3A_219] {strides = array<i32>} : memref<2x128xi32, #tpu.memory_space<vmem>>, vector<1x16xi32>,
      %swap3A_221 = vector.shape_cast %swap3A_220 : vector<1x16xi32> to vector<16xi32>
      %swap3A_222 = vector.shape_cast %and3A_216 : vector<16xi32> to vector<1x16xi32>
      tpu.vector_store %arg7[%swap3A_218, %swap3A_219], %swap3A_222 {strides = array<i32>} : memref<2x128xi32, #tpu.memory_space<vmem>>, vector<1x16xi32>,
      %shift_right_logical3A_223 = arith.constant 14 : i32
      %shift_right_logical3A_224 = vector.broadcast %shift_right_logical3A_223 : i32 to vector<16xi32>
      %shift_right_logical3A_225 = arith.shrui %get3A_213, %shift_right_logical3A_224 : vector<16xi32>
      %swap3A_226 = arith.constant 1 : i32
      %swap3A_227 = arith.index_cast %swap3A_226 : i32 to index
      %swap3A_228 = arith.constant 0 : index
      %swap3A_229 = tpu.vector_load %arg8[%swap3A_227, %swap3A_228] {strides = array<i32>} : memref<2x128xi32, #tpu.memory_space<vmem>>, vector<1x16xi32>,
      %swap3A_230 = vector.shape_cast %swap3A_229 : vector<1x16xi32> to vector<16xi32>
      %swap3A_231 = vector.shape_cast %shift_right_logical3A_225 : vector<16xi32> to vector<1x16xi32>
      tpu.vector_store %arg8[%swap3A_227, %swap3A_228], %swap3A_231 {strides = array<i32>} : memref<2x128xi32, #tpu.memory_space<vmem>>, vector<1x16xi32>,
      %get3A_232 = arith.index_cast %add3A_209 : i32 to index
      %get3A_233 = arith.constant 16 : index
      %get3A_234 = tpu.vector_load %arg6[%get3A_232, %get3A_233] {strides = array<i32>} : memref<80x128xi32, #tpu.memory_space<vmem>>, vector<1x16xi32>,
      %get3A_235 = vector.shape_cast %get3A_234 : vector<1x16xi32> to vector<16xi32>
      %and3A_236 = arith.constant 16383 : i32
      %and3A_237 = vector.broadcast %and3A_236 : i32 to vector<16xi32>
      %and3A_238 = arith.andi %get3A_235, %and3A_237 : vector<16xi32>
      %swap3A_239 = arith.constant 1 : i32
      %swap3A_240 = arith.index_cast %swap3A_239 : i32 to index
      %swap3A_241 = arith.constant 16 : index
      %swap3A_242 = tpu.vector_load %arg7[%swap3A_240, %swap3A_241] {strides = array<i32>} : memref<2x128xi32, #tpu.memory_space<vmem>>, vector<1x16xi32>,
      %swap3A_243 = vector.shape_cast %swap3A_242 : vector<1x16xi32> to vector<16xi32>
      %swap3A_244 = vector.shape_cast %and3A_238 : vector<16xi32> to vector<1x16xi32>
      tpu.vector_store %arg7[%swap3A_240, %swap3A_241], %swap3A_244 {strides = array<i32>} : memref<2x128xi32, #tpu.memory_space<vmem>>, vector<1x16xi32>,
      %shift_right_logical3A_245 = arith.constant 14 : i32
      %shift_right_logical3A_246 = vector.broadcast %shift_right_logical3A_245 : i32 to vector<16xi32>
      %shift_right_logical3A_247 = arith.shrui %get3A_235, %shift_right_logical3A_246 : vector<16xi32>
      %swap3A_248 = arith.constant 1 : i32
      %swap3A_249 = arith.index_cast %swap3A_248 : i32 to index
      %swap3A_250 = arith.constant 16 : index
      %swap3A_251 = tpu.vector_load %arg8[%swap3A_249, %swap3A_250] {strides = array<i32>} : memref<2x128xi32, #tpu.memory_space<vmem>>, vector<1x16xi32>,
      %swap3A_252 = vector.shape_cast %swap3A_251 : vector<1x16xi32> to vector<16xi32>
      %swap3A_253 = vector.shape_cast %shift_right_logical3A_247 : vector<16xi32> to vector<1x16xi32>
      tpu.vector_store %arg8[%swap3A_249, %swap3A_250], %swap3A_253 {strides = array<i32>} : memref<2x128xi32, #tpu.memory_space<vmem>>, vector<1x16xi32>,
      %get3A_254 = arith.index_cast %add3A_209 : i32 to index
      %get3A_255 = arith.constant 32 : index
      %get3A_256 = tpu.vector_load %arg6[%get3A_254, %get3A_255] {strides = array<i32>} : memref<80x128xi32, #tpu.memory_space<vmem>>, vector<1x16xi32>,
      %get3A_257 = vector.shape_cast %get3A_256 : vector<1x16xi32> to vector<16xi32>
      %and3A_258 = arith.constant 16383 : i32
      %and3A_259 = vector.broadcast %and3A_258 : i32 to vector<16xi32>
      %and3A_260 = arith.andi %get3A_257, %and3A_259 : vector<16xi32>
      %swap3A_261 = arith.constant 1 : i32
      %swap3A_262 = arith.index_cast %swap3A_261 : i32 to index
      %swap3A_263 = arith.constant 32 : index
      %swap3A_264 = tpu.vector_load %arg7[%swap3A_262, %swap3A_263] {strides = array<i32>} : memref<2x128xi32, #tpu.memory_space<vmem>>, vector<1x16xi32>,
      %swap3A_265 = vector.shape_cast %swap3A_264 : vector<1x16xi32> to vector<16xi32>
      %swap3A_266 = vector.shape_cast %and3A_260 : vector<16xi32> to vector<1x16xi32>
      tpu.vector_store %arg7[%swap3A_262, %swap3A_263], %swap3A_266 {strides = array<i32>} : memref<2x128xi32, #tpu.memory_space<vmem>>, vector<1x16xi32>,
      %shift_right_logical3A_267 = arith.constant 14 : i32
      %shift_right_logical3A_268 = vector.broadcast %shift_right_logical3A_267 : i32 to vector<16xi32>
      %shift_right_logical3A_269 = arith.shrui %get3A_257, %shift_right_logical3A_268 : vector<16xi32>
      %swap3A_270 = arith.constant 1 : i32
      %swap3A_271 = arith.index_cast %swap3A_270 : i32 to index
      %swap3A_272 = arith.constant 32 : index
      %swap3A_273 = tpu.vector_load %arg8[%swap3A_271, %swap3A_272] {strides = array<i32>} : memref<2x128xi32, #tpu.memory_space<vmem>>, vector<1x16xi32>,
      %swap3A_274 = vector.shape_cast %swap3A_273 : vector<1x16xi32> to vector<16xi32>
      %swap3A_275 = vector.shape_cast %shift_right_logical3A_269 : vector<16xi32> to vector<1x16xi32>
      tpu.vector_store %arg8[%swap3A_271, %swap3A_272], %swap3A_275 {strides = array<i32>} : memref<2x128xi32, #tpu.memory_space<vmem>>, vector<1x16xi32>,
      %get3A_276 = arith.index_cast %add3A_209 : i32 to index
      %get3A_277 = arith.constant 48 : index
      %get3A_278 = tpu.vector_load %arg6[%get3A_276, %get3A_277] {strides = array<i32>} : memref<80x128xi32, #tpu.memory_space<vmem>>, vector<1x16xi32>,
      %get3A_279 = vector.shape_cast %get3A_278 : vector<1x16xi32> to vector<16xi32>
      %and3A_280 = arith.constant 16383 : i32
      %and3A_281 = vector.broadcast %and3A_280 : i32 to vector<16xi32>
      %and3A_282 = arith.andi %get3A_279, %and3A_281 : vector<16xi32>
      %swap3A_283 = arith.constant 1 : i32
      %swap3A_284 = arith.index_cast %swap3A_283 : i32 to index
      %swap3A_285 = arith.constant 48 : index
      %swap3A_286 = tpu.vector_load %arg7[%swap3A_284, %swap3A_285] {strides = array<i32>} : memref<2x128xi32, #tpu.memory_space<vmem>>, vector<1x16xi32>,
      %swap3A_287 = vector.shape_cast %swap3A_286 : vector<1x16xi32> to vector<16xi32>
      %swap3A_288 = vector.shape_cast %and3A_282 : vector<16xi32> to vector<1x16xi32>
      tpu.vector_store %arg7[%swap3A_284, %swap3A_285], %swap3A_288 {strides = array<i32>} : memref<2x128xi32, #tpu.memory_space<vmem>>, vector<1x16xi32>,
      %shift_right_logical3A_289 = arith.constant 14 : i32
      %shift_right_logical3A_290 = vector.broadcast %shift_right_logical3A_289 : i32 to vector<16xi32>
      %shift_right_logical3A_291 = arith.shrui %get3A_279, %shift_right_logical3A_290 : vector<16xi32>
      %swap3A_292 = arith.constant 1 : i32
      %swap3A_293 = arith.index_cast %swap3A_292 : i32 to index
      %swap3A_294 = arith.constant 48 : index
      %swap3A_295 = tpu.vector_load %arg8[%swap3A_293, %swap3A_294] {strides = array<i32>} : memref<2x128xi32, #tpu.memory_space<vmem>>, vector<1x16xi32>,
      %swap3A_296 = vector.shape_cast %swap3A_295 : vector<1x16xi32> to vector<16xi32>
      %swap3A_297 = vector.shape_cast %shift_right_logical3A_291 : vector<16xi32> to vector<1x16xi32>
      tpu.vector_store %arg8[%swap3A_293, %swap3A_294], %swap3A_297 {strides = array<i32>} : memref<2x128xi32, #tpu.memory_space<vmem>>, vector<1x16xi32>,
      %get3A_298 = arith.index_cast %add3A_209 : i32 to index
      %get3A_299 = arith.constant 64 : index
      %get3A_300 = tpu.vector_load %arg6[%get3A_298, %get3A_299] {strides = array<i32>} : memref<80x128xi32, #tpu.memory_space<vmem>>, vector<1x16xi32>,
      %get3A_301 = vector.shape_cast %get3A_300 : vector<1x16xi32> to vector<16xi32>
      %and3A_302 = arith.constant 16383 : i32
      %and3A_303 = vector.broadcast %and3A_302 : i32 to vector<16xi32>
      %and3A_304 = arith.andi %get3A_301, %and3A_303 : vector<16xi32>
      %swap3A_305 = arith.constant 1 : i32
      %swap3A_306 = arith.index_cast %swap3A_305 : i32 to index
      %swap3A_307 = arith.constant 64 : index
      %swap3A_308 = tpu.vector_load %arg7[%swap3A_306, %swap3A_307] {strides = array<i32>} : memref<2x128xi32, #tpu.memory_space<vmem>>, vector<1x16xi32>,
      %swap3A_309 = vector.shape_cast %swap3A_308 : vector<1x16xi32> to vector<16xi32>
      %swap3A_310 = vector.shape_cast %and3A_304 : vector<16xi32> to vector<1x16xi32>
      tpu.vector_store %arg7[%swap3A_306, %swap3A_307], %swap3A_310 {strides = array<i32>} : memref<2x128xi32, #tpu.memory_space<vmem>>, vector<1x16xi32>,
      %shift_right_logical3A_311 = arith.constant 14 : i32
      %shift_right_logical3A_312 = vector.broadcast %shift_right_logical3A_311 : i32 to vector<16xi32>
      %shift_right_logical3A_313 = arith.shrui %get3A_301, %shift_right_logical3A_312 : vector<16xi32>
      %swap3A_314 = arith.constant 1 : i32
      %swap3A_315 = arith.index_cast %swap3A_314 : i32 to index
      %swap3A_316 = arith.constant 64 : index
      %swap3A_317 = tpu.vector_load %arg8[%swap3A_315, %swap3A_316] {strides = array<i32>} : memref<2x128xi32, #tpu.memory_space<vmem>>, vector<1x16xi32>,
      %swap3A_318 = vector.shape_cast %swap3A_317 : vector<1x16xi32> to vector<16xi32>
      %swap3A_319 = vector.shape_cast %shift_right_logical3A_313 : vector<16xi32> to vector<1x16xi32>
      tpu.vector_store %arg8[%swap3A_315, %swap3A_316], %swap3A_319 {strides = array<i32>} : memref<2x128xi32, #tpu.memory_space<vmem>>, vector<1x16xi32>,
      %get3A_320 = arith.index_cast %add3A_209 : i32 to index
      %get3A_321 = arith.constant 80 : index
      %get3A_322 = tpu.vector_load %arg6[%get3A_320, %get3A_321] {strides = array<i32>} : memref<80x128xi32, #tpu.memory_space<vmem>>, vector<1x16xi32>,
      %get3A_323 = vector.shape_cast %get3A_322 : vector<1x16xi32> to vector<16xi32>
      %and3A_324 = arith.constant 16383 : i32
      %and3A_325 = vector.broadcast %and3A_324 : i32 to vector<16xi32>
      %and3A_326 = arith.andi %get3A_323, %and3A_325 : vector<16xi32>
      %swap3A_327 = arith.constant 1 : i32
      %swap3A_328 = arith.index_cast %swap3A_327 : i32 to index
      %swap3A_329 = arith.constant 80 : index
      %swap3A_330 = tpu.vector_load %arg7[%swap3A_328, %swap3A_329] {strides = array<i32>} : memref<2x128xi32, #tpu.memory_space<vmem>>, vector<1x16xi32>,
      %swap3A_331 = vector.shape_cast %swap3A_330 : vector<1x16xi32> to vector<16xi32>
      %swap3A_332 = vector.shape_cast %and3A_326 : vector<16xi32> to vector<1x16xi32>
      tpu.vector_store %arg7[%swap3A_328, %swap3A_329], %swap3A_332 {strides = array<i32>} : memref<2x128xi32, #tpu.memory_space<vmem>>, vector<1x16xi32>,
      %shift_right_logical3A_333 = arith.constant 14 : i32
      %shift_right_logical3A_334 = vector.broadcast %shift_right_logical3A_333 : i32 to vector<16xi32>
      %shift_right_logical3A_335 = arith.shrui %get3A_323, %shift_right_logical3A_334 : vector<16xi32>
      %swap3A_336 = arith.constant 1 : i32
      %swap3A_337 = arith.index_cast %swap3A_336 : i32 to index
      %swap3A_338 = arith.constant 80 : index
      %swap3A_339 = tpu.vector_load %arg8[%swap3A_337, %swap3A_338] {strides = array<i32>} : memref<2x128xi32, #tpu.memory_space<vmem>>, vector<1x16xi32>,
      %swap3A_340 = vector.shape_cast %swap3A_339 : vector<1x16xi32> to vector<16xi32>
      %swap3A_341 = vector.shape_cast %shift_right_logical3A_335 : vector<16xi32> to vector<1x16xi32>
      tpu.vector_store %arg8[%swap3A_337, %swap3A_338], %swap3A_341 {strides = array<i32>} : memref<2x128xi32, #tpu.memory_space<vmem>>, vector<1x16xi32>,
      %get3A_342 = arith.index_cast %add3A_209 : i32 to index
      %get3A_343 = arith.constant 96 : index
      %get3A_344 = tpu.vector_load %arg6[%get3A_342, %get3A_343] {strides = array<i32>} : memref<80x128xi32, #tpu.memory_space<vmem>>, vector<1x16xi32>,
      %get3A_345 = vector.shape_cast %get3A_344 : vector<1x16xi32> to vector<16xi32>
      %and3A_346 = arith.constant 16383 : i32
      %and3A_347 = vector.broadcast %and3A_346 : i32 to vector<16xi32>
      %and3A_348 = arith.andi %get3A_345, %and3A_347 : vector<16xi32>
      %swap3A_349 = arith.constant 1 : i32
      %swap3A_350 = arith.index_cast %swap3A_349 : i32 to index
      %swap3A_351 = arith.constant 96 : index
      %swap3A_352 = tpu.vector_load %arg7[%swap3A_350, %swap3A_351] {strides = array<i32>} : memref<2x128xi32, #tpu.memory_space<vmem>>, vector<1x16xi32>,
      %swap3A_353 = vector.shape_cast %swap3A_352 : vector<1x16xi32> to vector<16xi32>
      %swap3A_354 = vector.shape_cast %and3A_348 : vector<16xi32> to vector<1x16xi32>
      tpu.vector_store %arg7[%swap3A_350, %swap3A_351], %swap3A_354 {strides = array<i32>} : memref<2x128xi32, #tpu.memory_space<vmem>>, vector<1x16xi32>,
      %shift_right_logical3A_355 = arith.constant 14 : i32
      %shift_right_logical3A_356 = vector.broadcast %shift_right_logical3A_355 : i32 to vector<16xi32>
      %shift_right_logical3A_357 = arith.shrui %get3A_345, %shift_right_logical3A_356 : vector<16xi32>
      %swap3A_358 = arith.constant 1 : i32
      %swap3A_359 = arith.index_cast %swap3A_358 : i32 to index
      %swap3A_360 = arith.constant 96 : index
      %swap3A_361 = tpu.vector_load %arg8[%swap3A_359, %swap3A_360] {strides = array<i32>} : memref<2x128xi32, #tpu.memory_space<vmem>>, vector<1x16xi32>,
      %swap3A_362 = vector.shape_cast %swap3A_361 : vector<1x16xi32> to vector<16xi32>
      %swap3A_363 = vector.shape_cast %shift_right_logical3A_357 : vector<16xi32> to vector<1x16xi32>
      tpu.vector_store %arg8[%swap3A_359, %swap3A_360], %swap3A_363 {strides = array<i32>} : memref<2x128xi32, #tpu.memory_space<vmem>>, vector<1x16xi32>,
      %get3A_364 = arith.index_cast %add3A_209 : i32 to index
      %get3A_365 = arith.constant 112 : index
      %get3A_366 = tpu.vector_load %arg6[%get3A_364, %get3A_365] {strides = array<i32>} : memref<80x128xi32, #tpu.memory_space<vmem>>, vector<1x16xi32>,
      %get3A_367 = vector.shape_cast %get3A_366 : vector<1x16xi32> to vector<16xi32>
      %and3A_368 = arith.constant 16383 : i32
      %and3A_369 = vector.broadcast %and3A_368 : i32 to vector<16xi32>
      %and3A_370 = arith.andi %get3A_367, %and3A_369 : vector<16xi32>
      %swap3A_371 = arith.constant 1 : i32
      %swap3A_372 = arith.index_cast %swap3A_371 : i32 to index
      %swap3A_373 = arith.constant 112 : index
      %swap3A_374 = tpu.vector_load %arg7[%swap3A_372, %swap3A_373] {strides = array<i32>} : memref<2x128xi32, #tpu.memory_space<vmem>>, vector<1x16xi32>,
      %swap3A_375 = vector.shape_cast %swap3A_374 : vector<1x16xi32> to vector<16xi32>
      %swap3A_376 = vector.shape_cast %and3A_370 : vector<16xi32> to vector<1x16xi32>
      tpu.vector_store %arg7[%swap3A_372, %swap3A_373], %swap3A_376 {strides = array<i32>} : memref<2x128xi32, #tpu.memory_space<vmem>>, vector<1x16xi32>,
      %shift_right_logical3A_377 = arith.constant 14 : i32
      %shift_right_logical3A_378 = vector.broadcast %shift_right_logical3A_377 : i32 to vector<16xi32>
      %shift_right_logical3A_379 = arith.shrui %get3A_367, %shift_right_logical3A_378 : vector<16xi32>
      %swap3A_380 = arith.constant 1 : i32
      %swap3A_381 = arith.index_cast %swap3A_380 : i32 to index
      %swap3A_382 = arith.constant 112 : index
      %swap3A_383 = tpu.vector_load %arg8[%swap3A_381, %swap3A_382] {strides = array<i32>} : memref<2x128xi32, #tpu.memory_space<vmem>>, vector<1x16xi32>,
      %swap3A_384 = vector.shape_cast %swap3A_383 : vector<1x16xi32> to vector<16xi32>
      %swap3A_385 = vector.shape_cast %shift_right_logical3A_379 : vector<16xi32> to vector<1x16xi32>
      tpu.vector_store %arg8[%swap3A_381, %swap3A_382], %swap3A_385 {strides = array<i32>} : memref<2x128xi32, #tpu.memory_space<vmem>>, vector<1x16xi32>,
      %dma_start3A_386 = arith.constant 1 : i32
      %dma_start3A_387 = arith.constant 1 : i32
      %dma_start3A_388 = arith.constant 0 : i32
      %dma_start3A_389 = arith.constant 0 : i32
      %dma_start3A_390 = tpu.memref_slice %arg9[%dma_start3A_387, %dma_start3A_388, %dma_start3A_389] : memref<2x128x128xf32, #tpu.memory_space<vmem>> -> memref<1x128x128xf32, #tpu.memory_space<vmem>>
      %dma_start3A_391 = tpu.memref_squeeze %dma_start3A_390 : memref<1x128x128xf32, #tpu.memory_space<vmem>> -> memref<128x128xf32, #tpu.memory_space<vmem>>
      %dma_start3A_392 = arith.constant 0 : i32
      %dma_start3A_393 = tpu.memref_slice %arg7[%dma_start3A_386, %dma_start3A_392] : memref<2x128xi32, #tpu.memory_space<vmem>> -> memref<1x128xi32, #tpu.memory_space<vmem>>
      %dma_start3A_394 = tpu.memref_squeeze %dma_start3A_393 : memref<1x128xi32, #tpu.memory_space<vmem>> -> memref<128xi32, #tpu.memory_space<vmem>>
      %dma_start3A_395 = arith.constant 0 : i32
      %dma_start3A_396 = arith.constant 0 : i32
      %dma_start3A_397 = tpu.memref_slice %arg2[%dma_start3A_395, %dma_start3A_396] : memref<10000x128xf32, #tpu.memory_space<hbm>> -> memref<10000x128xf32, #tpu.memory_space<hbm>>
      tpu.enqueue_indirect_dma source(%dma_start3A_397 : memref<10000x128xf32, #tpu.memory_space<hbm>>) target(%dma_start3A_391 : memref<128x128xf32, #tpu.memory_space<vmem>>) offsets(%dma_start3A_394 : memref<128xi32, #tpu.memory_space<vmem>>) semaphore(%arg12 : memref<!tpu.dma_semaphore, #tpu.memory_space<semaphore_mem>>)
      %dma_wait3A = arith.constant 0 : i32
      %dma_wait3A_398 = arith.constant 0 : i32
      %dma_wait3A_399 = arith.constant 0 : i32
      %dma_wait3A_400 = arith.constant 0 : i32
      %dma_wait3A_401 = tpu.memref_slice %arg9[%dma_wait3A_398, %dma_wait3A_399, %dma_wait3A_400] : memref<2x128x128xf32, #tpu.memory_space<vmem>> -> memref<1x128x128xf32, #tpu.memory_space<vmem>>
      %dma_wait3A_402 = tpu.memref_squeeze %dma_wait3A_401 : memref<1x128x128xf32, #tpu.memory_space<vmem>> -> memref<128x128xf32, #tpu.memory_space<vmem>>
      %dma_wait3A_403 = arith.constant 0 : i32
      %dma_wait3A_404 = tpu.memref_slice %arg7[%dma_wait3A, %dma_wait3A_403] : memref<2x128xi32, #tpu.memory_space<vmem>> -> memref<1x128xi32, #tpu.memory_space<vmem>>
      %dma_wait3A_405 = tpu.memref_squeeze %dma_wait3A_404 : memref<1x128xi32, #tpu.memory_space<vmem>> -> memref<128xi32, #tpu.memory_space<vmem>>
      %dma_wait3A_406 = arith.constant 0 : i32
      %dma_wait3A_407 = arith.constant 0 : i32
      %dma_wait3A_408 = tpu.memref_slice %arg2[%dma_wait3A_406, %dma_wait3A_407] : memref<10000x128xf32, #tpu.memory_space<hbm>> -> memref<10000x128xf32, #tpu.memory_space<hbm>>
      tpu.wait_indirect_dma semaphore(%arg11 : memref<!tpu.dma_semaphore, #tpu.memory_space<semaphore_mem>>) src(%dma_wait3A_408 : memref<10000x128xf32, #tpu.memory_space<hbm>>) dst(%dma_wait3A_402 : memref<128x128xf32, #tpu.memory_space<vmem>>)
      %run_scoped3A = arith.constant 0 : i32
      %run_scoped3A_409 = arith.constant 0 : i32
      "tpu.region"() ({
        %run_scoped3A_428 = tpu.sem_alloc : memref<!tpu.dma_semaphore, #tpu.memory_space<semaphore_mem>>
        %dma_start3A_429 = arith.constant 0 : i32
        %dma_start3A_430 = arith.constant 0 : i32
        %dma_start3A_431 = tpu.memref_slice %arg9[%run_scoped3A, %dma_start3A_429, %dma_start3A_430] : memref<2x128x128xf32, #tpu.memory_space<vmem>> -> memref<1x128x128xf32, #tpu.memory_space<vmem>>
        %dma_start3A_432 = tpu.memref_squeeze %dma_start3A_431 : memref<1x128x128xf32, #tpu.memory_space<vmem>> -> memref<128x128xf32, #tpu.memory_space<vmem>>
        %dma_start3A_433 = arith.constant 0 : i32
        %dma_start3A_434 = tpu.memref_slice %arg8[%run_scoped3A_409, %dma_start3A_433] : memref<2x128xi32, #tpu.memory_space<vmem>> -> memref<1x128xi32, #tpu.memory_space<vmem>>
        %dma_start3A_435 = tpu.memref_squeeze %dma_start3A_434 : memref<1x128xi32, #tpu.memory_space<vmem>> -> memref<128xi32, #tpu.memory_space<vmem>>
        %dma_start3A_436 = arith.constant 0 : i32
        %dma_start3A_437 = arith.constant 0 : i32
        %dma_start3A_438 = tpu.memref_slice %arg10[%dma_start3A_436, %dma_start3A_437] : memref<10240x128xf32, #tpu.memory_space<vmem_shared>> -> memref<10240x128xf32, #tpu.memory_space<vmem_shared>>
        tpu.enqueue_indirect_dma source(%dma_start3A_432 : memref<128x128xf32, #tpu.memory_space<vmem>>) target(%dma_start3A_438 : memref<10240x128xf32, #tpu.memory_space<vmem_shared>>) offsets(%dma_start3A_435 : memref<128xi32, #tpu.memory_space<vmem>>) semaphore(%run_scoped3A_428 : memref<!tpu.dma_semaphore, #tpu.memory_space<semaphore_mem>>) {add = true}
        %dma_wait3A_439 = arith.constant 0 : i32
        %dma_wait3A_440 = arith.constant 0 : i32
        %dma_wait3A_441 = tpu.memref_slice %arg9[%run_scoped3A, %dma_wait3A_439, %dma_wait3A_440] : memref<2x128x128xf32, #tpu.memory_space<vmem>> -> memref<1x128x128xf32, #tpu.memory_space<vmem>>
        %dma_wait3A_442 = tpu.memref_squeeze %dma_wait3A_441 : memref<1x128x128xf32, #tpu.memory_space<vmem>> -> memref<128x128xf32, #tpu.memory_space<vmem>>
        %dma_wait3A_443 = arith.constant 0 : i32
        %dma_wait3A_444 = tpu.memref_slice %arg8[%run_scoped3A_409, %dma_wait3A_443] : memref<2x128xi32, #tpu.memory_space<vmem>> -> memref<1x128xi32, #tpu.memory_space<vmem>>
        %dma_wait3A_445 = tpu.memref_squeeze %dma_wait3A_444 : memref<1x128xi32, #tpu.memory_space<vmem>> -> memref<128xi32, #tpu.memory_space<vmem>>
        %dma_wait3A_446 = arith.constant 0 : i32
        %dma_wait3A_447 = arith.constant 0 : i32
        %dma_wait3A_448 = tpu.memref_slice %arg10[%dma_wait3A_446, %dma_wait3A_447] : memref<10240x128xf32, #tpu.memory_space<vmem_shared>> -> memref<10240x128xf32, #tpu.memory_space<vmem_shared>>
        tpu.wait_indirect_dma semaphore(%run_scoped3A_428 : memref<!tpu.dma_semaphore, #tpu.memory_space<semaphore_mem>>) src(%dma_wait3A_442 : memref<128x128xf32, #tpu.memory_space<vmem>>) dst(%dma_wait3A_448 : memref<10240x128xf32, #tpu.memory_space<vmem_shared>>)
        tpu.yield
      }) : () -> ()
      %add3A_410 = arith.constant 2 : i32
      %add3A_411 = arith.addi %add3A_207, %add3A_410 : i32
      %lt3A = arith.constant 80 : i32
      %lt3A_412 = arith.cmpi slt, %add3A_411, %lt3A : i32
      %convert_element_type3A = arith.extui %lt3A_412 : i1 to i32
      %cond3A = arith.constant 0 : i32
      %cond3A_413 = arith.cmpi ne, %convert_element_type3A, %cond3A : i32
      scf.if %cond3A_413 {
        %add3A_428 = arith.constant 2 : i32
        %add3A_429 = arith.addi %add3A_207, %add3A_428 : i32
        %get3A_430 = arith.index_cast %add3A_429 : i32 to index
        %get3A_431 = arith.constant 0 : index
        %get3A_432 = tpu.vector_load %arg6[%get3A_430, %get3A_431] {strides = array<i32>} : memref<80x128xi32, #tpu.memory_space<vmem>>, vector<1x16xi32>,
        %get3A_433 = vector.shape_cast %get3A_432 : vector<1x16xi32> to vector<16xi32>
        %and3A_434 = arith.constant 16383 : i32
        %and3A_435 = vector.broadcast %and3A_434 : i32 to vector<16xi32>
        %and3A_436 = arith.andi %get3A_433, %and3A_435 : vector<16xi32>
        %swap3A_437 = arith.constant 0 : i32
        %swap3A_438 = arith.index_cast %swap3A_437 : i32 to index
        %swap3A_439 = arith.constant 0 : index
        %swap3A_440 = tpu.vector_load %arg7[%swap3A_438, %swap3A_439] {strides = array<i32>} : memref<2x128xi32, #tpu.memory_space<vmem>>, vector<1x16xi32>,
        %swap3A_441 = vector.shape_cast %swap3A_440 : vector<1x16xi32> to vector<16xi32>
        %swap3A_442 = vector.shape_cast %and3A_436 : vector<16xi32> to vector<1x16xi32>
        tpu.vector_store %arg7[%swap3A_438, %swap3A_439], %swap3A_442 {strides = array<i32>} : memref<2x128xi32, #tpu.memory_space<vmem>>, vector<1x16xi32>,
        %shift_right_logical3A_443 = arith.constant 14 : i32
        %shift_right_logical3A_444 = vector.broadcast %shift_right_logical3A_443 : i32 to vector<16xi32>
        %shift_right_logical3A_445 = arith.shrui %get3A_433, %shift_right_logical3A_444 : vector<16xi32>
        %swap3A_446 = arith.constant 0 : i32
        %swap3A_447 = arith.index_cast %swap3A_446 : i32 to index
        %swap3A_448 = arith.constant 0 : index
        %swap3A_449 = tpu.vector_load %arg8[%swap3A_447, %swap3A_448] {strides = array<i32>} : memref<2x128xi32, #tpu.memory_space<vmem>>, vector<1x16xi32>,
        %swap3A_450 = vector.shape_cast %swap3A_449 : vector<1x16xi32> to vector<16xi32>
        %swap3A_451 = vector.shape_cast %shift_right_logical3A_445 : vector<16xi32> to vector<1x16xi32>
        tpu.vector_store %arg8[%swap3A_447, %swap3A_448], %swap3A_451 {strides = array<i32>} : memref<2x128xi32, #tpu.memory_space<vmem>>, vector<1x16xi32>,
        %get3A_452 = arith.index_cast %add3A_429 : i32 to index
        %get3A_453 = arith.constant 16 : index
        %get3A_454 = tpu.vector_load %arg6[%get3A_452, %get3A_453] {strides = array<i32>} : memref<80x128xi32, #tpu.memory_space<vmem>>, vector<1x16xi32>,
        %get3A_455 = vector.shape_cast %get3A_454 : vector<1x16xi32> to vector<16xi32>
        %and3A_456 = arith.constant 16383 : i32
        %and3A_457 = vector.broadcast %and3A_456 : i32 to vector<16xi32>
        %and3A_458 = arith.andi %get3A_455, %and3A_457 : vector<16xi32>
        %swap3A_459 = arith.constant 0 : i32
        %swap3A_460 = arith.index_cast %swap3A_459 : i32 to index
        %swap3A_461 = arith.constant 16 : index
        %swap3A_462 = tpu.vector_load %arg7[%swap3A_460, %swap3A_461] {strides = array<i32>} : memref<2x128xi32, #tpu.memory_space<vmem>>, vector<1x16xi32>,
        %swap3A_463 = vector.shape_cast %swap3A_462 : vector<1x16xi32> to vector<16xi32>
        %swap3A_464 = vector.shape_cast %and3A_458 : vector<16xi32> to vector<1x16xi32>
        tpu.vector_store %arg7[%swap3A_460, %swap3A_461], %swap3A_464 {strides = array<i32>} : memref<2x128xi32, #tpu.memory_space<vmem>>, vector<1x16xi32>,
        %shift_right_logical3A_465 = arith.constant 14 : i32
        %shift_right_logical3A_466 = vector.broadcast %shift_right_logical3A_465 : i32 to vector<16xi32>
        %shift_right_logical3A_467 = arith.shrui %get3A_455, %shift_right_logical3A_466 : vector<16xi32>
        %swap3A_468 = arith.constant 0 : i32
        %swap3A_469 = arith.index_cast %swap3A_468 : i32 to index
        %swap3A_470 = arith.constant 16 : index
        %swap3A_471 = tpu.vector_load %arg8[%swap3A_469, %swap3A_470] {strides = array<i32>} : memref<2x128xi32, #tpu.memory_space<vmem>>, vector<1x16xi32>,
        %swap3A_472 = vector.shape_cast %swap3A_471 : vector<1x16xi32> to vector<16xi32>
        %swap3A_473 = vector.shape_cast %shift_right_logical3A_467 : vector<16xi32> to vector<1x16xi32>
        tpu.vector_store %arg8[%swap3A_469, %swap3A_470], %swap3A_473 {strides = array<i32>} : memref<2x128xi32, #tpu.memory_space<vmem>>, vector<1x16xi32>,
        %get3A_474 = arith.index_cast %add3A_429 : i32 to index
        %get3A_475 = arith.constant 32 : index
        %get3A_476 = tpu.vector_load %arg6[%get3A_474, %get3A_475] {strides = array<i32>} : memref<80x128xi32, #tpu.memory_space<vmem>>, vector<1x16xi32>,
        %get3A_477 = vector.shape_cast %get3A_476 : vector<1x16xi32> to vector<16xi32>
        %and3A_478 = arith.constant 16383 : i32
        %and3A_479 = vector.broadcast %and3A_478 : i32 to vector<16xi32>
        %and3A_480 = arith.andi %get3A_477, %and3A_479 : vector<16xi32>
        %swap3A_481 = arith.constant 0 : i32
        %swap3A_482 = arith.index_cast %swap3A_481 : i32 to index
        %swap3A_483 = arith.constant 32 : index
        %swap3A_484 = tpu.vector_load %arg7[%swap3A_482, %swap3A_483] {strides = array<i32>} : memref<2x128xi32, #tpu.memory_space<vmem>>, vector<1x16xi32>,
        %swap3A_485 = vector.shape_cast %swap3A_484 : vector<1x16xi32> to vector<16xi32>
        %swap3A_486 = vector.shape_cast %and3A_480 : vector<16xi32> to vector<1x16xi32>
        tpu.vector_store %arg7[%swap3A_482, %swap3A_483], %swap3A_486 {strides = array<i32>} : memref<2x128xi32, #tpu.memory_space<vmem>>, vector<1x16xi32>,
        %shift_right_logical3A_487 = arith.constant 14 : i32
        %shift_right_logical3A_488 = vector.broadcast %shift_right_logical3A_487 : i32 to vector<16xi32>
        %shift_right_logical3A_489 = arith.shrui %get3A_477, %shift_right_logical3A_488 : vector<16xi32>
        %swap3A_490 = arith.constant 0 : i32
        %swap3A_491 = arith.index_cast %swap3A_490 : i32 to index
        %swap3A_492 = arith.constant 32 : index
        %swap3A_493 = tpu.vector_load %arg8[%swap3A_491, %swap3A_492] {strides = array<i32>} : memref<2x128xi32, #tpu.memory_space<vmem>>, vector<1x16xi32>,
        %swap3A_494 = vector.shape_cast %swap3A_493 : vector<1x16xi32> to vector<16xi32>
        %swap3A_495 = vector.shape_cast %shift_right_logical3A_489 : vector<16xi32> to vector<1x16xi32>
        tpu.vector_store %arg8[%swap3A_491, %swap3A_492], %swap3A_495 {strides = array<i32>} : memref<2x128xi32, #tpu.memory_space<vmem>>, vector<1x16xi32>,
        %get3A_496 = arith.index_cast %add3A_429 : i32 to index
        %get3A_497 = arith.constant 48 : index
        %get3A_498 = tpu.vector_load %arg6[%get3A_496, %get3A_497] {strides = array<i32>} : memref<80x128xi32, #tpu.memory_space<vmem>>, vector<1x16xi32>,
        %get3A_499 = vector.shape_cast %get3A_498 : vector<1x16xi32> to vector<16xi32>
        %and3A_500 = arith.constant 16383 : i32
        %and3A_501 = vector.broadcast %and3A_500 : i32 to vector<16xi32>
        %and3A_502 = arith.andi %get3A_499, %and3A_501 : vector<16xi32>
        %swap3A_503 = arith.constant 0 : i32
        %swap3A_504 = arith.index_cast %swap3A_503 : i32 to index
        %swap3A_505 = arith.constant 48 : index
        %swap3A_506 = tpu.vector_load %arg7[%swap3A_504, %swap3A_505] {strides = array<i32>} : memref<2x128xi32, #tpu.memory_space<vmem>>, vector<1x16xi32>,
        %swap3A_507 = vector.shape_cast %swap3A_506 : vector<1x16xi32> to vector<16xi32>
        %swap3A_508 = vector.shape_cast %and3A_502 : vector<16xi32> to vector<1x16xi32>
        tpu.vector_store %arg7[%swap3A_504, %swap3A_505], %swap3A_508 {strides = array<i32>} : memref<2x128xi32, #tpu.memory_space<vmem>>, vector<1x16xi32>,
        %shift_right_logical3A_509 = arith.constant 14 : i32
        %shift_right_logical3A_510 = vector.broadcast %shift_right_logical3A_509 : i32 to vector<16xi32>
        %shift_right_logical3A_511 = arith.shrui %get3A_499, %shift_right_logical3A_510 : vector<16xi32>
        %swap3A_512 = arith.constant 0 : i32
        %swap3A_513 = arith.index_cast %swap3A_512 : i32 to index
        %swap3A_514 = arith.constant 48 : index
        %swap3A_515 = tpu.vector_load %arg8[%swap3A_513, %swap3A_514] {strides = array<i32>} : memref<2x128xi32, #tpu.memory_space<vmem>>, vector<1x16xi32>,
        %swap3A_516 = vector.shape_cast %swap3A_515 : vector<1x16xi32> to vector<16xi32>
        %swap3A_517 = vector.shape_cast %shift_right_logical3A_511 : vector<16xi32> to vector<1x16xi32>
        tpu.vector_store %arg8[%swap3A_513, %swap3A_514], %swap3A_517 {strides = array<i32>} : memref<2x128xi32, #tpu.memory_space<vmem>>, vector<1x16xi32>,
        %get3A_518 = arith.index_cast %add3A_429 : i32 to index
        %get3A_519 = arith.constant 64 : index
        %get3A_520 = tpu.vector_load %arg6[%get3A_518, %get3A_519] {strides = array<i32>} : memref<80x128xi32, #tpu.memory_space<vmem>>, vector<1x16xi32>,
        %get3A_521 = vector.shape_cast %get3A_520 : vector<1x16xi32> to vector<16xi32>
        %and3A_522 = arith.constant 16383 : i32
        %and3A_523 = vector.broadcast %and3A_522 : i32 to vector<16xi32>
        %and3A_524 = arith.andi %get3A_521, %and3A_523 : vector<16xi32>
        %swap3A_525 = arith.constant 0 : i32
        %swap3A_526 = arith.index_cast %swap3A_525 : i32 to index
        %swap3A_527 = arith.constant 64 : index
        %swap3A_528 = tpu.vector_load %arg7[%swap3A_526, %swap3A_527] {strides = array<i32>} : memref<2x128xi32, #tpu.memory_space<vmem>>, vector<1x16xi32>,
        %swap3A_529 = vector.shape_cast %swap3A_528 : vector<1x16xi32> to vector<16xi32>
        %swap3A_530 = vector.shape_cast %and3A_524 : vector<16xi32> to vector<1x16xi32>
        tpu.vector_store %arg7[%swap3A_526, %swap3A_527], %swap3A_530 {strides = array<i32>} : memref<2x128xi32, #tpu.memory_space<vmem>>, vector<1x16xi32>,
        %shift_right_logical3A_531 = arith.constant 14 : i32
        %shift_right_logical3A_532 = vector.broadcast %shift_right_logical3A_531 : i32 to vector<16xi32>
        %shift_right_logical3A_533 = arith.shrui %get3A_521, %shift_right_logical3A_532 : vector<16xi32>
        %swap3A_534 = arith.constant 0 : i32
        %swap3A_535 = arith.index_cast %swap3A_534 : i32 to index
        %swap3A_536 = arith.constant 64 : index
        %swap3A_537 = tpu.vector_load %arg8[%swap3A_535, %swap3A_536] {strides = array<i32>} : memref<2x128xi32, #tpu.memory_space<vmem>>, vector<1x16xi32>,
        %swap3A_538 = vector.shape_cast %swap3A_537 : vector<1x16xi32> to vector<16xi32>
        %swap3A_539 = vector.shape_cast %shift_right_logical3A_533 : vector<16xi32> to vector<1x16xi32>
        tpu.vector_store %arg8[%swap3A_535, %swap3A_536], %swap3A_539 {strides = array<i32>} : memref<2x128xi32, #tpu.memory_space<vmem>>, vector<1x16xi32>,
        %get3A_540 = arith.index_cast %add3A_429 : i32 to index
        %get3A_541 = arith.constant 80 : index
        %get3A_542 = tpu.vector_load %arg6[%get3A_540, %get3A_541] {strides = array<i32>} : memref<80x128xi32, #tpu.memory_space<vmem>>, vector<1x16xi32>,
        %get3A_543 = vector.shape_cast %get3A_542 : vector<1x16xi32> to vector<16xi32>
        %and3A_544 = arith.constant 16383 : i32
        %and3A_545 = vector.broadcast %and3A_544 : i32 to vector<16xi32>
        %and3A_546 = arith.andi %get3A_543, %and3A_545 : vector<16xi32>
        %swap3A_547 = arith.constant 0 : i32
        %swap3A_548 = arith.index_cast %swap3A_547 : i32 to index
        %swap3A_549 = arith.constant 80 : index
        %swap3A_550 = tpu.vector_load %arg7[%swap3A_548, %swap3A_549] {strides = array<i32>} : memref<2x128xi32, #tpu.memory_space<vmem>>, vector<1x16xi32>,
        %swap3A_551 = vector.shape_cast %swap3A_550 : vector<1x16xi32> to vector<16xi32>
        %swap3A_552 = vector.shape_cast %and3A_546 : vector<16xi32> to vector<1x16xi32>
        tpu.vector_store %arg7[%swap3A_548, %swap3A_549], %swap3A_552 {strides = array<i32>} : memref<2x128xi32, #tpu.memory_space<vmem>>, vector<1x16xi32>,
        %shift_right_logical3A_553 = arith.constant 14 : i32
        %shift_right_logical3A_554 = vector.broadcast %shift_right_logical3A_553 : i32 to vector<16xi32>
        %shift_right_logical3A_555 = arith.shrui %get3A_543, %shift_right_logical3A_554 : vector<16xi32>
        %swap3A_556 = arith.constant 0 : i32
        %swap3A_557 = arith.index_cast %swap3A_556 : i32 to index
        %swap3A_558 = arith.constant 80 : index
        %swap3A_559 = tpu.vector_load %arg8[%swap3A_557, %swap3A_558] {strides = array<i32>} : memref<2x128xi32, #tpu.memory_space<vmem>>, vector<1x16xi32>,
        %swap3A_560 = vector.shape_cast %swap3A_559 : vector<1x16xi32> to vector<16xi32>
        %swap3A_561 = vector.shape_cast %shift_right_logical3A_555 : vector<16xi32> to vector<1x16xi32>
        tpu.vector_store %arg8[%swap3A_557, %swap3A_558], %swap3A_561 {strides = array<i32>} : memref<2x128xi32, #tpu.memory_space<vmem>>, vector<1x16xi32>,
        %get3A_562 = arith.index_cast %add3A_429 : i32 to index
        %get3A_563 = arith.constant 96 : index
        %get3A_564 = tpu.vector_load %arg6[%get3A_562, %get3A_563] {strides = array<i32>} : memref<80x128xi32, #tpu.memory_space<vmem>>, vector<1x16xi32>,
        %get3A_565 = vector.shape_cast %get3A_564 : vector<1x16xi32> to vector<16xi32>
        %and3A_566 = arith.constant 16383 : i32
        %and3A_567 = vector.broadcast %and3A_566 : i32 to vector<16xi32>
        %and3A_568 = arith.andi %get3A_565, %and3A_567 : vector<16xi32>
        %swap3A_569 = arith.constant 0 : i32
        %swap3A_570 = arith.index_cast %swap3A_569 : i32 to index
        %swap3A_571 = arith.constant 96 : index
        %swap3A_572 = tpu.vector_load %arg7[%swap3A_570, %swap3A_571] {strides = array<i32>} : memref<2x128xi32, #tpu.memory_space<vmem>>, vector<1x16xi32>,
        %swap3A_573 = vector.shape_cast %swap3A_572 : vector<1x16xi32> to vector<16xi32>
        %swap3A_574 = vector.shape_cast %and3A_568 : vector<16xi32> to vector<1x16xi32>
        tpu.vector_store %arg7[%swap3A_570, %swap3A_571], %swap3A_574 {strides = array<i32>} : memref<2x128xi32, #tpu.memory_space<vmem>>, vector<1x16xi32>,
        %shift_right_logical3A_575 = arith.constant 14 : i32
        %shift_right_logical3A_576 = vector.broadcast %shift_right_logical3A_575 : i32 to vector<16xi32>
        %shift_right_logical3A_577 = arith.shrui %get3A_565, %shift_right_logical3A_576 : vector<16xi32>
        %swap3A_578 = arith.constant 0 : i32
        %swap3A_579 = arith.index_cast %swap3A_578 : i32 to index
        %swap3A_580 = arith.constant 96 : index
        %swap3A_581 = tpu.vector_load %arg8[%swap3A_579, %swap3A_580] {strides = array<i32>} : memref<2x128xi32, #tpu.memory_space<vmem>>, vector<1x16xi32>,
        %swap3A_582 = vector.shape_cast %swap3A_581 : vector<1x16xi32> to vector<16xi32>
        %swap3A_583 = vector.shape_cast %shift_right_logical3A_577 : vector<16xi32> to vector<1x16xi32>
        tpu.vector_store %arg8[%swap3A_579, %swap3A_580], %swap3A_583 {strides = array<i32>} : memref<2x128xi32, #tpu.memory_space<vmem>>, vector<1x16xi32>,
        %get3A_584 = arith.index_cast %add3A_429 : i32 to index
        %get3A_585 = arith.constant 112 : index
        %get3A_586 = tpu.vector_load %arg6[%get3A_584, %get3A_585] {strides = array<i32>} : memref<80x128xi32, #tpu.memory_space<vmem>>, vector<1x16xi32>,
        %get3A_587 = vector.shape_cast %get3A_586 : vector<1x16xi32> to vector<16xi32>
        %and3A_588 = arith.constant 16383 : i32
        %and3A_589 = vector.broadcast %and3A_588 : i32 to vector<16xi32>
        %and3A_590 = arith.andi %get3A_587, %and3A_589 : vector<16xi32>
        %swap3A_591 = arith.constant 0 : i32
        %swap3A_592 = arith.index_cast %swap3A_591 : i32 to index
        %swap3A_593 = arith.constant 112 : index
        %swap3A_594 = tpu.vector_load %arg7[%swap3A_592, %swap3A_593] {strides = array<i32>} : memref<2x128xi32, #tpu.memory_space<vmem>>, vector<1x16xi32>,
        %swap3A_595 = vector.shape_cast %swap3A_594 : vector<1x16xi32> to vector<16xi32>
        %swap3A_596 = vector.shape_cast %and3A_590 : vector<16xi32> to vector<1x16xi32>
        tpu.vector_store %arg7[%swap3A_592, %swap3A_593], %swap3A_596 {strides = array<i32>} : memref<2x128xi32, #tpu.memory_space<vmem>>, vector<1x16xi32>,
        %shift_right_logical3A_597 = arith.constant 14 : i32
        %shift_right_logical3A_598 = vector.broadcast %shift_right_logical3A_597 : i32 to vector<16xi32>
        %shift_right_logical3A_599 = arith.shrui %get3A_587, %shift_right_logical3A_598 : vector<16xi32>
        %swap3A_600 = arith.constant 0 : i32
        %swap3A_601 = arith.index_cast %swap3A_600 : i32 to index
        %swap3A_602 = arith.constant 112 : index
        %swap3A_603 = tpu.vector_load %arg8[%swap3A_601, %swap3A_602] {strides = array<i32>} : memref<2x128xi32, #tpu.memory_space<vmem>>, vector<1x16xi32>,
        %swap3A_604 = vector.shape_cast %swap3A_603 : vector<1x16xi32> to vector<16xi32>
        %swap3A_605 = vector.shape_cast %shift_right_logical3A_599 : vector<16xi32> to vector<1x16xi32>
        tpu.vector_store %arg8[%swap3A_601, %swap3A_602], %swap3A_605 {strides = array<i32>} : memref<2x128xi32, #tpu.memory_space<vmem>>, vector<1x16xi32>,
        %dma_start3A_606 = arith.constant 0 : i32
        %dma_start3A_607 = arith.constant 0 : i32
        %dma_start3A_608 = arith.constant 0 : i32
        %dma_start3A_609 = arith.constant 0 : i32
        %dma_start3A_610 = tpu.memref_slice %arg9[%dma_start3A_607, %dma_start3A_608, %dma_start3A_609] : memref<2x128x128xf32, #tpu.memory_space<vmem>> -> memref<1x128x128xf32, #tpu.memory_space<vmem>>
        %dma_start3A_611 = tpu.memref_squeeze %dma_start3A_610 : memref<1x128x128xf32, #tpu.memory_space<vmem>> -> memref<128x128xf32, #tpu.memory_space<vmem>>
        %dma_start3A_612 = arith.constant 0 : i32
        %dma_start3A_613 = tpu.memref_slice %arg7[%dma_start3A_606, %dma_start3A_612] : memref<2x128xi32, #tpu.memory_space<vmem>> -> memref<1x128xi32, #tpu.memory_space<vmem>>
        %dma_start3A_614 = tpu.memref_squeeze %dma_start3A_613 : memref<1x128xi32, #tpu.memory_space<vmem>> -> memref<128xi32, #tpu.memory_space<vmem>>
        %dma_start3A_615 = arith.constant 0 : i32
        %dma_start3A_616 = arith.constant 0 : i32
        %dma_start3A_617 = tpu.memref_slice %arg2[%dma_start3A_615, %dma_start3A_616] : memref<10000x128xf32, #tpu.memory_space<hbm>> -> memref<10000x128xf32, #tpu.memory_space<hbm>>
        tpu.enqueue_indirect_dma source(%dma_start3A_617 : memref<10000x128xf32, #tpu.memory_space<hbm>>) target(%dma_start3A_611 : memref<128x128xf32, #tpu.memory_space<vmem>>) offsets(%dma_start3A_614 : memref<128xi32, #tpu.memory_space<vmem>>) semaphore(%arg11 : memref<!tpu.dma_semaphore, #tpu.memory_space<semaphore_mem>>)
      } else {
      }
      %dma_wait3A_414 = arith.constant 1 : i32
      %dma_wait3A_415 = arith.constant 1 : i32
      %dma_wait3A_416 = arith.constant 0 : i32
      %dma_wait3A_417 = arith.constant 0 : i32
      %dma_wait3A_418 = tpu.memref_slice %arg9[%dma_wait3A_415, %dma_wait3A_416, %dma_wait3A_417] : memref<2x128x128xf32, #tpu.memory_space<vmem>> -> memref<1x128x128xf32, #tpu.memory_space<vmem>>
      %dma_wait3A_419 = tpu.memref_squeeze %dma_wait3A_418 : memref<1x128x128xf32, #tpu.memory_space<vmem>> -> memref<128x128xf32, #tpu.memory_space<vmem>>
      %dma_wait3A_420 = arith.constant 0 : i32
      %dma_wait3A_421 = tpu.memref_slice %arg7[%dma_wait3A_414, %dma_wait3A_420] : memref<2x128xi32, #tpu.memory_space<vmem>> -> memref<1x128xi32, #tpu.memory_space<vmem>>
      %dma_wait3A_422 = tpu.memref_squeeze %dma_wait3A_421 : memref<1x128xi32, #tpu.memory_space<vmem>> -> memref<128xi32, #tpu.memory_space<vmem>>
      %dma_wait3A_423 = arith.constant 0 : i32
      %dma_wait3A_424 = arith.constant 0 : i32
      %dma_wait3A_425 = tpu.memref_slice %arg2[%dma_wait3A_423, %dma_wait3A_424] : memref<10000x128xf32, #tpu.memory_space<hbm>> -> memref<10000x128xf32, #tpu.memory_space<hbm>>
      tpu.wait_indirect_dma semaphore(%arg12 : memref<!tpu.dma_semaphore, #tpu.memory_space<semaphore_mem>>) src(%dma_wait3A_425 : memref<10000x128xf32, #tpu.memory_space<hbm>>) dst(%dma_wait3A_419 : memref<128x128xf32, #tpu.memory_space<vmem>>)
      %run_scoped3A_426 = arith.constant 1 : i32
      %run_scoped3A_427 = arith.constant 1 : i32
      "tpu.region"() ({
        %run_scoped3A_428 = tpu.sem_alloc : memref<!tpu.dma_semaphore, #tpu.memory_space<semaphore_mem>>
        %dma_start3A_429 = arith.constant 0 : i32
        %dma_start3A_430 = arith.constant 0 : i32
        %dma_start3A_431 = tpu.memref_slice %arg9[%run_scoped3A_426, %dma_start3A_429, %dma_start3A_430] : memref<2x128x128xf32, #tpu.memory_space<vmem>> -> memref<1x128x128xf32, #tpu.memory_space<vmem>>
        %dma_start3A_432 = tpu.memref_squeeze %dma_start3A_431 : memref<1x128x128xf32, #tpu.memory_space<vmem>> -> memref<128x128xf32, #tpu.memory_space<vmem>>
        %dma_start3A_433 = arith.constant 0 : i32
        %dma_start3A_434 = tpu.memref_slice %arg8[%run_scoped3A_427, %dma_start3A_433] : memref<2x128xi32, #tpu.memory_space<vmem>> -> memref<1x128xi32, #tpu.memory_space<vmem>>
        %dma_start3A_435 = tpu.memref_squeeze %dma_start3A_434 : memref<1x128xi32, #tpu.memory_space<vmem>> -> memref<128xi32, #tpu.memory_space<vmem>>
        %dma_start3A_436 = arith.constant 0 : i32
        %dma_start3A_437 = arith.constant 0 : i32
        %dma_start3A_438 = tpu.memref_slice %arg10[%dma_start3A_436, %dma_start3A_437] : memref<10240x128xf32, #tpu.memory_space<vmem_shared>> -> memref<10240x128xf32, #tpu.memory_space<vmem_shared>>
        tpu.enqueue_indirect_dma source(%dma_start3A_432 : memref<128x128xf32, #tpu.memory_space<vmem>>) target(%dma_start3A_438 : memref<10240x128xf32, #tpu.memory_space<vmem_shared>>) offsets(%dma_start3A_435 : memref<128xi32, #tpu.memory_space<vmem>>) semaphore(%run_scoped3A_428 : memref<!tpu.dma_semaphore, #tpu.memory_space<semaphore_mem>>) {add = true}
        %dma_wait3A_439 = arith.constant 0 : i32
        %dma_wait3A_440 = arith.constant 0 : i32
        %dma_wait3A_441 = tpu.memref_slice %arg9[%run_scoped3A_426, %dma_wait3A_439, %dma_wait3A_440] : memref<2x128x128xf32, #tpu.memory_space<vmem>> -> memref<1x128x128xf32, #tpu.memory_space<vmem>>
        %dma_wait3A_442 = tpu.memref_squeeze %dma_wait3A_441 : memref<1x128x128xf32, #tpu.memory_space<vmem>> -> memref<128x128xf32, #tpu.memory_space<vmem>>
        %dma_wait3A_443 = arith.constant 0 : i32
        %dma_wait3A_444 = tpu.memref_slice %arg8[%run_scoped3A_427, %dma_wait3A_443] : memref<2x128xi32, #tpu.memory_space<vmem>> -> memref<1x128xi32, #tpu.memory_space<vmem>>
        %dma_wait3A_445 = tpu.memref_squeeze %dma_wait3A_444 : memref<1x128xi32, #tpu.memory_space<vmem>> -> memref<128xi32, #tpu.memory_space<vmem>>
        %dma_wait3A_446 = arith.constant 0 : i32
        %dma_wait3A_447 = arith.constant 0 : i32
        %dma_wait3A_448 = tpu.memref_slice %arg10[%dma_wait3A_446, %dma_wait3A_447] : memref<10240x128xf32, #tpu.memory_space<vmem_shared>> -> memref<10240x128xf32, #tpu.memory_space<vmem_shared>>
        tpu.wait_indirect_dma semaphore(%run_scoped3A_428 : memref<!tpu.dma_semaphore, #tpu.memory_space<semaphore_mem>>) src(%dma_wait3A_442 : memref<128x128xf32, #tpu.memory_space<vmem>>) dst(%dma_wait3A_448 : memref<10240x128xf32, #tpu.memory_space<vmem_shared>>)
        tpu.yield
      }) : () -> ()
    }
    %scan3A_197 = arith.constant 40 : i32
    %barrier3A_198 = arith.constant 0 : index
    tpu.barrier barrier_id(%barrier3A_198)
    %mul3A_199 = arith.constant 640 : i32
    %mul3A_200 = arith.muli %arg1, %mul3A_199 : i32
    %mul3A_201 = arith.constant 640 : i32
    %mul3A_202 = arith.muli %arg1, %mul3A_201 : i32
    "tpu.region"() ({
      %run_scoped3A = tpu.sem_alloc : memref<!tpu.dma_semaphore, #tpu.memory_space<semaphore_mem>>
      %dma_start3A_203 = arith.constant 0 : i32
      %dma_start3A_204 = tpu.memref_slice %arg5[%arg0, %mul3A_202, %dma_start3A_203] : memref<2x10240x128xf32, #tpu.memory_space<hbm>> -> memref<1x640x128xf32, #tpu.memory_space<hbm>>
      %dma_start3A_205 = tpu.memref_squeeze %dma_start3A_204 : memref<1x640x128xf32, #tpu.memory_space<hbm>> -> memref<640x128xf32, #tpu.memory_space<hbm>>
      %dma_start3A_206 = arith.constant 0 : i32
      %dma_start3A_207 = tpu.memref_slice %arg10[%mul3A_200, %dma_start3A_206] : memref<10240x128xf32, #tpu.memory_space<vmem_shared>> -> memref<640x128xf32, #tpu.memory_space<vmem_shared>>
      tpu.enqueue_dma source(%dma_start3A_207 : memref<640x128xf32, #tpu.memory_space<vmem_shared>>) target(%dma_start3A_205 : memref<640x128xf32, #tpu.memory_space<hbm>>) target_semaphore(%run_scoped3A : memref<!tpu.dma_semaphore, #tpu.memory_space<semaphore_mem>>)
      %dma_wait3A = arith.constant 0 : i32
      %dma_wait3A_208 = tpu.memref_slice %arg5[%arg0, %mul3A_202, %dma_wait3A] : memref<2x10240x128xf32, #tpu.memory_space<hbm>> -> memref<1x640x128xf32, #tpu.memory_space<hbm>>
      %dma_wait3A_209 = tpu.memref_squeeze %dma_wait3A_208 : memref<1x640x128xf32, #tpu.memory_space<hbm>> -> memref<640x128xf32, #tpu.memory_space<hbm>>
      %dma_wait3A_210 = arith.constant 0 : i32
      %dma_wait3A_211 = tpu.memref_slice %arg10[%mul3A_200, %dma_wait3A_210] : memref<10240x128xf32, #tpu.memory_space<vmem_shared>> -> memref<640x128xf32, #tpu.memory_space<vmem_shared>>
      tpu.wait_dma2 semaphore(%run_scoped3A : memref<!tpu.dma_semaphore, #tpu.memory_space<semaphore_mem>>) src(%dma_wait3A_211 : memref<640x128xf32, #tpu.memory_space<vmem_shared>>) dst(%dma_wait3A_209 : memref<640x128xf32, #tpu.memory_space<hbm>>)
      tpu.yield
    }) : () -> ()
    return
  }
}

#map = affine_map<(d0, d1) -> (0, 0, 0)>
#map1 = affine_map<(d0, d1) -> (0)>
module attributes {stable_mosaic.version = 14 : i64} {
  func.func @deg_kernel(%arg0: i32, %arg1: i32, %arg2: memref<32x80x128xi32, #tpu.memory_space<hbm>>, %arg3: memref<640xf32, #tpu.memory_space<hbm>>, %arg4: memref<20480xf32, #tpu.memory_space<hbm>>, %arg5: memref<80x128xi32, #tpu.memory_space<vmem>>, %arg6: memref<128xf32, #tpu.memory_space<vmem>>, %arg7: memref<10240xf32, #tpu.memory_space<vmem_shared>>) attributes {dimension_semantics = [#tpu.dimension_semantics<core_parallel>, #tpu.dimension_semantics<subcore_parallel>], iteration_bounds = array<i64: 2, 16>, scalar_prefetch = 0 : i64, scratch_operands = 3 : i64, tpu.core_type = #tpu.core_type<sc_vector_subcore>, window_params = [{transform_indices = #map}, {transform_indices = #map1}, {transform_indices = #map1}]} {
    %mul3A = arith.constant 2 : i32
    %mul3A_0 = arith.muli %arg1, %mul3A : i32
    %add3A = arith.addi %mul3A_0, %arg0 : i32
    %mul3A_1 = arith.constant 640 : i32
    %mul3A_2 = arith.muli %arg1, %mul3A_1 : i32
    "tpu.region"() ({
      %run_scoped3A = tpu.sem_alloc : memref<!tpu.dma_semaphore, #tpu.memory_space<semaphore_mem>>
      %dma_start3A = tpu.memref_slice %arg7[%mul3A_2] : memref<10240xf32, #tpu.memory_space<vmem_shared>> -> memref<640xf32, #tpu.memory_space<vmem_shared>>
      tpu.enqueue_dma source(%arg3 : memref<640xf32, #tpu.memory_space<hbm>>) target(%dma_start3A : memref<640xf32, #tpu.memory_space<vmem_shared>>) target_semaphore(%run_scoped3A : memref<!tpu.dma_semaphore, #tpu.memory_space<semaphore_mem>>)
      %dma_wait3A = tpu.memref_slice %arg7[%mul3A_2] : memref<10240xf32, #tpu.memory_space<vmem_shared>> -> memref<640xf32, #tpu.memory_space<vmem_shared>>
      tpu.wait_dma2 semaphore(%run_scoped3A : memref<!tpu.dma_semaphore, #tpu.memory_space<semaphore_mem>>) src(%arg3 : memref<640xf32, #tpu.memory_space<hbm>>) dst(%dma_wait3A : memref<640xf32, #tpu.memory_space<vmem_shared>>)
      tpu.yield
    }) : () -> ()
    "tpu.region"() ({
      %run_scoped3A = tpu.sem_alloc : memref<!tpu.dma_semaphore, #tpu.memory_space<semaphore_mem>>
      %dma_start3A = arith.constant 0 : i32
      %dma_start3A_61 = arith.constant 0 : i32
      %dma_start3A_62 = tpu.memref_slice %arg2[%add3A, %dma_start3A, %dma_start3A_61] : memref<32x80x128xi32, #tpu.memory_space<hbm>> -> memref<1x80x128xi32, #tpu.memory_space<hbm>>
      %dma_start3A_63 = tpu.memref_squeeze %dma_start3A_62 : memref<1x80x128xi32, #tpu.memory_space<hbm>> -> memref<80x128xi32, #tpu.memory_space<hbm>>
      %dma_start3A_64 = arith.constant 0 : i32
      %dma_start3A_65 = arith.constant 0 : i32
      %dma_start3A_66 = tpu.memref_slice %arg2[%add3A, %dma_start3A_64, %dma_start3A_65] : memref<32x80x128xi32, #tpu.memory_space<hbm>> -> memref<1x80x128xi32, #tpu.memory_space<hbm>>
      %dma_start3A_67 = tpu.memref_squeeze %dma_start3A_66 : memref<1x80x128xi32, #tpu.memory_space<hbm>> -> memref<80x128xi32, #tpu.memory_space<hbm>>
      tpu.enqueue_dma source(%dma_start3A_67 : memref<80x128xi32, #tpu.memory_space<hbm>>) target(%arg5 : memref<80x128xi32, #tpu.memory_space<vmem>>) target_semaphore(%run_scoped3A : memref<!tpu.dma_semaphore, #tpu.memory_space<semaphore_mem>>)
      %dma_wait3A = arith.constant 0 : i32
      %dma_wait3A_68 = arith.constant 0 : i32
      %dma_wait3A_69 = tpu.memref_slice %arg2[%add3A, %dma_wait3A, %dma_wait3A_68] : memref<32x80x128xi32, #tpu.memory_space<hbm>> -> memref<1x80x128xi32, #tpu.memory_space<hbm>>
      %dma_wait3A_70 = tpu.memref_squeeze %dma_wait3A_69 : memref<1x80x128xi32, #tpu.memory_space<hbm>> -> memref<80x128xi32, #tpu.memory_space<hbm>>
      %dma_wait3A_71 = arith.constant 0 : i32
      %dma_wait3A_72 = arith.constant 0 : i32
      %dma_wait3A_73 = tpu.memref_slice %arg2[%add3A, %dma_wait3A_71, %dma_wait3A_72] : memref<32x80x128xi32, #tpu.memory_space<hbm>> -> memref<1x80x128xi32, #tpu.memory_space<hbm>>
      %dma_wait3A_74 = tpu.memref_squeeze %dma_wait3A_73 : memref<1x80x128xi32, #tpu.memory_space<hbm>> -> memref<80x128xi32, #tpu.memory_space<hbm>>
      tpu.wait_dma2 semaphore(%run_scoped3A : memref<!tpu.dma_semaphore, #tpu.memory_space<semaphore_mem>>) src(%dma_wait3A_74 : memref<80x128xi32, #tpu.memory_space<hbm>>) dst(%arg5 : memref<80x128xi32, #tpu.memory_space<vmem>>)
      tpu.yield
    }) : () -> ()
    %broadcast_in_dim3A = arith.constant 1.000000e+00 : f32
    %broadcast_in_dim3A_3 = vector.broadcast %broadcast_in_dim3A : f32 to vector<16xf32>
    %swap3A = arith.constant 0 : index
    %swap3A_4 = tpu.vector_load %arg6[%swap3A] {strides = array<i32>} : memref<128xf32, #tpu.memory_space<vmem>>, vector<16xf32>,
    %swap3A_5 = vector.shape_cast %swap3A_4 : vector<16xf32> to vector<16xf32>
    %swap3A_6 = vector.shape_cast %broadcast_in_dim3A_3 : vector<16xf32> to vector<16xf32>
    tpu.vector_store %arg6[%swap3A], %swap3A_6 {strides = array<i32>} : memref<128xf32, #tpu.memory_space<vmem>>, vector<16xf32>,
    %broadcast_in_dim3A_7 = arith.constant 1.000000e+00 : f32
    %broadcast_in_dim3A_8 = vector.broadcast %broadcast_in_dim3A_7 : f32 to vector<16xf32>
    %swap3A_9 = arith.constant 16 : index
    %swap3A_10 = tpu.vector_load %arg6[%swap3A_9] {strides = array<i32>} : memref<128xf32, #tpu.memory_space<vmem>>, vector<16xf32>,
    %swap3A_11 = vector.shape_cast %swap3A_10 : vector<16xf32> to vector<16xf32>
    %swap3A_12 = vector.shape_cast %broadcast_in_dim3A_8 : vector<16xf32> to vector<16xf32>
    tpu.vector_store %arg6[%swap3A_9], %swap3A_12 {strides = array<i32>} : memref<128xf32, #tpu.memory_space<vmem>>, vector<16xf32>,
    %broadcast_in_dim3A_13 = arith.constant 1.000000e+00 : f32
    %broadcast_in_dim3A_14 = vector.broadcast %broadcast_in_dim3A_13 : f32 to vector<16xf32>
    %swap3A_15 = arith.constant 32 : index
    %swap3A_16 = tpu.vector_load %arg6[%swap3A_15] {strides = array<i32>} : memref<128xf32, #tpu.memory_space<vmem>>, vector<16xf32>,
    %swap3A_17 = vector.shape_cast %swap3A_16 : vector<16xf32> to vector<16xf32>
    %swap3A_18 = vector.shape_cast %broadcast_in_dim3A_14 : vector<16xf32> to vector<16xf32>
    tpu.vector_store %arg6[%swap3A_15], %swap3A_18 {strides = array<i32>} : memref<128xf32, #tpu.memory_space<vmem>>, vector<16xf32>,
    %broadcast_in_dim3A_19 = arith.constant 1.000000e+00 : f32
    %broadcast_in_dim3A_20 = vector.broadcast %broadcast_in_dim3A_19 : f32 to vector<16xf32>
    %swap3A_21 = arith.constant 48 : index
    %swap3A_22 = tpu.vector_load %arg6[%swap3A_21] {strides = array<i32>} : memref<128xf32, #tpu.memory_space<vmem>>, vector<16xf32>,
    %swap3A_23 = vector.shape_cast %swap3A_22 : vector<16xf32> to vector<16xf32>
    %swap3A_24 = vector.shape_cast %broadcast_in_dim3A_20 : vector<16xf32> to vector<16xf32>
    tpu.vector_store %arg6[%swap3A_21], %swap3A_24 {strides = array<i32>} : memref<128xf32, #tpu.memory_space<vmem>>, vector<16xf32>,
    %broadcast_in_dim3A_25 = arith.constant 1.000000e+00 : f32
    %broadcast_in_dim3A_26 = vector.broadcast %broadcast_in_dim3A_25 : f32 to vector<16xf32>
    %swap3A_27 = arith.constant 64 : index
    %swap3A_28 = tpu.vector_load %arg6[%swap3A_27] {strides = array<i32>} : memref<128xf32, #tpu.memory_space<vmem>>, vector<16xf32>,
    %swap3A_29 = vector.shape_cast %swap3A_28 : vector<16xf32> to vector<16xf32>
    %swap3A_30 = vector.shape_cast %broadcast_in_dim3A_26 : vector<16xf32> to vector<16xf32>
    tpu.vector_store %arg6[%swap3A_27], %swap3A_30 {strides = array<i32>} : memref<128xf32, #tpu.memory_space<vmem>>, vector<16xf32>,
    %broadcast_in_dim3A_31 = arith.constant 1.000000e+00 : f32
    %broadcast_in_dim3A_32 = vector.broadcast %broadcast_in_dim3A_31 : f32 to vector<16xf32>
    %swap3A_33 = arith.constant 80 : index
    %swap3A_34 = tpu.vector_load %arg6[%swap3A_33] {strides = array<i32>} : memref<128xf32, #tpu.memory_space<vmem>>, vector<16xf32>,
    %swap3A_35 = vector.shape_cast %swap3A_34 : vector<16xf32> to vector<16xf32>
    %swap3A_36 = vector.shape_cast %broadcast_in_dim3A_32 : vector<16xf32> to vector<16xf32>
    tpu.vector_store %arg6[%swap3A_33], %swap3A_36 {strides = array<i32>} : memref<128xf32, #tpu.memory_space<vmem>>, vector<16xf32>,
    %broadcast_in_dim3A_37 = arith.constant 1.000000e+00 : f32
    %broadcast_in_dim3A_38 = vector.broadcast %broadcast_in_dim3A_37 : f32 to vector<16xf32>
    %swap3A_39 = arith.constant 96 : index
    %swap3A_40 = tpu.vector_load %arg6[%swap3A_39] {strides = array<i32>} : memref<128xf32, #tpu.memory_space<vmem>>, vector<16xf32>,
    %swap3A_41 = vector.shape_cast %swap3A_40 : vector<16xf32> to vector<16xf32>
    %swap3A_42 = vector.shape_cast %broadcast_in_dim3A_38 : vector<16xf32> to vector<16xf32>
    tpu.vector_store %arg6[%swap3A_39], %swap3A_42 {strides = array<i32>} : memref<128xf32, #tpu.memory_space<vmem>>, vector<16xf32>,
    %broadcast_in_dim3A_43 = arith.constant 1.000000e+00 : f32
    %broadcast_in_dim3A_44 = vector.broadcast %broadcast_in_dim3A_43 : f32 to vector<16xf32>
    %swap3A_45 = arith.constant 112 : index
    %swap3A_46 = tpu.vector_load %arg6[%swap3A_45] {strides = array<i32>} : memref<128xf32, #tpu.memory_space<vmem>>, vector<16xf32>,
    %swap3A_47 = vector.shape_cast %swap3A_46 : vector<16xf32> to vector<16xf32>
    %swap3A_48 = vector.shape_cast %broadcast_in_dim3A_44 : vector<16xf32> to vector<16xf32>
    tpu.vector_store %arg6[%swap3A_45], %swap3A_48 {strides = array<i32>} : memref<128xf32, #tpu.memory_space<vmem>>, vector<16xf32>,
    %barrier3A = arith.constant 0 : index
    tpu.barrier barrier_id(%barrier3A)
    %scan3A = arith.constant 0 : i32
    %scan3A_49 = arith.constant 80 : i32
    %scan3A_50 = arith.addi %scan3A, %scan3A_49 : i32
    %scan3A_51 = arith.constant 1 : i32
    scf.for %scan3A_61 = %scan3A to %scan3A_50 step %scan3A_51  : i32 {
      %mul3A_62 = arith.constant 1 : i32
      %mul3A_63 = arith.muli %scan3A_61, %mul3A_62 : i32
      %add3A_64 = arith.constant 0 : i32
      %add3A_65 = arith.addi %add3A_64, %mul3A_63 : i32
      "tpu.region"() ({
        %run_scoped3A = tpu.sem_alloc : memref<!tpu.dma_semaphore, #tpu.memory_space<semaphore_mem>>
        %dma_start3A = arith.constant 0 : i32
        %dma_start3A_66 = tpu.memref_slice %arg5[%add3A_65, %dma_start3A] : memref<80x128xi32, #tpu.memory_space<vmem>> -> memref<1x128xi32, #tpu.memory_space<vmem>>
        %dma_start3A_67 = tpu.memref_squeeze %dma_start3A_66 : memref<1x128xi32, #tpu.memory_space<vmem>> -> memref<128xi32, #tpu.memory_space<vmem>>
        %dma_start3A_68 = arith.constant 0 : i32
        %dma_start3A_69 = tpu.memref_slice %arg7[%dma_start3A_68] : memref<10240xf32, #tpu.memory_space<vmem_shared>> -> memref<10240xf32, #tpu.memory_space<vmem_shared>>
        tpu.enqueue_indirect_dma source(%arg6 : memref<128xf32, #tpu.memory_space<vmem>>) target(%dma_start3A_69 : memref<10240xf32, #tpu.memory_space<vmem_shared>>) offsets(%dma_start3A_67 : memref<128xi32, #tpu.memory_space<vmem>>) semaphore(%run_scoped3A : memref<!tpu.dma_semaphore, #tpu.memory_space<semaphore_mem>>) {add = true}
        %dma_wait3A = arith.constant 0 : i32
        %dma_wait3A_70 = tpu.memref_slice %arg5[%add3A_65, %dma_wait3A] : memref<80x128xi32, #tpu.memory_space<vmem>> -> memref<1x128xi32, #tpu.memory_space<vmem>>
        %dma_wait3A_71 = tpu.memref_squeeze %dma_wait3A_70 : memref<1x128xi32, #tpu.memory_space<vmem>> -> memref<128xi32, #tpu.memory_space<vmem>>
        %dma_wait3A_72 = arith.constant 0 : i32
        %dma_wait3A_73 = tpu.memref_slice %arg7[%dma_wait3A_72] : memref<10240xf32, #tpu.memory_space<vmem_shared>> -> memref<10240xf32, #tpu.memory_space<vmem_shared>>
        tpu.wait_indirect_dma semaphore(%run_scoped3A : memref<!tpu.dma_semaphore, #tpu.memory_space<semaphore_mem>>) src(%arg6 : memref<128xf32, #tpu.memory_space<vmem>>) dst(%dma_wait3A_73 : memref<10240xf32, #tpu.memory_space<vmem_shared>>)
        tpu.yield
      }) : () -> ()
    }
    %scan3A_52 = arith.constant 80 : i32
    %barrier3A_53 = arith.constant 0 : index
    tpu.barrier barrier_id(%barrier3A_53)
    %mul3A_54 = arith.constant 640 : i32
    %mul3A_55 = arith.muli %arg1, %mul3A_54 : i32
    %mul3A_56 = arith.constant 10240 : i32
    %mul3A_57 = arith.muli %arg0, %mul3A_56 : i32
    %mul3A_58 = arith.constant 640 : i32
    %mul3A_59 = arith.muli %arg1, %mul3A_58 : i32
    %add3A_60 = arith.addi %mul3A_57, %mul3A_59 : i32
    "tpu.region"() ({
      %run_scoped3A = tpu.sem_alloc : memref<!tpu.dma_semaphore, #tpu.memory_space<semaphore_mem>>
      %dma_start3A = tpu.memref_slice %arg4[%add3A_60] : memref<20480xf32, #tpu.memory_space<hbm>> -> memref<640xf32, #tpu.memory_space<hbm>>
      %dma_start3A_61 = tpu.memref_slice %arg7[%mul3A_55] : memref<10240xf32, #tpu.memory_space<vmem_shared>> -> memref<640xf32, #tpu.memory_space<vmem_shared>>
      tpu.enqueue_dma source(%dma_start3A_61 : memref<640xf32, #tpu.memory_space<vmem_shared>>) target(%dma_start3A : memref<640xf32, #tpu.memory_space<hbm>>) target_semaphore(%run_scoped3A : memref<!tpu.dma_semaphore, #tpu.memory_space<semaphore_mem>>)
      %dma_wait3A = tpu.memref_slice %arg4[%add3A_60] : memref<20480xf32, #tpu.memory_space<hbm>> -> memref<640xf32, #tpu.memory_space<hbm>>
      %dma_wait3A_62 = tpu.memref_slice %arg7[%mul3A_55] : memref<10240xf32, #tpu.memory_space<vmem_shared>> -> memref<640xf32, #tpu.memory_space<vmem_shared>>
      tpu.wait_dma2 semaphore(%run_scoped3A : memref<!tpu.dma_semaphore, #tpu.memory_space<semaphore_mem>>) src(%dma_wait3A_62 : memref<640xf32, #tpu.memory_space<vmem_shared>>) dst(%dma_wait3A : memref<640xf32, #tpu.memory_space<hbm>>)
      tpu.yield
    }) : () -> ()
    return
  }
}

#map = affine_map<(d0, d1) -> (0, 0)>
#map1 = affine_map<(d0, d1) -> (0, 0, 0)>
module attributes {stable_mosaic.version = 14 : i64} {
  func.func @agg_kernel(%arg0: i32, %arg1: i32, %arg2: memref<10000x128xf32, #tpu.memory_space<hbm>>, %arg3: memref<32x80x128xi32, #tpu.memory_space<hbm>>, %arg4: memref<640x128xf32, #tpu.memory_space<hbm>>, %arg5: memref<2x10240x128xf32, #tpu.memory_space<hbm>>, %arg6: memref<80x128xi32, #tpu.memory_space<vmem>>, %arg7: memref<2x128xi32, #tpu.memory_space<vmem>>, %arg8: memref<2x128xi32, #tpu.memory_space<vmem>>, %arg9: memref<2x128x128xf32, #tpu.memory_space<vmem>>, %arg10: memref<10240x128xf32, #tpu.memory_space<vmem_shared>>, %arg11: memref<!tpu.dma_semaphore, #tpu.memory_space<semaphore_mem>>, %arg12: memref<!tpu.dma_semaphore, #tpu.memory_space<semaphore_mem>>) attributes {dimension_semantics = [#tpu.dimension_semantics<core_parallel>, #tpu.dimension_semantics<subcore_parallel>], iteration_bounds = array<i64: 2, 16>, scalar_prefetch = 0 : i64, scratch_operands = 7 : i64, tpu.core_type = #tpu.core_type<sc_vector_subcore>, window_params = [{transform_indices = #map}, {transform_indices = #map1}, {transform_indices = #map}, {transform_indices = #map1}]} {
    %mul3A = arith.constant 2 : i32
    %mul3A_0 = arith.muli %arg1, %mul3A : i32
    %add3A = arith.addi %mul3A_0, %arg0 : i32
    %mul3A_1 = arith.constant 640 : i32
    %mul3A_2 = arith.muli %arg1, %mul3A_1 : i32
    "tpu.region"() ({
      %run_scoped3A = tpu.sem_alloc : memref<!tpu.dma_semaphore, #tpu.memory_space<semaphore_mem>>
      %dma_start3A_203 = arith.constant 0 : i32
      %dma_start3A_204 = tpu.memref_slice %arg10[%mul3A_2, %dma_start3A_203] : memref<10240x128xf32, #tpu.memory_space<vmem_shared>> -> memref<640x128xf32, #tpu.memory_space<vmem_shared>>
      tpu.enqueue_dma source(%arg4 : memref<640x128xf32, #tpu.memory_space<hbm>>) target(%dma_start3A_204 : memref<640x128xf32, #tpu.memory_space<vmem_shared>>) target_semaphore(%run_scoped3A : memref<!tpu.dma_semaphore, #tpu.memory_space<semaphore_mem>>)
      %dma_wait3A = arith.constant 0 : i32
      %dma_wait3A_205 = tpu.memref_slice %arg10[%mul3A_2, %dma_wait3A] : memref<10240x128xf32, #tpu.memory_space<vmem_shared>> -> memref<640x128xf32, #tpu.memory_space<vmem_shared>>
      tpu.wait_dma2 semaphore(%run_scoped3A : memref<!tpu.dma_semaphore, #tpu.memory_space<semaphore_mem>>) src(%arg4 : memref<640x128xf32, #tpu.memory_space<hbm>>) dst(%dma_wait3A_205 : memref<640x128xf32, #tpu.memory_space<vmem_shared>>)
      tpu.yield
    }) : () -> ()
    "tpu.region"() ({
      %run_scoped3A = tpu.sem_alloc : memref<!tpu.dma_semaphore, #tpu.memory_space<semaphore_mem>>
      %dma_start3A_203 = arith.constant 0 : i32
      %dma_start3A_204 = arith.constant 0 : i32
      %dma_start3A_205 = tpu.memref_slice %arg3[%add3A, %dma_start3A_203, %dma_start3A_204] : memref<32x80x128xi32, #tpu.memory_space<hbm>> -> memref<1x80x128xi32, #tpu.memory_space<hbm>>
      %dma_start3A_206 = tpu.memref_squeeze %dma_start3A_205 : memref<1x80x128xi32, #tpu.memory_space<hbm>> -> memref<80x128xi32, #tpu.memory_space<hbm>>
      %dma_start3A_207 = arith.constant 0 : i32
      %dma_start3A_208 = arith.constant 0 : i32
      %dma_start3A_209 = tpu.memref_slice %arg3[%add3A, %dma_start3A_207, %dma_start3A_208] : memref<32x80x128xi32, #tpu.memory_space<hbm>> -> memref<1x80x128xi32, #tpu.memory_space<hbm>>
      %dma_start3A_210 = tpu.memref_squeeze %dma_start3A_209 : memref<1x80x128xi32, #tpu.memory_space<hbm>> -> memref<80x128xi32, #tpu.memory_space<hbm>>
      tpu.enqueue_dma source(%dma_start3A_210 : memref<80x128xi32, #tpu.memory_space<hbm>>) target(%arg6 : memref<80x128xi32, #tpu.memory_space<vmem>>) target_semaphore(%run_scoped3A : memref<!tpu.dma_semaphore, #tpu.memory_space<semaphore_mem>>)
      %dma_wait3A = arith.constant 0 : i32
      %dma_wait3A_211 = arith.constant 0 : i32
      %dma_wait3A_212 = tpu.memref_slice %arg3[%add3A, %dma_wait3A, %dma_wait3A_211] : memref<32x80x128xi32, #tpu.memory_space<hbm>> -> memref<1x80x128xi32, #tpu.memory_space<hbm>>
      %dma_wait3A_213 = tpu.memref_squeeze %dma_wait3A_212 : memref<1x80x128xi32, #tpu.memory_space<hbm>> -> memref<80x128xi32, #tpu.memory_space<hbm>>
      %dma_wait3A_214 = arith.constant 0 : i32
      %dma_wait3A_215 = arith.constant 0 : i32
      %dma_wait3A_216 = tpu.memref_slice %arg3[%add3A, %dma_wait3A_214, %dma_wait3A_215] : memref<32x80x128xi32, #tpu.memory_space<hbm>> -> memref<1x80x128xi32, #tpu.memory_space<hbm>>
      %dma_wait3A_217 = tpu.memref_squeeze %dma_wait3A_216 : memref<1x80x128xi32, #tpu.memory_space<hbm>> -> memref<80x128xi32, #tpu.memory_space<hbm>>
      tpu.wait_dma2 semaphore(%run_scoped3A : memref<!tpu.dma_semaphore, #tpu.memory_space<semaphore_mem>>) src(%dma_wait3A_217 : memref<80x128xi32, #tpu.memory_space<hbm>>) dst(%arg6 : memref<80x128xi32, #tpu.memory_space<vmem>>)
      tpu.yield
    }) : () -> ()
    %barrier3A = arith.constant 0 : index
    tpu.barrier barrier_id(%barrier3A)
    %get3A = arith.constant 0 : i32
    %get3A_3 = arith.index_cast %get3A : i32 to index
    %get3A_4 = arith.constant 0 : index
    %get3A_5 = tpu.vector_load %arg6[%get3A_3, %get3A_4] {strides = array<i32>} : memref<80x128xi32, #tpu.memory_space<vmem>>, vector<1x16xi32>,
    %get3A_6 = vector.shape_cast %get3A_5 : vector<1x16xi32> to vector<16xi32>
    %and3A = arith.constant 16383 : i32
    %and3A_7 = vector.broadcast %and3A : i32 to vector<16xi32>
    %and3A_8 = arith.andi %get3A_6, %and3A_7 : vector<16xi32>
    %swap3A = arith.constant 0 : i32
    %swap3A_9 = arith.index_cast %swap3A : i32 to index
    %swap3A_10 = arith.constant 0 : index
    %swap3A_11 = tpu.vector_load %arg7[%swap3A_9, %swap3A_10] {strides = array<i32>} : memref<2x128xi32, #tpu.memory_space<vmem>>, vector<1x16xi32>,
    %swap3A_12 = vector.shape_cast %swap3A_11 : vector<1x16xi32> to vector<16xi32>
    %swap3A_13 = vector.shape_cast %and3A_8 : vector<16xi32> to vector<1x16xi32>
    tpu.vector_store %arg7[%swap3A_9, %swap3A_10], %swap3A_13 {strides = array<i32>} : memref<2x128xi32, #tpu.memory_space<vmem>>, vector<1x16xi32>,
    %shift_right_logical3A = arith.constant 14 : i32
    %shift_right_logical3A_14 = vector.broadcast %shift_right_logical3A : i32 to vector<16xi32>
    %shift_right_logical3A_15 = arith.shrui %get3A_6, %shift_right_logical3A_14 : vector<16xi32>
    %swap3A_16 = arith.constant 0 : i32
    %swap3A_17 = arith.index_cast %swap3A_16 : i32 to index
    %swap3A_18 = arith.constant 0 : index
    %swap3A_19 = tpu.vector_load %arg8[%swap3A_17, %swap3A_18] {strides = array<i32>} : memref<2x128xi32, #tpu.memory_space<vmem>>, vector<1x16xi32>,
    %swap3A_20 = vector.shape_cast %swap3A_19 : vector<1x16xi32> to vector<16xi32>
    %swap3A_21 = vector.shape_cast %shift_right_logical3A_15 : vector<16xi32> to vector<1x16xi32>
    tpu.vector_store %arg8[%swap3A_17, %swap3A_18], %swap3A_21 {strides = array<i32>} : memref<2x128xi32, #tpu.memory_space<vmem>>, vector<1x16xi32>,
    %get3A_22 = arith.constant 0 : i32
    %get3A_23 = arith.index_cast %get3A_22 : i32 to index
    %get3A_24 = arith.constant 16 : index
    %get3A_25 = tpu.vector_load %arg6[%get3A_23, %get3A_24] {strides = array<i32>} : memref<80x128xi32, #tpu.memory_space<vmem>>, vector<1x16xi32>,
    %get3A_26 = vector.shape_cast %get3A_25 : vector<1x16xi32> to vector<16xi32>
    %and3A_27 = arith.constant 16383 : i32
    %and3A_28 = vector.broadcast %and3A_27 : i32 to vector<16xi32>
    %and3A_29 = arith.andi %get3A_26, %and3A_28 : vector<16xi32>
    %swap3A_30 = arith.constant 0 : i32
    %swap3A_31 = arith.index_cast %swap3A_30 : i32 to index
    %swap3A_32 = arith.constant 16 : index
    %swap3A_33 = tpu.vector_load %arg7[%swap3A_31, %swap3A_32] {strides = array<i32>} : memref<2x128xi32, #tpu.memory_space<vmem>>, vector<1x16xi32>,
    %swap3A_34 = vector.shape_cast %swap3A_33 : vector<1x16xi32> to vector<16xi32>
    %swap3A_35 = vector.shape_cast %and3A_29 : vector<16xi32> to vector<1x16xi32>
    tpu.vector_store %arg7[%swap3A_31, %swap3A_32], %swap3A_35 {strides = array<i32>} : memref<2x128xi32, #tpu.memory_space<vmem>>, vector<1x16xi32>,
    %shift_right_logical3A_36 = arith.constant 14 : i32
    %shift_right_logical3A_37 = vector.broadcast %shift_right_logical3A_36 : i32 to vector<16xi32>
    %shift_right_logical3A_38 = arith.shrui %get3A_26, %shift_right_logical3A_37 : vector<16xi32>
    %swap3A_39 = arith.constant 0 : i32
    %swap3A_40 = arith.index_cast %swap3A_39 : i32 to index
    %swap3A_41 = arith.constant 16 : index
    %swap3A_42 = tpu.vector_load %arg8[%swap3A_40, %swap3A_41] {strides = array<i32>} : memref<2x128xi32, #tpu.memory_space<vmem>>, vector<1x16xi32>,
    %swap3A_43 = vector.shape_cast %swap3A_42 : vector<1x16xi32> to vector<16xi32>
    %swap3A_44 = vector.shape_cast %shift_right_logical3A_38 : vector<16xi32> to vector<1x16xi32>
    tpu.vector_store %arg8[%swap3A_40, %swap3A_41], %swap3A_44 {strides = array<i32>} : memref<2x128xi32, #tpu.memory_space<vmem>>, vector<1x16xi32>,
    %get3A_45 = arith.constant 0 : i32
    %get3A_46 = arith.index_cast %get3A_45 : i32 to index
    %get3A_47 = arith.constant 32 : index
    %get3A_48 = tpu.vector_load %arg6[%get3A_46, %get3A_47] {strides = array<i32>} : memref<80x128xi32, #tpu.memory_space<vmem>>, vector<1x16xi32>,
    %get3A_49 = vector.shape_cast %get3A_48 : vector<1x16xi32> to vector<16xi32>
    %and3A_50 = arith.constant 16383 : i32
    %and3A_51 = vector.broadcast %and3A_50 : i32 to vector<16xi32>
    %and3A_52 = arith.andi %get3A_49, %and3A_51 : vector<16xi32>
    %swap3A_53 = arith.constant 0 : i32
    %swap3A_54 = arith.index_cast %swap3A_53 : i32 to index
    %swap3A_55 = arith.constant 32 : index
    %swap3A_56 = tpu.vector_load %arg7[%swap3A_54, %swap3A_55] {strides = array<i32>} : memref<2x128xi32, #tpu.memory_space<vmem>>, vector<1x16xi32>,
    %swap3A_57 = vector.shape_cast %swap3A_56 : vector<1x16xi32> to vector<16xi32>
    %swap3A_58 = vector.shape_cast %and3A_52 : vector<16xi32> to vector<1x16xi32>
    tpu.vector_store %arg7[%swap3A_54, %swap3A_55], %swap3A_58 {strides = array<i32>} : memref<2x128xi32, #tpu.memory_space<vmem>>, vector<1x16xi32>,
    %shift_right_logical3A_59 = arith.constant 14 : i32
    %shift_right_logical3A_60 = vector.broadcast %shift_right_logical3A_59 : i32 to vector<16xi32>
    %shift_right_logical3A_61 = arith.shrui %get3A_49, %shift_right_logical3A_60 : vector<16xi32>
    %swap3A_62 = arith.constant 0 : i32
    %swap3A_63 = arith.index_cast %swap3A_62 : i32 to index
    %swap3A_64 = arith.constant 32 : index
    %swap3A_65 = tpu.vector_load %arg8[%swap3A_63, %swap3A_64] {strides = array<i32>} : memref<2x128xi32, #tpu.memory_space<vmem>>, vector<1x16xi32>,
    %swap3A_66 = vector.shape_cast %swap3A_65 : vector<1x16xi32> to vector<16xi32>
    %swap3A_67 = vector.shape_cast %shift_right_logical3A_61 : vector<16xi32> to vector<1x16xi32>
    tpu.vector_store %arg8[%swap3A_63, %swap3A_64], %swap3A_67 {strides = array<i32>} : memref<2x128xi32, #tpu.memory_space<vmem>>, vector<1x16xi32>,
    %get3A_68 = arith.constant 0 : i32
    %get3A_69 = arith.index_cast %get3A_68 : i32 to index
    %get3A_70 = arith.constant 48 : index
    %get3A_71 = tpu.vector_load %arg6[%get3A_69, %get3A_70] {strides = array<i32>} : memref<80x128xi32, #tpu.memory_space<vmem>>, vector<1x16xi32>,
    %get3A_72 = vector.shape_cast %get3A_71 : vector<1x16xi32> to vector<16xi32>
    %and3A_73 = arith.constant 16383 : i32
    %and3A_74 = vector.broadcast %and3A_73 : i32 to vector<16xi32>
    %and3A_75 = arith.andi %get3A_72, %and3A_74 : vector<16xi32>
    %swap3A_76 = arith.constant 0 : i32
    %swap3A_77 = arith.index_cast %swap3A_76 : i32 to index
    %swap3A_78 = arith.constant 48 : index
    %swap3A_79 = tpu.vector_load %arg7[%swap3A_77, %swap3A_78] {strides = array<i32>} : memref<2x128xi32, #tpu.memory_space<vmem>>, vector<1x16xi32>,
    %swap3A_80 = vector.shape_cast %swap3A_79 : vector<1x16xi32> to vector<16xi32>
    %swap3A_81 = vector.shape_cast %and3A_75 : vector<16xi32> to vector<1x16xi32>
    tpu.vector_store %arg7[%swap3A_77, %swap3A_78], %swap3A_81 {strides = array<i32>} : memref<2x128xi32, #tpu.memory_space<vmem>>, vector<1x16xi32>,
    %shift_right_logical3A_82 = arith.constant 14 : i32
    %shift_right_logical3A_83 = vector.broadcast %shift_right_logical3A_82 : i32 to vector<16xi32>
    %shift_right_logical3A_84 = arith.shrui %get3A_72, %shift_right_logical3A_83 : vector<16xi32>
    %swap3A_85 = arith.constant 0 : i32
    %swap3A_86 = arith.index_cast %swap3A_85 : i32 to index
    %swap3A_87 = arith.constant 48 : index
    %swap3A_88 = tpu.vector_load %arg8[%swap3A_86, %swap3A_87] {strides = array<i32>} : memref<2x128xi32, #tpu.memory_space<vmem>>, vector<1x16xi32>,
    %swap3A_89 = vector.shape_cast %swap3A_88 : vector<1x16xi32> to vector<16xi32>
    %swap3A_90 = vector.shape_cast %shift_right_logical3A_84 : vector<16xi32> to vector<1x16xi32>
    tpu.vector_store %arg8[%swap3A_86, %swap3A_87], %swap3A_90 {strides = array<i32>} : memref<2x128xi32, #tpu.memory_space<vmem>>, vector<1x16xi32>,
    %get3A_91 = arith.constant 0 : i32
    %get3A_92 = arith.index_cast %get3A_91 : i32 to index
    %get3A_93 = arith.constant 64 : index
    %get3A_94 = tpu.vector_load %arg6[%get3A_92, %get3A_93] {strides = array<i32>} : memref<80x128xi32, #tpu.memory_space<vmem>>, vector<1x16xi32>,
    %get3A_95 = vector.shape_cast %get3A_94 : vector<1x16xi32> to vector<16xi32>
    %and3A_96 = arith.constant 16383 : i32
    %and3A_97 = vector.broadcast %and3A_96 : i32 to vector<16xi32>
    %and3A_98 = arith.andi %get3A_95, %and3A_97 : vector<16xi32>
    %swap3A_99 = arith.constant 0 : i32
    %swap3A_100 = arith.index_cast %swap3A_99 : i32 to index
    %swap3A_101 = arith.constant 64 : index
    %swap3A_102 = tpu.vector_load %arg7[%swap3A_100, %swap3A_101] {strides = array<i32>} : memref<2x128xi32, #tpu.memory_space<vmem>>, vector<1x16xi32>,
    %swap3A_103 = vector.shape_cast %swap3A_102 : vector<1x16xi32> to vector<16xi32>
    %swap3A_104 = vector.shape_cast %and3A_98 : vector<16xi32> to vector<1x16xi32>
    tpu.vector_store %arg7[%swap3A_100, %swap3A_101], %swap3A_104 {strides = array<i32>} : memref<2x128xi32, #tpu.memory_space<vmem>>, vector<1x16xi32>,
    %shift_right_logical3A_105 = arith.constant 14 : i32
    %shift_right_logical3A_106 = vector.broadcast %shift_right_logical3A_105 : i32 to vector<16xi32>
    %shift_right_logical3A_107 = arith.shrui %get3A_95, %shift_right_logical3A_106 : vector<16xi32>
    %swap3A_108 = arith.constant 0 : i32
    %swap3A_109 = arith.index_cast %swap3A_108 : i32 to index
    %swap3A_110 = arith.constant 64 : index
    %swap3A_111 = tpu.vector_load %arg8[%swap3A_109, %swap3A_110] {strides = array<i32>} : memref<2x128xi32, #tpu.memory_space<vmem>>, vector<1x16xi32>,
    %swap3A_112 = vector.shape_cast %swap3A_111 : vector<1x16xi32> to vector<16xi32>
    %swap3A_113 = vector.shape_cast %shift_right_logical3A_107 : vector<16xi32> to vector<1x16xi32>
    tpu.vector_store %arg8[%swap3A_109, %swap3A_110], %swap3A_113 {strides = array<i32>} : memref<2x128xi32, #tpu.memory_space<vmem>>, vector<1x16xi32>,
    %get3A_114 = arith.constant 0 : i32
    %get3A_115 = arith.index_cast %get3A_114 : i32 to index
    %get3A_116 = arith.constant 80 : index
    %get3A_117 = tpu.vector_load %arg6[%get3A_115, %get3A_116] {strides = array<i32>} : memref<80x128xi32, #tpu.memory_space<vmem>>, vector<1x16xi32>,
    %get3A_118 = vector.shape_cast %get3A_117 : vector<1x16xi32> to vector<16xi32>
    %and3A_119 = arith.constant 16383 : i32
    %and3A_120 = vector.broadcast %and3A_119 : i32 to vector<16xi32>
    %and3A_121 = arith.andi %get3A_118, %and3A_120 : vector<16xi32>
    %swap3A_122 = arith.constant 0 : i32
    %swap3A_123 = arith.index_cast %swap3A_122 : i32 to index
    %swap3A_124 = arith.constant 80 : index
    %swap3A_125 = tpu.vector_load %arg7[%swap3A_123, %swap3A_124] {strides = array<i32>} : memref<2x128xi32, #tpu.memory_space<vmem>>, vector<1x16xi32>,
    %swap3A_126 = vector.shape_cast %swap3A_125 : vector<1x16xi32> to vector<16xi32>
    %swap3A_127 = vector.shape_cast %and3A_121 : vector<16xi32> to vector<1x16xi32>
    tpu.vector_store %arg7[%swap3A_123, %swap3A_124], %swap3A_127 {strides = array<i32>} : memref<2x128xi32, #tpu.memory_space<vmem>>, vector<1x16xi32>,
    %shift_right_logical3A_128 = arith.constant 14 : i32
    %shift_right_logical3A_129 = vector.broadcast %shift_right_logical3A_128 : i32 to vector<16xi32>
    %shift_right_logical3A_130 = arith.shrui %get3A_118, %shift_right_logical3A_129 : vector<16xi32>
    %swap3A_131 = arith.constant 0 : i32
    %swap3A_132 = arith.index_cast %swap3A_131 : i32 to index
    %swap3A_133 = arith.constant 80 : index
    %swap3A_134 = tpu.vector_load %arg8[%swap3A_132, %swap3A_133] {strides = array<i32>} : memref<2x128xi32, #tpu.memory_space<vmem>>, vector<1x16xi32>,
    %swap3A_135 = vector.shape_cast %swap3A_134 : vector<1x16xi32> to vector<16xi32>
    %swap3A_136 = vector.shape_cast %shift_right_logical3A_130 : vector<16xi32> to vector<1x16xi32>
    tpu.vector_store %arg8[%swap3A_132, %swap3A_133], %swap3A_136 {strides = array<i32>} : memref<2x128xi32, #tpu.memory_space<vmem>>, vector<1x16xi32>,
    %get3A_137 = arith.constant 0 : i32
    %get3A_138 = arith.index_cast %get3A_137 : i32 to index
    %get3A_139 = arith.constant 96 : index
    %get3A_140 = tpu.vector_load %arg6[%get3A_138, %get3A_139] {strides = array<i32>} : memref<80x128xi32, #tpu.memory_space<vmem>>, vector<1x16xi32>,
    %get3A_141 = vector.shape_cast %get3A_140 : vector<1x16xi32> to vector<16xi32>
    %and3A_142 = arith.constant 16383 : i32
    %and3A_143 = vector.broadcast %and3A_142 : i32 to vector<16xi32>
    %and3A_144 = arith.andi %get3A_141, %and3A_143 : vector<16xi32>
    %swap3A_145 = arith.constant 0 : i32
    %swap3A_146 = arith.index_cast %swap3A_145 : i32 to index
    %swap3A_147 = arith.constant 96 : index
    %swap3A_148 = tpu.vector_load %arg7[%swap3A_146, %swap3A_147] {strides = array<i32>} : memref<2x128xi32, #tpu.memory_space<vmem>>, vector<1x16xi32>,
    %swap3A_149 = vector.shape_cast %swap3A_148 : vector<1x16xi32> to vector<16xi32>
    %swap3A_150 = vector.shape_cast %and3A_144 : vector<16xi32> to vector<1x16xi32>
    tpu.vector_store %arg7[%swap3A_146, %swap3A_147], %swap3A_150 {strides = array<i32>} : memref<2x128xi32, #tpu.memory_space<vmem>>, vector<1x16xi32>,
    %shift_right_logical3A_151 = arith.constant 14 : i32
    %shift_right_logical3A_152 = vector.broadcast %shift_right_logical3A_151 : i32 to vector<16xi32>
    %shift_right_logical3A_153 = arith.shrui %get3A_141, %shift_right_logical3A_152 : vector<16xi32>
    %swap3A_154 = arith.constant 0 : i32
    %swap3A_155 = arith.index_cast %swap3A_154 : i32 to index
    %swap3A_156 = arith.constant 96 : index
    %swap3A_157 = tpu.vector_load %arg8[%swap3A_155, %swap3A_156] {strides = array<i32>} : memref<2x128xi32, #tpu.memory_space<vmem>>, vector<1x16xi32>,
    %swap3A_158 = vector.shape_cast %swap3A_157 : vector<1x16xi32> to vector<16xi32>
    %swap3A_159 = vector.shape_cast %shift_right_logical3A_153 : vector<16xi32> to vector<1x16xi32>
    tpu.vector_store %arg8[%swap3A_155, %swap3A_156], %swap3A_159 {strides = array<i32>} : memref<2x128xi32, #tpu.memory_space<vmem>>, vector<1x16xi32>,
    %get3A_160 = arith.constant 0 : i32
    %get3A_161 = arith.index_cast %get3A_160 : i32 to index
    %get3A_162 = arith.constant 112 : index
    %get3A_163 = tpu.vector_load %arg6[%get3A_161, %get3A_162] {strides = array<i32>} : memref<80x128xi32, #tpu.memory_space<vmem>>, vector<1x16xi32>,
    %get3A_164 = vector.shape_cast %get3A_163 : vector<1x16xi32> to vector<16xi32>
    %and3A_165 = arith.constant 16383 : i32
    %and3A_166 = vector.broadcast %and3A_165 : i32 to vector<16xi32>
    %and3A_167 = arith.andi %get3A_164, %and3A_166 : vector<16xi32>
    %swap3A_168 = arith.constant 0 : i32
    %swap3A_169 = arith.index_cast %swap3A_168 : i32 to index
    %swap3A_170 = arith.constant 112 : index
    %swap3A_171 = tpu.vector_load %arg7[%swap3A_169, %swap3A_170] {strides = array<i32>} : memref<2x128xi32, #tpu.memory_space<vmem>>, vector<1x16xi32>,
    %swap3A_172 = vector.shape_cast %swap3A_171 : vector<1x16xi32> to vector<16xi32>
    %swap3A_173 = vector.shape_cast %and3A_167 : vector<16xi32> to vector<1x16xi32>
    tpu.vector_store %arg7[%swap3A_169, %swap3A_170], %swap3A_173 {strides = array<i32>} : memref<2x128xi32, #tpu.memory_space<vmem>>, vector<1x16xi32>,
    %shift_right_logical3A_174 = arith.constant 14 : i32
    %shift_right_logical3A_175 = vector.broadcast %shift_right_logical3A_174 : i32 to vector<16xi32>
    %shift_right_logical3A_176 = arith.shrui %get3A_164, %shift_right_logical3A_175 : vector<16xi32>
    %swap3A_177 = arith.constant 0 : i32
    %swap3A_178 = arith.index_cast %swap3A_177 : i32 to index
    %swap3A_179 = arith.constant 112 : index
    %swap3A_180 = tpu.vector_load %arg8[%swap3A_178, %swap3A_179] {strides = array<i32>} : memref<2x128xi32, #tpu.memory_space<vmem>>, vector<1x16xi32>,
    %swap3A_181 = vector.shape_cast %swap3A_180 : vector<1x16xi32> to vector<16xi32>
    %swap3A_182 = vector.shape_cast %shift_right_logical3A_176 : vector<16xi32> to vector<1x16xi32>
    tpu.vector_store %arg8[%swap3A_178, %swap3A_179], %swap3A_182 {strides = array<i32>} : memref<2x128xi32, #tpu.memory_space<vmem>>, vector<1x16xi32>,
    %dma_start3A = arith.constant 0 : i32
    %dma_start3A_183 = arith.constant 0 : i32
    %dma_start3A_184 = arith.constant 0 : i32
    %dma_start3A_185 = arith.constant 0 : i32
    %dma_start3A_186 = tpu.memref_slice %arg9[%dma_start3A_183, %dma_start3A_184, %dma_start3A_185] : memref<2x128x128xf32, #tpu.memory_space<vmem>> -> memref<1x128x128xf32, #tpu.memory_space<vmem>>
    %dma_start3A_187 = tpu.memref_squeeze %dma_start3A_186 : memref<1x128x128xf32, #tpu.memory_space<vmem>> -> memref<128x128xf32, #tpu.memory_space<vmem>>
    %dma_start3A_188 = arith.constant 0 : i32
    %dma_start3A_189 = tpu.memref_slice %arg7[%dma_start3A, %dma_start3A_188] : memref<2x128xi32, #tpu.memory_space<vmem>> -> memref<1x128xi32, #tpu.memory_space<vmem>>
    %dma_start3A_190 = tpu.memref_squeeze %dma_start3A_189 : memref<1x128xi32, #tpu.memory_space<vmem>> -> memref<128xi32, #tpu.memory_space<vmem>>
    %dma_start3A_191 = arith.constant 0 : i32
    %dma_start3A_192 = arith.constant 0 : i32
    %dma_start3A_193 = tpu.memref_slice %arg2[%dma_start3A_191, %dma_start3A_192] : memref<10000x128xf32, #tpu.memory_space<hbm>> -> memref<10000x128xf32, #tpu.memory_space<hbm>>
    tpu.enqueue_indirect_dma source(%dma_start3A_193 : memref<10000x128xf32, #tpu.memory_space<hbm>>) target(%dma_start3A_187 : memref<128x128xf32, #tpu.memory_space<vmem>>) offsets(%dma_start3A_190 : memref<128xi32, #tpu.memory_space<vmem>>) semaphore(%arg11 : memref<!tpu.dma_semaphore, #tpu.memory_space<semaphore_mem>>)
    %scan3A = arith.constant 0 : i32
    %scan3A_194 = arith.constant 40 : i32
    %scan3A_195 = arith.addi %scan3A, %scan3A_194 : i32
    %scan3A_196 = arith.constant 1 : i32
    scf.for %scan3A_203 = %scan3A to %scan3A_195 step %scan3A_196  : i32 {
      %mul3A_204 = arith.constant 2 : i32
      %mul3A_205 = arith.muli %scan3A_203, %mul3A_204 : i32
      %add3A_206 = arith.constant 0 : i32
      %add3A_207 = arith.addi %add3A_206, %mul3A_205 : i32
      %add3A_208 = arith.constant 1 : i32
      %add3A_209 = arith.addi %add3A_207, %add3A_208 : i32
      %get3A_210 = arith.index_cast %add3A_209 : i32 to index
      %get3A_211 = arith.constant 0 : index
      %get3A_212 = tpu.vector_load %arg6[%get3A_210, %get3A_211] {strides = array<i32>} : memref<80x128xi32, #tpu.memory_space<vmem>>, vector<1x16xi32>,
      %get3A_213 = vector.shape_cast %get3A_212 : vector<1x16xi32> to vector<16xi32>
      %and3A_214 = arith.constant 16383 : i32
      %and3A_215 = vector.broadcast %and3A_214 : i32 to vector<16xi32>
      %and3A_216 = arith.andi %get3A_213, %and3A_215 : vector<16xi32>
      %swap3A_217 = arith.constant 1 : i32
      %swap3A_218 = arith.index_cast %swap3A_217 : i32 to index
      %swap3A_219 = arith.constant 0 : index
      %swap3A_220 = tpu.vector_load %arg7[%swap3A_218, %swap3A_219] {strides = array<i32>} : memref<2x128xi32, #tpu.memory_space<vmem>>, vector<1x16xi32>,
      %swap3A_221 = vector.shape_cast %swap3A_220 : vector<1x16xi32> to vector<16xi32>
      %swap3A_222 = vector.shape_cast %and3A_216 : vector<16xi32> to vector<1x16xi32>
      tpu.vector_store %arg7[%swap3A_218, %swap3A_219], %swap3A_222 {strides = array<i32>} : memref<2x128xi32, #tpu.memory_space<vmem>>, vector<1x16xi32>,
      %shift_right_logical3A_223 = arith.constant 14 : i32
      %shift_right_logical3A_224 = vector.broadcast %shift_right_logical3A_223 : i32 to vector<16xi32>
      %shift_right_logical3A_225 = arith.shrui %get3A_213, %shift_right_logical3A_224 : vector<16xi32>
      %swap3A_226 = arith.constant 1 : i32
      %swap3A_227 = arith.index_cast %swap3A_226 : i32 to index
      %swap3A_228 = arith.constant 0 : index
      %swap3A_229 = tpu.vector_load %arg8[%swap3A_227, %swap3A_228] {strides = array<i32>} : memref<2x128xi32, #tpu.memory_space<vmem>>, vector<1x16xi32>,
      %swap3A_230 = vector.shape_cast %swap3A_229 : vector<1x16xi32> to vector<16xi32>
      %swap3A_231 = vector.shape_cast %shift_right_logical3A_225 : vector<16xi32> to vector<1x16xi32>
      tpu.vector_store %arg8[%swap3A_227, %swap3A_228], %swap3A_231 {strides = array<i32>} : memref<2x128xi32, #tpu.memory_space<vmem>>, vector<1x16xi32>,
      %get3A_232 = arith.index_cast %add3A_209 : i32 to index
      %get3A_233 = arith.constant 16 : index
      %get3A_234 = tpu.vector_load %arg6[%get3A_232, %get3A_233] {strides = array<i32>} : memref<80x128xi32, #tpu.memory_space<vmem>>, vector<1x16xi32>,
      %get3A_235 = vector.shape_cast %get3A_234 : vector<1x16xi32> to vector<16xi32>
      %and3A_236 = arith.constant 16383 : i32
      %and3A_237 = vector.broadcast %and3A_236 : i32 to vector<16xi32>
      %and3A_238 = arith.andi %get3A_235, %and3A_237 : vector<16xi32>
      %swap3A_239 = arith.constant 1 : i32
      %swap3A_240 = arith.index_cast %swap3A_239 : i32 to index
      %swap3A_241 = arith.constant 16 : index
      %swap3A_242 = tpu.vector_load %arg7[%swap3A_240, %swap3A_241] {strides = array<i32>} : memref<2x128xi32, #tpu.memory_space<vmem>>, vector<1x16xi32>,
      %swap3A_243 = vector.shape_cast %swap3A_242 : vector<1x16xi32> to vector<16xi32>
      %swap3A_244 = vector.shape_cast %and3A_238 : vector<16xi32> to vector<1x16xi32>
      tpu.vector_store %arg7[%swap3A_240, %swap3A_241], %swap3A_244 {strides = array<i32>} : memref<2x128xi32, #tpu.memory_space<vmem>>, vector<1x16xi32>,
      %shift_right_logical3A_245 = arith.constant 14 : i32
      %shift_right_logical3A_246 = vector.broadcast %shift_right_logical3A_245 : i32 to vector<16xi32>
      %shift_right_logical3A_247 = arith.shrui %get3A_235, %shift_right_logical3A_246 : vector<16xi32>
      %swap3A_248 = arith.constant 1 : i32
      %swap3A_249 = arith.index_cast %swap3A_248 : i32 to index
      %swap3A_250 = arith.constant 16 : index
      %swap3A_251 = tpu.vector_load %arg8[%swap3A_249, %swap3A_250] {strides = array<i32>} : memref<2x128xi32, #tpu.memory_space<vmem>>, vector<1x16xi32>,
      %swap3A_252 = vector.shape_cast %swap3A_251 : vector<1x16xi32> to vector<16xi32>
      %swap3A_253 = vector.shape_cast %shift_right_logical3A_247 : vector<16xi32> to vector<1x16xi32>
      tpu.vector_store %arg8[%swap3A_249, %swap3A_250], %swap3A_253 {strides = array<i32>} : memref<2x128xi32, #tpu.memory_space<vmem>>, vector<1x16xi32>,
      %get3A_254 = arith.index_cast %add3A_209 : i32 to index
      %get3A_255 = arith.constant 32 : index
      %get3A_256 = tpu.vector_load %arg6[%get3A_254, %get3A_255] {strides = array<i32>} : memref<80x128xi32, #tpu.memory_space<vmem>>, vector<1x16xi32>,
      %get3A_257 = vector.shape_cast %get3A_256 : vector<1x16xi32> to vector<16xi32>
      %and3A_258 = arith.constant 16383 : i32
      %and3A_259 = vector.broadcast %and3A_258 : i32 to vector<16xi32>
      %and3A_260 = arith.andi %get3A_257, %and3A_259 : vector<16xi32>
      %swap3A_261 = arith.constant 1 : i32
      %swap3A_262 = arith.index_cast %swap3A_261 : i32 to index
      %swap3A_263 = arith.constant 32 : index
      %swap3A_264 = tpu.vector_load %arg7[%swap3A_262, %swap3A_263] {strides = array<i32>} : memref<2x128xi32, #tpu.memory_space<vmem>>, vector<1x16xi32>,
      %swap3A_265 = vector.shape_cast %swap3A_264 : vector<1x16xi32> to vector<16xi32>
      %swap3A_266 = vector.shape_cast %and3A_260 : vector<16xi32> to vector<1x16xi32>
      tpu.vector_store %arg7[%swap3A_262, %swap3A_263], %swap3A_266 {strides = array<i32>} : memref<2x128xi32, #tpu.memory_space<vmem>>, vector<1x16xi32>,
      %shift_right_logical3A_267 = arith.constant 14 : i32
      %shift_right_logical3A_268 = vector.broadcast %shift_right_logical3A_267 : i32 to vector<16xi32>
      %shift_right_logical3A_269 = arith.shrui %get3A_257, %shift_right_logical3A_268 : vector<16xi32>
      %swap3A_270 = arith.constant 1 : i32
      %swap3A_271 = arith.index_cast %swap3A_270 : i32 to index
      %swap3A_272 = arith.constant 32 : index
      %swap3A_273 = tpu.vector_load %arg8[%swap3A_271, %swap3A_272] {strides = array<i32>} : memref<2x128xi32, #tpu.memory_space<vmem>>, vector<1x16xi32>,
      %swap3A_274 = vector.shape_cast %swap3A_273 : vector<1x16xi32> to vector<16xi32>
      %swap3A_275 = vector.shape_cast %shift_right_logical3A_269 : vector<16xi32> to vector<1x16xi32>
      tpu.vector_store %arg8[%swap3A_271, %swap3A_272], %swap3A_275 {strides = array<i32>} : memref<2x128xi32, #tpu.memory_space<vmem>>, vector<1x16xi32>,
      %get3A_276 = arith.index_cast %add3A_209 : i32 to index
      %get3A_277 = arith.constant 48 : index
      %get3A_278 = tpu.vector_load %arg6[%get3A_276, %get3A_277] {strides = array<i32>} : memref<80x128xi32, #tpu.memory_space<vmem>>, vector<1x16xi32>,
      %get3A_279 = vector.shape_cast %get3A_278 : vector<1x16xi32> to vector<16xi32>
      %and3A_280 = arith.constant 16383 : i32
      %and3A_281 = vector.broadcast %and3A_280 : i32 to vector<16xi32>
      %and3A_282 = arith.andi %get3A_279, %and3A_281 : vector<16xi32>
      %swap3A_283 = arith.constant 1 : i32
      %swap3A_284 = arith.index_cast %swap3A_283 : i32 to index
      %swap3A_285 = arith.constant 48 : index
      %swap3A_286 = tpu.vector_load %arg7[%swap3A_284, %swap3A_285] {strides = array<i32>} : memref<2x128xi32, #tpu.memory_space<vmem>>, vector<1x16xi32>,
      %swap3A_287 = vector.shape_cast %swap3A_286 : vector<1x16xi32> to vector<16xi32>
      %swap3A_288 = vector.shape_cast %and3A_282 : vector<16xi32> to vector<1x16xi32>
      tpu.vector_store %arg7[%swap3A_284, %swap3A_285], %swap3A_288 {strides = array<i32>} : memref<2x128xi32, #tpu.memory_space<vmem>>, vector<1x16xi32>,
      %shift_right_logical3A_289 = arith.constant 14 : i32
      %shift_right_logical3A_290 = vector.broadcast %shift_right_logical3A_289 : i32 to vector<16xi32>
      %shift_right_logical3A_291 = arith.shrui %get3A_279, %shift_right_logical3A_290 : vector<16xi32>
      %swap3A_292 = arith.constant 1 : i32
      %swap3A_293 = arith.index_cast %swap3A_292 : i32 to index
      %swap3A_294 = arith.constant 48 : index
      %swap3A_295 = tpu.vector_load %arg8[%swap3A_293, %swap3A_294] {strides = array<i32>} : memref<2x128xi32, #tpu.memory_space<vmem>>, vector<1x16xi32>,
      %swap3A_296 = vector.shape_cast %swap3A_295 : vector<1x16xi32> to vector<16xi32>
      %swap3A_297 = vector.shape_cast %shift_right_logical3A_291 : vector<16xi32> to vector<1x16xi32>
      tpu.vector_store %arg8[%swap3A_293, %swap3A_294], %swap3A_297 {strides = array<i32>} : memref<2x128xi32, #tpu.memory_space<vmem>>, vector<1x16xi32>,
      %get3A_298 = arith.index_cast %add3A_209 : i32 to index
      %get3A_299 = arith.constant 64 : index
      %get3A_300 = tpu.vector_load %arg6[%get3A_298, %get3A_299] {strides = array<i32>} : memref<80x128xi32, #tpu.memory_space<vmem>>, vector<1x16xi32>,
      %get3A_301 = vector.shape_cast %get3A_300 : vector<1x16xi32> to vector<16xi32>
      %and3A_302 = arith.constant 16383 : i32
      %and3A_303 = vector.broadcast %and3A_302 : i32 to vector<16xi32>
      %and3A_304 = arith.andi %get3A_301, %and3A_303 : vector<16xi32>
      %swap3A_305 = arith.constant 1 : i32
      %swap3A_306 = arith.index_cast %swap3A_305 : i32 to index
      %swap3A_307 = arith.constant 64 : index
      %swap3A_308 = tpu.vector_load %arg7[%swap3A_306, %swap3A_307] {strides = array<i32>} : memref<2x128xi32, #tpu.memory_space<vmem>>, vector<1x16xi32>,
      %swap3A_309 = vector.shape_cast %swap3A_308 : vector<1x16xi32> to vector<16xi32>
      %swap3A_310 = vector.shape_cast %and3A_304 : vector<16xi32> to vector<1x16xi32>
      tpu.vector_store %arg7[%swap3A_306, %swap3A_307], %swap3A_310 {strides = array<i32>} : memref<2x128xi32, #tpu.memory_space<vmem>>, vector<1x16xi32>,
      %shift_right_logical3A_311 = arith.constant 14 : i32
      %shift_right_logical3A_312 = vector.broadcast %shift_right_logical3A_311 : i32 to vector<16xi32>
      %shift_right_logical3A_313 = arith.shrui %get3A_301, %shift_right_logical3A_312 : vector<16xi32>
      %swap3A_314 = arith.constant 1 : i32
      %swap3A_315 = arith.index_cast %swap3A_314 : i32 to index
      %swap3A_316 = arith.constant 64 : index
      %swap3A_317 = tpu.vector_load %arg8[%swap3A_315, %swap3A_316] {strides = array<i32>} : memref<2x128xi32, #tpu.memory_space<vmem>>, vector<1x16xi32>,
      %swap3A_318 = vector.shape_cast %swap3A_317 : vector<1x16xi32> to vector<16xi32>
      %swap3A_319 = vector.shape_cast %shift_right_logical3A_313 : vector<16xi32> to vector<1x16xi32>
      tpu.vector_store %arg8[%swap3A_315, %swap3A_316], %swap3A_319 {strides = array<i32>} : memref<2x128xi32, #tpu.memory_space<vmem>>, vector<1x16xi32>,
      %get3A_320 = arith.index_cast %add3A_209 : i32 to index
      %get3A_321 = arith.constant 80 : index
      %get3A_322 = tpu.vector_load %arg6[%get3A_320, %get3A_321] {strides = array<i32>} : memref<80x128xi32, #tpu.memory_space<vmem>>, vector<1x16xi32>,
      %get3A_323 = vector.shape_cast %get3A_322 : vector<1x16xi32> to vector<16xi32>
      %and3A_324 = arith.constant 16383 : i32
      %and3A_325 = vector.broadcast %and3A_324 : i32 to vector<16xi32>
      %and3A_326 = arith.andi %get3A_323, %and3A_325 : vector<16xi32>
      %swap3A_327 = arith.constant 1 : i32
      %swap3A_328 = arith.index_cast %swap3A_327 : i32 to index
      %swap3A_329 = arith.constant 80 : index
      %swap3A_330 = tpu.vector_load %arg7[%swap3A_328, %swap3A_329] {strides = array<i32>} : memref<2x128xi32, #tpu.memory_space<vmem>>, vector<1x16xi32>,
      %swap3A_331 = vector.shape_cast %swap3A_330 : vector<1x16xi32> to vector<16xi32>
      %swap3A_332 = vector.shape_cast %and3A_326 : vector<16xi32> to vector<1x16xi32>
      tpu.vector_store %arg7[%swap3A_328, %swap3A_329], %swap3A_332 {strides = array<i32>} : memref<2x128xi32, #tpu.memory_space<vmem>>, vector<1x16xi32>,
      %shift_right_logical3A_333 = arith.constant 14 : i32
      %shift_right_logical3A_334 = vector.broadcast %shift_right_logical3A_333 : i32 to vector<16xi32>
      %shift_right_logical3A_335 = arith.shrui %get3A_323, %shift_right_logical3A_334 : vector<16xi32>
      %swap3A_336 = arith.constant 1 : i32
      %swap3A_337 = arith.index_cast %swap3A_336 : i32 to index
      %swap3A_338 = arith.constant 80 : index
      %swap3A_339 = tpu.vector_load %arg8[%swap3A_337, %swap3A_338] {strides = array<i32>} : memref<2x128xi32, #tpu.memory_space<vmem>>, vector<1x16xi32>,
      %swap3A_340 = vector.shape_cast %swap3A_339 : vector<1x16xi32> to vector<16xi32>
      %swap3A_341 = vector.shape_cast %shift_right_logical3A_335 : vector<16xi32> to vector<1x16xi32>
      tpu.vector_store %arg8[%swap3A_337, %swap3A_338], %swap3A_341 {strides = array<i32>} : memref<2x128xi32, #tpu.memory_space<vmem>>, vector<1x16xi32>,
      %get3A_342 = arith.index_cast %add3A_209 : i32 to index
      %get3A_343 = arith.constant 96 : index
      %get3A_344 = tpu.vector_load %arg6[%get3A_342, %get3A_343] {strides = array<i32>} : memref<80x128xi32, #tpu.memory_space<vmem>>, vector<1x16xi32>,
      %get3A_345 = vector.shape_cast %get3A_344 : vector<1x16xi32> to vector<16xi32>
      %and3A_346 = arith.constant 16383 : i32
      %and3A_347 = vector.broadcast %and3A_346 : i32 to vector<16xi32>
      %and3A_348 = arith.andi %get3A_345, %and3A_347 : vector<16xi32>
      %swap3A_349 = arith.constant 1 : i32
      %swap3A_350 = arith.index_cast %swap3A_349 : i32 to index
      %swap3A_351 = arith.constant 96 : index
      %swap3A_352 = tpu.vector_load %arg7[%swap3A_350, %swap3A_351] {strides = array<i32>} : memref<2x128xi32, #tpu.memory_space<vmem>>, vector<1x16xi32>,
      %swap3A_353 = vector.shape_cast %swap3A_352 : vector<1x16xi32> to vector<16xi32>
      %swap3A_354 = vector.shape_cast %and3A_348 : vector<16xi32> to vector<1x16xi32>
      tpu.vector_store %arg7[%swap3A_350, %swap3A_351], %swap3A_354 {strides = array<i32>} : memref<2x128xi32, #tpu.memory_space<vmem>>, vector<1x16xi32>,
      %shift_right_logical3A_355 = arith.constant 14 : i32
      %shift_right_logical3A_356 = vector.broadcast %shift_right_logical3A_355 : i32 to vector<16xi32>
      %shift_right_logical3A_357 = arith.shrui %get3A_345, %shift_right_logical3A_356 : vector<16xi32>
      %swap3A_358 = arith.constant 1 : i32
      %swap3A_359 = arith.index_cast %swap3A_358 : i32 to index
      %swap3A_360 = arith.constant 96 : index
      %swap3A_361 = tpu.vector_load %arg8[%swap3A_359, %swap3A_360] {strides = array<i32>} : memref<2x128xi32, #tpu.memory_space<vmem>>, vector<1x16xi32>,
      %swap3A_362 = vector.shape_cast %swap3A_361 : vector<1x16xi32> to vector<16xi32>
      %swap3A_363 = vector.shape_cast %shift_right_logical3A_357 : vector<16xi32> to vector<1x16xi32>
      tpu.vector_store %arg8[%swap3A_359, %swap3A_360], %swap3A_363 {strides = array<i32>} : memref<2x128xi32, #tpu.memory_space<vmem>>, vector<1x16xi32>,
      %get3A_364 = arith.index_cast %add3A_209 : i32 to index
      %get3A_365 = arith.constant 112 : index
      %get3A_366 = tpu.vector_load %arg6[%get3A_364, %get3A_365] {strides = array<i32>} : memref<80x128xi32, #tpu.memory_space<vmem>>, vector<1x16xi32>,
      %get3A_367 = vector.shape_cast %get3A_366 : vector<1x16xi32> to vector<16xi32>
      %and3A_368 = arith.constant 16383 : i32
      %and3A_369 = vector.broadcast %and3A_368 : i32 to vector<16xi32>
      %and3A_370 = arith.andi %get3A_367, %and3A_369 : vector<16xi32>
      %swap3A_371 = arith.constant 1 : i32
      %swap3A_372 = arith.index_cast %swap3A_371 : i32 to index
      %swap3A_373 = arith.constant 112 : index
      %swap3A_374 = tpu.vector_load %arg7[%swap3A_372, %swap3A_373] {strides = array<i32>} : memref<2x128xi32, #tpu.memory_space<vmem>>, vector<1x16xi32>,
      %swap3A_375 = vector.shape_cast %swap3A_374 : vector<1x16xi32> to vector<16xi32>
      %swap3A_376 = vector.shape_cast %and3A_370 : vector<16xi32> to vector<1x16xi32>
      tpu.vector_store %arg7[%swap3A_372, %swap3A_373], %swap3A_376 {strides = array<i32>} : memref<2x128xi32, #tpu.memory_space<vmem>>, vector<1x16xi32>,
      %shift_right_logical3A_377 = arith.constant 14 : i32
      %shift_right_logical3A_378 = vector.broadcast %shift_right_logical3A_377 : i32 to vector<16xi32>
      %shift_right_logical3A_379 = arith.shrui %get3A_367, %shift_right_logical3A_378 : vector<16xi32>
      %swap3A_380 = arith.constant 1 : i32
      %swap3A_381 = arith.index_cast %swap3A_380 : i32 to index
      %swap3A_382 = arith.constant 112 : index
      %swap3A_383 = tpu.vector_load %arg8[%swap3A_381, %swap3A_382] {strides = array<i32>} : memref<2x128xi32, #tpu.memory_space<vmem>>, vector<1x16xi32>,
      %swap3A_384 = vector.shape_cast %swap3A_383 : vector<1x16xi32> to vector<16xi32>
      %swap3A_385 = vector.shape_cast %shift_right_logical3A_379 : vector<16xi32> to vector<1x16xi32>
      tpu.vector_store %arg8[%swap3A_381, %swap3A_382], %swap3A_385 {strides = array<i32>} : memref<2x128xi32, #tpu.memory_space<vmem>>, vector<1x16xi32>,
      %dma_start3A_386 = arith.constant 1 : i32
      %dma_start3A_387 = arith.constant 1 : i32
      %dma_start3A_388 = arith.constant 0 : i32
      %dma_start3A_389 = arith.constant 0 : i32
      %dma_start3A_390 = tpu.memref_slice %arg9[%dma_start3A_387, %dma_start3A_388, %dma_start3A_389] : memref<2x128x128xf32, #tpu.memory_space<vmem>> -> memref<1x128x128xf32, #tpu.memory_space<vmem>>
      %dma_start3A_391 = tpu.memref_squeeze %dma_start3A_390 : memref<1x128x128xf32, #tpu.memory_space<vmem>> -> memref<128x128xf32, #tpu.memory_space<vmem>>
      %dma_start3A_392 = arith.constant 0 : i32
      %dma_start3A_393 = tpu.memref_slice %arg7[%dma_start3A_386, %dma_start3A_392] : memref<2x128xi32, #tpu.memory_space<vmem>> -> memref<1x128xi32, #tpu.memory_space<vmem>>
      %dma_start3A_394 = tpu.memref_squeeze %dma_start3A_393 : memref<1x128xi32, #tpu.memory_space<vmem>> -> memref<128xi32, #tpu.memory_space<vmem>>
      %dma_start3A_395 = arith.constant 0 : i32
      %dma_start3A_396 = arith.constant 0 : i32
      %dma_start3A_397 = tpu.memref_slice %arg2[%dma_start3A_395, %dma_start3A_396] : memref<10000x128xf32, #tpu.memory_space<hbm>> -> memref<10000x128xf32, #tpu.memory_space<hbm>>
      tpu.enqueue_indirect_dma source(%dma_start3A_397 : memref<10000x128xf32, #tpu.memory_space<hbm>>) target(%dma_start3A_391 : memref<128x128xf32, #tpu.memory_space<vmem>>) offsets(%dma_start3A_394 : memref<128xi32, #tpu.memory_space<vmem>>) semaphore(%arg12 : memref<!tpu.dma_semaphore, #tpu.memory_space<semaphore_mem>>)
      %dma_wait3A = arith.constant 0 : i32
      %dma_wait3A_398 = arith.constant 0 : i32
      %dma_wait3A_399 = arith.constant 0 : i32
      %dma_wait3A_400 = arith.constant 0 : i32
      %dma_wait3A_401 = tpu.memref_slice %arg9[%dma_wait3A_398, %dma_wait3A_399, %dma_wait3A_400] : memref<2x128x128xf32, #tpu.memory_space<vmem>> -> memref<1x128x128xf32, #tpu.memory_space<vmem>>
      %dma_wait3A_402 = tpu.memref_squeeze %dma_wait3A_401 : memref<1x128x128xf32, #tpu.memory_space<vmem>> -> memref<128x128xf32, #tpu.memory_space<vmem>>
      %dma_wait3A_403 = arith.constant 0 : i32
      %dma_wait3A_404 = tpu.memref_slice %arg7[%dma_wait3A, %dma_wait3A_403] : memref<2x128xi32, #tpu.memory_space<vmem>> -> memref<1x128xi32, #tpu.memory_space<vmem>>
      %dma_wait3A_405 = tpu.memref_squeeze %dma_wait3A_404 : memref<1x128xi32, #tpu.memory_space<vmem>> -> memref<128xi32, #tpu.memory_space<vmem>>
      %dma_wait3A_406 = arith.constant 0 : i32
      %dma_wait3A_407 = arith.constant 0 : i32
      %dma_wait3A_408 = tpu.memref_slice %arg2[%dma_wait3A_406, %dma_wait3A_407] : memref<10000x128xf32, #tpu.memory_space<hbm>> -> memref<10000x128xf32, #tpu.memory_space<hbm>>
      tpu.wait_indirect_dma semaphore(%arg11 : memref<!tpu.dma_semaphore, #tpu.memory_space<semaphore_mem>>) src(%dma_wait3A_408 : memref<10000x128xf32, #tpu.memory_space<hbm>>) dst(%dma_wait3A_402 : memref<128x128xf32, #tpu.memory_space<vmem>>)
      %run_scoped3A = arith.constant 0 : i32
      %run_scoped3A_409 = arith.constant 0 : i32
      "tpu.region"() ({
        %run_scoped3A_428 = tpu.sem_alloc : memref<!tpu.dma_semaphore, #tpu.memory_space<semaphore_mem>>
        %dma_start3A_429 = arith.constant 0 : i32
        %dma_start3A_430 = arith.constant 0 : i32
        %dma_start3A_431 = tpu.memref_slice %arg9[%run_scoped3A, %dma_start3A_429, %dma_start3A_430] : memref<2x128x128xf32, #tpu.memory_space<vmem>> -> memref<1x128x128xf32, #tpu.memory_space<vmem>>
        %dma_start3A_432 = tpu.memref_squeeze %dma_start3A_431 : memref<1x128x128xf32, #tpu.memory_space<vmem>> -> memref<128x128xf32, #tpu.memory_space<vmem>>
        %dma_start3A_433 = arith.constant 0 : i32
        %dma_start3A_434 = tpu.memref_slice %arg8[%run_scoped3A_409, %dma_start3A_433] : memref<2x128xi32, #tpu.memory_space<vmem>> -> memref<1x128xi32, #tpu.memory_space<vmem>>
        %dma_start3A_435 = tpu.memref_squeeze %dma_start3A_434 : memref<1x128xi32, #tpu.memory_space<vmem>> -> memref<128xi32, #tpu.memory_space<vmem>>
        %dma_start3A_436 = arith.constant 0 : i32
        %dma_start3A_437 = arith.constant 0 : i32
        %dma_start3A_438 = tpu.memref_slice %arg10[%dma_start3A_436, %dma_start3A_437] : memref<10240x128xf32, #tpu.memory_space<vmem_shared>> -> memref<10240x128xf32, #tpu.memory_space<vmem_shared>>
        tpu.enqueue_indirect_dma source(%dma_start3A_432 : memref<128x128xf32, #tpu.memory_space<vmem>>) target(%dma_start3A_438 : memref<10240x128xf32, #tpu.memory_space<vmem_shared>>) offsets(%dma_start3A_435 : memref<128xi32, #tpu.memory_space<vmem>>) semaphore(%run_scoped3A_428 : memref<!tpu.dma_semaphore, #tpu.memory_space<semaphore_mem>>) {add = true}
        %dma_wait3A_439 = arith.constant 0 : i32
        %dma_wait3A_440 = arith.constant 0 : i32
        %dma_wait3A_441 = tpu.memref_slice %arg9[%run_scoped3A, %dma_wait3A_439, %dma_wait3A_440] : memref<2x128x128xf32, #tpu.memory_space<vmem>> -> memref<1x128x128xf32, #tpu.memory_space<vmem>>
        %dma_wait3A_442 = tpu.memref_squeeze %dma_wait3A_441 : memref<1x128x128xf32, #tpu.memory_space<vmem>> -> memref<128x128xf32, #tpu.memory_space<vmem>>
        %dma_wait3A_443 = arith.constant 0 : i32
        %dma_wait3A_444 = tpu.memref_slice %arg8[%run_scoped3A_409, %dma_wait3A_443] : memref<2x128xi32, #tpu.memory_space<vmem>> -> memref<1x128xi32, #tpu.memory_space<vmem>>
        %dma_wait3A_445 = tpu.memref_squeeze %dma_wait3A_444 : memref<1x128xi32, #tpu.memory_space<vmem>> -> memref<128xi32, #tpu.memory_space<vmem>>
        %dma_wait3A_446 = arith.constant 0 : i32
        %dma_wait3A_447 = arith.constant 0 : i32
        %dma_wait3A_448 = tpu.memref_slice %arg10[%dma_wait3A_446, %dma_wait3A_447] : memref<10240x128xf32, #tpu.memory_space<vmem_shared>> -> memref<10240x128xf32, #tpu.memory_space<vmem_shared>>
        tpu.wait_indirect_dma semaphore(%run_scoped3A_428 : memref<!tpu.dma_semaphore, #tpu.memory_space<semaphore_mem>>) src(%dma_wait3A_442 : memref<128x128xf32, #tpu.memory_space<vmem>>) dst(%dma_wait3A_448 : memref<10240x128xf32, #tpu.memory_space<vmem_shared>>)
        tpu.yield
      }) : () -> ()
      %add3A_410 = arith.constant 2 : i32
      %add3A_411 = arith.addi %add3A_207, %add3A_410 : i32
      %lt3A = arith.constant 80 : i32
      %lt3A_412 = arith.cmpi slt, %add3A_411, %lt3A : i32
      %convert_element_type3A = arith.extui %lt3A_412 : i1 to i32
      %cond3A = arith.constant 0 : i32
      %cond3A_413 = arith.cmpi ne, %convert_element_type3A, %cond3A : i32
      scf.if %cond3A_413 {
        %add3A_428 = arith.constant 2 : i32
        %add3A_429 = arith.addi %add3A_207, %add3A_428 : i32
        %get3A_430 = arith.index_cast %add3A_429 : i32 to index
        %get3A_431 = arith.constant 0 : index
        %get3A_432 = tpu.vector_load %arg6[%get3A_430, %get3A_431] {strides = array<i32>} : memref<80x128xi32, #tpu.memory_space<vmem>>, vector<1x16xi32>,
        %get3A_433 = vector.shape_cast %get3A_432 : vector<1x16xi32> to vector<16xi32>
        %and3A_434 = arith.constant 16383 : i32
        %and3A_435 = vector.broadcast %and3A_434 : i32 to vector<16xi32>
        %and3A_436 = arith.andi %get3A_433, %and3A_435 : vector<16xi32>
        %swap3A_437 = arith.constant 0 : i32
        %swap3A_438 = arith.index_cast %swap3A_437 : i32 to index
        %swap3A_439 = arith.constant 0 : index
        %swap3A_440 = tpu.vector_load %arg7[%swap3A_438, %swap3A_439] {strides = array<i32>} : memref<2x128xi32, #tpu.memory_space<vmem>>, vector<1x16xi32>,
        %swap3A_441 = vector.shape_cast %swap3A_440 : vector<1x16xi32> to vector<16xi32>
        %swap3A_442 = vector.shape_cast %and3A_436 : vector<16xi32> to vector<1x16xi32>
        tpu.vector_store %arg7[%swap3A_438, %swap3A_439], %swap3A_442 {strides = array<i32>} : memref<2x128xi32, #tpu.memory_space<vmem>>, vector<1x16xi32>,
        %shift_right_logical3A_443 = arith.constant 14 : i32
        %shift_right_logical3A_444 = vector.broadcast %shift_right_logical3A_443 : i32 to vector<16xi32>
        %shift_right_logical3A_445 = arith.shrui %get3A_433, %shift_right_logical3A_444 : vector<16xi32>
        %swap3A_446 = arith.constant 0 : i32
        %swap3A_447 = arith.index_cast %swap3A_446 : i32 to index
        %swap3A_448 = arith.constant 0 : index
        %swap3A_449 = tpu.vector_load %arg8[%swap3A_447, %swap3A_448] {strides = array<i32>} : memref<2x128xi32, #tpu.memory_space<vmem>>, vector<1x16xi32>,
        %swap3A_450 = vector.shape_cast %swap3A_449 : vector<1x16xi32> to vector<16xi32>
        %swap3A_451 = vector.shape_cast %shift_right_logical3A_445 : vector<16xi32> to vector<1x16xi32>
        tpu.vector_store %arg8[%swap3A_447, %swap3A_448], %swap3A_451 {strides = array<i32>} : memref<2x128xi32, #tpu.memory_space<vmem>>, vector<1x16xi32>,
        %get3A_452 = arith.index_cast %add3A_429 : i32 to index
        %get3A_453 = arith.constant 16 : index
        %get3A_454 = tpu.vector_load %arg6[%get3A_452, %get3A_453] {strides = array<i32>} : memref<80x128xi32, #tpu.memory_space<vmem>>, vector<1x16xi32>,
        %get3A_455 = vector.shape_cast %get3A_454 : vector<1x16xi32> to vector<16xi32>
        %and3A_456 = arith.constant 16383 : i32
        %and3A_457 = vector.broadcast %and3A_456 : i32 to vector<16xi32>
        %and3A_458 = arith.andi %get3A_455, %and3A_457 : vector<16xi32>
        %swap3A_459 = arith.constant 0 : i32
        %swap3A_460 = arith.index_cast %swap3A_459 : i32 to index
        %swap3A_461 = arith.constant 16 : index
        %swap3A_462 = tpu.vector_load %arg7[%swap3A_460, %swap3A_461] {strides = array<i32>} : memref<2x128xi32, #tpu.memory_space<vmem>>, vector<1x16xi32>,
        %swap3A_463 = vector.shape_cast %swap3A_462 : vector<1x16xi32> to vector<16xi32>
        %swap3A_464 = vector.shape_cast %and3A_458 : vector<16xi32> to vector<1x16xi32>
        tpu.vector_store %arg7[%swap3A_460, %swap3A_461], %swap3A_464 {strides = array<i32>} : memref<2x128xi32, #tpu.memory_space<vmem>>, vector<1x16xi32>,
        %shift_right_logical3A_465 = arith.constant 14 : i32
        %shift_right_logical3A_466 = vector.broadcast %shift_right_logical3A_465 : i32 to vector<16xi32>
        %shift_right_logical3A_467 = arith.shrui %get3A_455, %shift_right_logical3A_466 : vector<16xi32>
        %swap3A_468 = arith.constant 0 : i32
        %swap3A_469 = arith.index_cast %swap3A_468 : i32 to index
        %swap3A_470 = arith.constant 16 : index
        %swap3A_471 = tpu.vector_load %arg8[%swap3A_469, %swap3A_470] {strides = array<i32>} : memref<2x128xi32, #tpu.memory_space<vmem>>, vector<1x16xi32>,
        %swap3A_472 = vector.shape_cast %swap3A_471 : vector<1x16xi32> to vector<16xi32>
        %swap3A_473 = vector.shape_cast %shift_right_logical3A_467 : vector<16xi32> to vector<1x16xi32>
        tpu.vector_store %arg8[%swap3A_469, %swap3A_470], %swap3A_473 {strides = array<i32>} : memref<2x128xi32, #tpu.memory_space<vmem>>, vector<1x16xi32>,
        %get3A_474 = arith.index_cast %add3A_429 : i32 to index
        %get3A_475 = arith.constant 32 : index
        %get3A_476 = tpu.vector_load %arg6[%get3A_474, %get3A_475] {strides = array<i32>} : memref<80x128xi32, #tpu.memory_space<vmem>>, vector<1x16xi32>,
        %get3A_477 = vector.shape_cast %get3A_476 : vector<1x16xi32> to vector<16xi32>
        %and3A_478 = arith.constant 16383 : i32
        %and3A_479 = vector.broadcast %and3A_478 : i32 to vector<16xi32>
        %and3A_480 = arith.andi %get3A_477, %and3A_479 : vector<16xi32>
        %swap3A_481 = arith.constant 0 : i32
        %swap3A_482 = arith.index_cast %swap3A_481 : i32 to index
        %swap3A_483 = arith.constant 32 : index
        %swap3A_484 = tpu.vector_load %arg7[%swap3A_482, %swap3A_483] {strides = array<i32>} : memref<2x128xi32, #tpu.memory_space<vmem>>, vector<1x16xi32>,
        %swap3A_485 = vector.shape_cast %swap3A_484 : vector<1x16xi32> to vector<16xi32>
        %swap3A_486 = vector.shape_cast %and3A_480 : vector<16xi32> to vector<1x16xi32>
        tpu.vector_store %arg7[%swap3A_482, %swap3A_483], %swap3A_486 {strides = array<i32>} : memref<2x128xi32, #tpu.memory_space<vmem>>, vector<1x16xi32>,
        %shift_right_logical3A_487 = arith.constant 14 : i32
        %shift_right_logical3A_488 = vector.broadcast %shift_right_logical3A_487 : i32 to vector<16xi32>
        %shift_right_logical3A_489 = arith.shrui %get3A_477, %shift_right_logical3A_488 : vector<16xi32>
        %swap3A_490 = arith.constant 0 : i32
        %swap3A_491 = arith.index_cast %swap3A_490 : i32 to index
        %swap3A_492 = arith.constant 32 : index
        %swap3A_493 = tpu.vector_load %arg8[%swap3A_491, %swap3A_492] {strides = array<i32>} : memref<2x128xi32, #tpu.memory_space<vmem>>, vector<1x16xi32>,
        %swap3A_494 = vector.shape_cast %swap3A_493 : vector<1x16xi32> to vector<16xi32>
        %swap3A_495 = vector.shape_cast %shift_right_logical3A_489 : vector<16xi32> to vector<1x16xi32>
        tpu.vector_store %arg8[%swap3A_491, %swap3A_492], %swap3A_495 {strides = array<i32>} : memref<2x128xi32, #tpu.memory_space<vmem>>, vector<1x16xi32>,
        %get3A_496 = arith.index_cast %add3A_429 : i32 to index
        %get3A_497 = arith.constant 48 : index
        %get3A_498 = tpu.vector_load %arg6[%get3A_496, %get3A_497] {strides = array<i32>} : memref<80x128xi32, #tpu.memory_space<vmem>>, vector<1x16xi32>,
        %get3A_499 = vector.shape_cast %get3A_498 : vector<1x16xi32> to vector<16xi32>
        %and3A_500 = arith.constant 16383 : i32
        %and3A_501 = vector.broadcast %and3A_500 : i32 to vector<16xi32>
        %and3A_502 = arith.andi %get3A_499, %and3A_501 : vector<16xi32>
        %swap3A_503 = arith.constant 0 : i32
        %swap3A_504 = arith.index_cast %swap3A_503 : i32 to index
        %swap3A_505 = arith.constant 48 : index
        %swap3A_506 = tpu.vector_load %arg7[%swap3A_504, %swap3A_505] {strides = array<i32>} : memref<2x128xi32, #tpu.memory_space<vmem>>, vector<1x16xi32>,
        %swap3A_507 = vector.shape_cast %swap3A_506 : vector<1x16xi32> to vector<16xi32>
        %swap3A_508 = vector.shape_cast %and3A_502 : vector<16xi32> to vector<1x16xi32>
        tpu.vector_store %arg7[%swap3A_504, %swap3A_505], %swap3A_508 {strides = array<i32>} : memref<2x128xi32, #tpu.memory_space<vmem>>, vector<1x16xi32>,
        %shift_right_logical3A_509 = arith.constant 14 : i32
        %shift_right_logical3A_510 = vector.broadcast %shift_right_logical3A_509 : i32 to vector<16xi32>
        %shift_right_logical3A_511 = arith.shrui %get3A_499, %shift_right_logical3A_510 : vector<16xi32>
        %swap3A_512 = arith.constant 0 : i32
        %swap3A_513 = arith.index_cast %swap3A_512 : i32 to index
        %swap3A_514 = arith.constant 48 : index
        %swap3A_515 = tpu.vector_load %arg8[%swap3A_513, %swap3A_514] {strides = array<i32>} : memref<2x128xi32, #tpu.memory_space<vmem>>, vector<1x16xi32>,
        %swap3A_516 = vector.shape_cast %swap3A_515 : vector<1x16xi32> to vector<16xi32>
        %swap3A_517 = vector.shape_cast %shift_right_logical3A_511 : vector<16xi32> to vector<1x16xi32>
        tpu.vector_store %arg8[%swap3A_513, %swap3A_514], %swap3A_517 {strides = array<i32>} : memref<2x128xi32, #tpu.memory_space<vmem>>, vector<1x16xi32>,
        %get3A_518 = arith.index_cast %add3A_429 : i32 to index
        %get3A_519 = arith.constant 64 : index
        %get3A_520 = tpu.vector_load %arg6[%get3A_518, %get3A_519] {strides = array<i32>} : memref<80x128xi32, #tpu.memory_space<vmem>>, vector<1x16xi32>,
        %get3A_521 = vector.shape_cast %get3A_520 : vector<1x16xi32> to vector<16xi32>
        %and3A_522 = arith.constant 16383 : i32
        %and3A_523 = vector.broadcast %and3A_522 : i32 to vector<16xi32>
        %and3A_524 = arith.andi %get3A_521, %and3A_523 : vector<16xi32>
        %swap3A_525 = arith.constant 0 : i32
        %swap3A_526 = arith.index_cast %swap3A_525 : i32 to index
        %swap3A_527 = arith.constant 64 : index
        %swap3A_528 = tpu.vector_load %arg7[%swap3A_526, %swap3A_527] {strides = array<i32>} : memref<2x128xi32, #tpu.memory_space<vmem>>, vector<1x16xi32>,
        %swap3A_529 = vector.shape_cast %swap3A_528 : vector<1x16xi32> to vector<16xi32>
        %swap3A_530 = vector.shape_cast %and3A_524 : vector<16xi32> to vector<1x16xi32>
        tpu.vector_store %arg7[%swap3A_526, %swap3A_527], %swap3A_530 {strides = array<i32>} : memref<2x128xi32, #tpu.memory_space<vmem>>, vector<1x16xi32>,
        %shift_right_logical3A_531 = arith.constant 14 : i32
        %shift_right_logical3A_532 = vector.broadcast %shift_right_logical3A_531 : i32 to vector<16xi32>
        %shift_right_logical3A_533 = arith.shrui %get3A_521, %shift_right_logical3A_532 : vector<16xi32>
        %swap3A_534 = arith.constant 0 : i32
        %swap3A_535 = arith.index_cast %swap3A_534 : i32 to index
        %swap3A_536 = arith.constant 64 : index
        %swap3A_537 = tpu.vector_load %arg8[%swap3A_535, %swap3A_536] {strides = array<i32>} : memref<2x128xi32, #tpu.memory_space<vmem>>, vector<1x16xi32>,
        %swap3A_538 = vector.shape_cast %swap3A_537 : vector<1x16xi32> to vector<16xi32>
        %swap3A_539 = vector.shape_cast %shift_right_logical3A_533 : vector<16xi32> to vector<1x16xi32>
        tpu.vector_store %arg8[%swap3A_535, %swap3A_536], %swap3A_539 {strides = array<i32>} : memref<2x128xi32, #tpu.memory_space<vmem>>, vector<1x16xi32>,
        %get3A_540 = arith.index_cast %add3A_429 : i32 to index
        %get3A_541 = arith.constant 80 : index
        %get3A_542 = tpu.vector_load %arg6[%get3A_540, %get3A_541] {strides = array<i32>} : memref<80x128xi32, #tpu.memory_space<vmem>>, vector<1x16xi32>,
        %get3A_543 = vector.shape_cast %get3A_542 : vector<1x16xi32> to vector<16xi32>
        %and3A_544 = arith.constant 16383 : i32
        %and3A_545 = vector.broadcast %and3A_544 : i32 to vector<16xi32>
        %and3A_546 = arith.andi %get3A_543, %and3A_545 : vector<16xi32>
        %swap3A_547 = arith.constant 0 : i32
        %swap3A_548 = arith.index_cast %swap3A_547 : i32 to index
        %swap3A_549 = arith.constant 80 : index
        %swap3A_550 = tpu.vector_load %arg7[%swap3A_548, %swap3A_549] {strides = array<i32>} : memref<2x128xi32, #tpu.memory_space<vmem>>, vector<1x16xi32>,
        %swap3A_551 = vector.shape_cast %swap3A_550 : vector<1x16xi32> to vector<16xi32>
        %swap3A_552 = vector.shape_cast %and3A_546 : vector<16xi32> to vector<1x16xi32>
        tpu.vector_store %arg7[%swap3A_548, %swap3A_549], %swap3A_552 {strides = array<i32>} : memref<2x128xi32, #tpu.memory_space<vmem>>, vector<1x16xi32>,
        %shift_right_logical3A_553 = arith.constant 14 : i32
        %shift_right_logical3A_554 = vector.broadcast %shift_right_logical3A_553 : i32 to vector<16xi32>
        %shift_right_logical3A_555 = arith.shrui %get3A_543, %shift_right_logical3A_554 : vector<16xi32>
        %swap3A_556 = arith.constant 0 : i32
        %swap3A_557 = arith.index_cast %swap3A_556 : i32 to index
        %swap3A_558 = arith.constant 80 : index
        %swap3A_559 = tpu.vector_load %arg8[%swap3A_557, %swap3A_558] {strides = array<i32>} : memref<2x128xi32, #tpu.memory_space<vmem>>, vector<1x16xi32>,
        %swap3A_560 = vector.shape_cast %swap3A_559 : vector<1x16xi32> to vector<16xi32>
        %swap3A_561 = vector.shape_cast %shift_right_logical3A_555 : vector<16xi32> to vector<1x16xi32>
        tpu.vector_store %arg8[%swap3A_557, %swap3A_558], %swap3A_561 {strides = array<i32>} : memref<2x128xi32, #tpu.memory_space<vmem>>, vector<1x16xi32>,
        %get3A_562 = arith.index_cast %add3A_429 : i32 to index
        %get3A_563 = arith.constant 96 : index
        %get3A_564 = tpu.vector_load %arg6[%get3A_562, %get3A_563] {strides = array<i32>} : memref<80x128xi32, #tpu.memory_space<vmem>>, vector<1x16xi32>,
        %get3A_565 = vector.shape_cast %get3A_564 : vector<1x16xi32> to vector<16xi32>
        %and3A_566 = arith.constant 16383 : i32
        %and3A_567 = vector.broadcast %and3A_566 : i32 to vector<16xi32>
        %and3A_568 = arith.andi %get3A_565, %and3A_567 : vector<16xi32>
        %swap3A_569 = arith.constant 0 : i32
        %swap3A_570 = arith.index_cast %swap3A_569 : i32 to index
        %swap3A_571 = arith.constant 96 : index
        %swap3A_572 = tpu.vector_load %arg7[%swap3A_570, %swap3A_571] {strides = array<i32>} : memref<2x128xi32, #tpu.memory_space<vmem>>, vector<1x16xi32>,
        %swap3A_573 = vector.shape_cast %swap3A_572 : vector<1x16xi32> to vector<16xi32>
        %swap3A_574 = vector.shape_cast %and3A_568 : vector<16xi32> to vector<1x16xi32>
        tpu.vector_store %arg7[%swap3A_570, %swap3A_571], %swap3A_574 {strides = array<i32>} : memref<2x128xi32, #tpu.memory_space<vmem>>, vector<1x16xi32>,
        %shift_right_logical3A_575 = arith.constant 14 : i32
        %shift_right_logical3A_576 = vector.broadcast %shift_right_logical3A_575 : i32 to vector<16xi32>
        %shift_right_logical3A_577 = arith.shrui %get3A_565, %shift_right_logical3A_576 : vector<16xi32>
        %swap3A_578 = arith.constant 0 : i32
        %swap3A_579 = arith.index_cast %swap3A_578 : i32 to index
        %swap3A_580 = arith.constant 96 : index
        %swap3A_581 = tpu.vector_load %arg8[%swap3A_579, %swap3A_580] {strides = array<i32>} : memref<2x128xi32, #tpu.memory_space<vmem>>, vector<1x16xi32>,
        %swap3A_582 = vector.shape_cast %swap3A_581 : vector<1x16xi32> to vector<16xi32>
        %swap3A_583 = vector.shape_cast %shift_right_logical3A_577 : vector<16xi32> to vector<1x16xi32>
        tpu.vector_store %arg8[%swap3A_579, %swap3A_580], %swap3A_583 {strides = array<i32>} : memref<2x128xi32, #tpu.memory_space<vmem>>, vector<1x16xi32>,
        %get3A_584 = arith.index_cast %add3A_429 : i32 to index
        %get3A_585 = arith.constant 112 : index
        %get3A_586 = tpu.vector_load %arg6[%get3A_584, %get3A_585] {strides = array<i32>} : memref<80x128xi32, #tpu.memory_space<vmem>>, vector<1x16xi32>,
        %get3A_587 = vector.shape_cast %get3A_586 : vector<1x16xi32> to vector<16xi32>
        %and3A_588 = arith.constant 16383 : i32
        %and3A_589 = vector.broadcast %and3A_588 : i32 to vector<16xi32>
        %and3A_590 = arith.andi %get3A_587, %and3A_589 : vector<16xi32>
        %swap3A_591 = arith.constant 0 : i32
        %swap3A_592 = arith.index_cast %swap3A_591 : i32 to index
        %swap3A_593 = arith.constant 112 : index
        %swap3A_594 = tpu.vector_load %arg7[%swap3A_592, %swap3A_593] {strides = array<i32>} : memref<2x128xi32, #tpu.memory_space<vmem>>, vector<1x16xi32>,
        %swap3A_595 = vector.shape_cast %swap3A_594 : vector<1x16xi32> to vector<16xi32>
        %swap3A_596 = vector.shape_cast %and3A_590 : vector<16xi32> to vector<1x16xi32>
        tpu.vector_store %arg7[%swap3A_592, %swap3A_593], %swap3A_596 {strides = array<i32>} : memref<2x128xi32, #tpu.memory_space<vmem>>, vector<1x16xi32>,
        %shift_right_logical3A_597 = arith.constant 14 : i32
        %shift_right_logical3A_598 = vector.broadcast %shift_right_logical3A_597 : i32 to vector<16xi32>
        %shift_right_logical3A_599 = arith.shrui %get3A_587, %shift_right_logical3A_598 : vector<16xi32>
        %swap3A_600 = arith.constant 0 : i32
        %swap3A_601 = arith.index_cast %swap3A_600 : i32 to index
        %swap3A_602 = arith.constant 112 : index
        %swap3A_603 = tpu.vector_load %arg8[%swap3A_601, %swap3A_602] {strides = array<i32>} : memref<2x128xi32, #tpu.memory_space<vmem>>, vector<1x16xi32>,
        %swap3A_604 = vector.shape_cast %swap3A_603 : vector<1x16xi32> to vector<16xi32>
        %swap3A_605 = vector.shape_cast %shift_right_logical3A_599 : vector<16xi32> to vector<1x16xi32>
        tpu.vector_store %arg8[%swap3A_601, %swap3A_602], %swap3A_605 {strides = array<i32>} : memref<2x128xi32, #tpu.memory_space<vmem>>, vector<1x16xi32>,
        %dma_start3A_606 = arith.constant 0 : i32
        %dma_start3A_607 = arith.constant 0 : i32
        %dma_start3A_608 = arith.constant 0 : i32
        %dma_start3A_609 = arith.constant 0 : i32
        %dma_start3A_610 = tpu.memref_slice %arg9[%dma_start3A_607, %dma_start3A_608, %dma_start3A_609] : memref<2x128x128xf32, #tpu.memory_space<vmem>> -> memref<1x128x128xf32, #tpu.memory_space<vmem>>
        %dma_start3A_611 = tpu.memref_squeeze %dma_start3A_610 : memref<1x128x128xf32, #tpu.memory_space<vmem>> -> memref<128x128xf32, #tpu.memory_space<vmem>>
        %dma_start3A_612 = arith.constant 0 : i32
        %dma_start3A_613 = tpu.memref_slice %arg7[%dma_start3A_606, %dma_start3A_612] : memref<2x128xi32, #tpu.memory_space<vmem>> -> memref<1x128xi32, #tpu.memory_space<vmem>>
        %dma_start3A_614 = tpu.memref_squeeze %dma_start3A_613 : memref<1x128xi32, #tpu.memory_space<vmem>> -> memref<128xi32, #tpu.memory_space<vmem>>
        %dma_start3A_615 = arith.constant 0 : i32
        %dma_start3A_616 = arith.constant 0 : i32
        %dma_start3A_617 = tpu.memref_slice %arg2[%dma_start3A_615, %dma_start3A_616] : memref<10000x128xf32, #tpu.memory_space<hbm>> -> memref<10000x128xf32, #tpu.memory_space<hbm>>
        tpu.enqueue_indirect_dma source(%dma_start3A_617 : memref<10000x128xf32, #tpu.memory_space<hbm>>) target(%dma_start3A_611 : memref<128x128xf32, #tpu.memory_space<vmem>>) offsets(%dma_start3A_614 : memref<128xi32, #tpu.memory_space<vmem>>) semaphore(%arg11 : memref<!tpu.dma_semaphore, #tpu.memory_space<semaphore_mem>>)
      } else {
      }
      %dma_wait3A_414 = arith.constant 1 : i32
      %dma_wait3A_415 = arith.constant 1 : i32
      %dma_wait3A_416 = arith.constant 0 : i32
      %dma_wait3A_417 = arith.constant 0 : i32
      %dma_wait3A_418 = tpu.memref_slice %arg9[%dma_wait3A_415, %dma_wait3A_416, %dma_wait3A_417] : memref<2x128x128xf32, #tpu.memory_space<vmem>> -> memref<1x128x128xf32, #tpu.memory_space<vmem>>
      %dma_wait3A_419 = tpu.memref_squeeze %dma_wait3A_418 : memref<1x128x128xf32, #tpu.memory_space<vmem>> -> memref<128x128xf32, #tpu.memory_space<vmem>>
      %dma_wait3A_420 = arith.constant 0 : i32
      %dma_wait3A_421 = tpu.memref_slice %arg7[%dma_wait3A_414, %dma_wait3A_420] : memref<2x128xi32, #tpu.memory_space<vmem>> -> memref<1x128xi32, #tpu.memory_space<vmem>>
      %dma_wait3A_422 = tpu.memref_squeeze %dma_wait3A_421 : memref<1x128xi32, #tpu.memory_space<vmem>> -> memref<128xi32, #tpu.memory_space<vmem>>
      %dma_wait3A_423 = arith.constant 0 : i32
      %dma_wait3A_424 = arith.constant 0 : i32
      %dma_wait3A_425 = tpu.memref_slice %arg2[%dma_wait3A_423, %dma_wait3A_424] : memref<10000x128xf32, #tpu.memory_space<hbm>> -> memref<10000x128xf32, #tpu.memory_space<hbm>>
      tpu.wait_indirect_dma semaphore(%arg12 : memref<!tpu.dma_semaphore, #tpu.memory_space<semaphore_mem>>) src(%dma_wait3A_425 : memref<10000x128xf32, #tpu.memory_space<hbm>>) dst(%dma_wait3A_419 : memref<128x128xf32, #tpu.memory_space<vmem>>)
      %run_scoped3A_426 = arith.constant 1 : i32
      %run_scoped3A_427 = arith.constant 1 : i32
      "tpu.region"() ({
        %run_scoped3A_428 = tpu.sem_alloc : memref<!tpu.dma_semaphore, #tpu.memory_space<semaphore_mem>>
        %dma_start3A_429 = arith.constant 0 : i32
        %dma_start3A_430 = arith.constant 0 : i32
        %dma_start3A_431 = tpu.memref_slice %arg9[%run_scoped3A_426, %dma_start3A_429, %dma_start3A_430] : memref<2x128x128xf32, #tpu.memory_space<vmem>> -> memref<1x128x128xf32, #tpu.memory_space<vmem>>
        %dma_start3A_432 = tpu.memref_squeeze %dma_start3A_431 : memref<1x128x128xf32, #tpu.memory_space<vmem>> -> memref<128x128xf32, #tpu.memory_space<vmem>>
        %dma_start3A_433 = arith.constant 0 : i32
        %dma_start3A_434 = tpu.memref_slice %arg8[%run_scoped3A_427, %dma_start3A_433] : memref<2x128xi32, #tpu.memory_space<vmem>> -> memref<1x128xi32, #tpu.memory_space<vmem>>
        %dma_start3A_435 = tpu.memref_squeeze %dma_start3A_434 : memref<1x128xi32, #tpu.memory_space<vmem>> -> memref<128xi32, #tpu.memory_space<vmem>>
        %dma_start3A_436 = arith.constant 0 : i32
        %dma_start3A_437 = arith.constant 0 : i32
        %dma_start3A_438 = tpu.memref_slice %arg10[%dma_start3A_436, %dma_start3A_437] : memref<10240x128xf32, #tpu.memory_space<vmem_shared>> -> memref<10240x128xf32, #tpu.memory_space<vmem_shared>>
        tpu.enqueue_indirect_dma source(%dma_start3A_432 : memref<128x128xf32, #tpu.memory_space<vmem>>) target(%dma_start3A_438 : memref<10240x128xf32, #tpu.memory_space<vmem_shared>>) offsets(%dma_start3A_435 : memref<128xi32, #tpu.memory_space<vmem>>) semaphore(%run_scoped3A_428 : memref<!tpu.dma_semaphore, #tpu.memory_space<semaphore_mem>>) {add = true}
        %dma_wait3A_439 = arith.constant 0 : i32
        %dma_wait3A_440 = arith.constant 0 : i32
        %dma_wait3A_441 = tpu.memref_slice %arg9[%run_scoped3A_426, %dma_wait3A_439, %dma_wait3A_440] : memref<2x128x128xf32, #tpu.memory_space<vmem>> -> memref<1x128x128xf32, #tpu.memory_space<vmem>>
        %dma_wait3A_442 = tpu.memref_squeeze %dma_wait3A_441 : memref<1x128x128xf32, #tpu.memory_space<vmem>> -> memref<128x128xf32, #tpu.memory_space<vmem>>
        %dma_wait3A_443 = arith.constant 0 : i32
        %dma_wait3A_444 = tpu.memref_slice %arg8[%run_scoped3A_427, %dma_wait3A_443] : memref<2x128xi32, #tpu.memory_space<vmem>> -> memref<1x128xi32, #tpu.memory_space<vmem>>
        %dma_wait3A_445 = tpu.memref_squeeze %dma_wait3A_444 : memref<1x128xi32, #tpu.memory_space<vmem>> -> memref<128xi32, #tpu.memory_space<vmem>>
        %dma_wait3A_446 = arith.constant 0 : i32
        %dma_wait3A_447 = arith.constant 0 : i32
        %dma_wait3A_448 = tpu.memref_slice %arg10[%dma_wait3A_446, %dma_wait3A_447] : memref<10240x128xf32, #tpu.memory_space<vmem_shared>> -> memref<10240x128xf32, #tpu.memory_space<vmem_shared>>
        tpu.wait_indirect_dma semaphore(%run_scoped3A_428 : memref<!tpu.dma_semaphore, #tpu.memory_space<semaphore_mem>>) src(%dma_wait3A_442 : memref<128x128xf32, #tpu.memory_space<vmem>>) dst(%dma_wait3A_448 : memref<10240x128xf32, #tpu.memory_space<vmem_shared>>)
        tpu.yield
      }) : () -> ()
    }
    %scan3A_197 = arith.constant 40 : i32
    %barrier3A_198 = arith.constant 0 : index
    tpu.barrier barrier_id(%barrier3A_198)
    %mul3A_199 = arith.constant 640 : i32
    %mul3A_200 = arith.muli %arg1, %mul3A_199 : i32
    %mul3A_201 = arith.constant 640 : i32
    %mul3A_202 = arith.muli %arg1, %mul3A_201 : i32
    "tpu.region"() ({
      %run_scoped3A = tpu.sem_alloc : memref<!tpu.dma_semaphore, #tpu.memory_space<semaphore_mem>>
      %dma_start3A_203 = arith.constant 0 : i32
      %dma_start3A_204 = tpu.memref_slice %arg5[%arg0, %mul3A_202, %dma_start3A_203] : memref<2x10240x128xf32, #tpu.memory_space<hbm>> -> memref<1x640x128xf32, #tpu.memory_space<hbm>>
      %dma_start3A_205 = tpu.memref_squeeze %dma_start3A_204 : memref<1x640x128xf32, #tpu.memory_space<hbm>> -> memref<640x128xf32, #tpu.memory_space<hbm>>
      %dma_start3A_206 = arith.constant 0 : i32
      %dma_start3A_207 = tpu.memref_slice %arg10[%mul3A_200, %dma_start3A_206] : memref<10240x128xf32, #tpu.memory_space<vmem_shared>> -> memref<640x128xf32, #tpu.memory_space<vmem_shared>>
      tpu.enqueue_dma source(%dma_start3A_207 : memref<640x128xf32, #tpu.memory_space<vmem_shared>>) target(%dma_start3A_205 : memref<640x128xf32, #tpu.memory_space<hbm>>) target_semaphore(%run_scoped3A : memref<!tpu.dma_semaphore, #tpu.memory_space<semaphore_mem>>)
      %dma_wait3A = arith.constant 0 : i32
      %dma_wait3A_208 = tpu.memref_slice %arg5[%arg0, %mul3A_202, %dma_wait3A] : memref<2x10240x128xf32, #tpu.memory_space<hbm>> -> memref<1x640x128xf32, #tpu.memory_space<hbm>>
      %dma_wait3A_209 = tpu.memref_squeeze %dma_wait3A_208 : memref<1x640x128xf32, #tpu.memory_space<hbm>> -> memref<640x128xf32, #tpu.memory_space<hbm>>
      %dma_wait3A_210 = arith.constant 0 : i32
      %dma_wait3A_211 = tpu.memref_slice %arg10[%mul3A_200, %dma_wait3A_210] : memref<10240x128xf32, #tpu.memory_space<vmem_shared>> -> memref<640x128xf32, #tpu.memory_space<vmem_shared>>
      tpu.wait_dma2 semaphore(%run_scoped3A : memref<!tpu.dma_semaphore, #tpu.memory_space<semaphore_mem>>) src(%dma_wait3A_211 : memref<640x128xf32, #tpu.memory_space<vmem_shared>>) dst(%dma_wait3A_209 : memref<640x128xf32, #tpu.memory_space<hbm>>)
      tpu.yield
    }) : () -> ()
    return
  }
}

module attributes {stable_mosaic.version = 14 : i64} {
  func.func @_mm1_body(%arg0: i32, %arg1: memref<2000x1xf32, #tpu.memory_space<vmem>>, %arg2: memref<2000x1xf32, #tpu.memory_space<vmem>>, %arg3: memref<2000x128xf32, #tpu.memory_space<vmem>>, %arg4: memref<128x128xf32, #tpu.memory_space<vmem>>, %arg5: memref<2000x128xf32, #tpu.memory_space<vmem>>) attributes {dimension_semantics = [#tpu.dimension_semantics<arbitrary>], iteration_bounds = array<i64: 5>, scalar_prefetch = 0 : i64, scratch_operands = 0 : i64, tpu.core_type = #tpu.core_type<tc>, window_params = [{transform_indices = @transform_0, window_bounds = array<i64: 2000, 1>}, {transform_indices = @transform_1, window_bounds = array<i64: 2000, 1>}, {transform_indices = @transform_2, window_bounds = array<i64: 2000, 128>}, {pipeline_mode = #tpu.pipeline_mode<synchronous>, transform_indices = @transform_3, window_bounds = array<i64: 128, 128>}, {transform_indices = @transform_4, window_bounds = array<i64: 2000, 128>}]} {
    %get3A = arith.constant 0 : index
    %get3A_0 = arith.constant 0 : index
    %get3A_1 = vector.load %arg1[%get3A, %get3A_0] : memref<2000x1xf32, #tpu.memory_space<vmem>>, vector<2000x1xf32>
    %get3A_2 = arith.constant 0 : index
    %get3A_3 = arith.constant 0 : index
    %get3A_4 = vector.load %arg2[%get3A_2, %get3A_3] : memref<2000x1xf32, #tpu.memory_space<vmem>>, vector<2000x1xf32>
    %add3A = arith.addf %get3A_1, %get3A_4 : vector<2000x1xf32>
    %add3A_5 = arith.constant 1.000000e+00 : f32
    %add3A_6 = vector.broadcast %add3A_5 : f32 to vector<2000x1xf32>
    %add3A_7 = arith.addf %add3A, %add3A_6 : vector<2000x1xf32>
    %rsqrt3A = math.rsqrt %add3A_7 : vector<2000x1xf32>
    %get3A_8 = arith.constant 0 : index
    %get3A_9 = arith.constant 0 : index
    %get3A_10 = vector.load %arg3[%get3A_8, %get3A_9] : memref<2000x128xf32, #tpu.memory_space<vmem>>, vector<2000x128xf32>
    %get3A_11 = arith.constant 0 : index
    %get3A_12 = arith.constant 0 : index
    %get3A_13 = vector.load %arg4[%get3A_11, %get3A_12] : memref<128x128xf32, #tpu.memory_space<vmem>>, vector<128x128xf32>
    %dot_general3A = arith.constant dense<0.000000e+00> : vector<2000x128xf32>
    %dot_general3A_14 = tpu.matmul %get3A_10, %get3A_13, %dot_general3A {dimension_numbers = #tpu.dot_dimension_numbers<[1], [0], [0], [1], [0, 0, 1, 1], [], []>, transpose_lhs_hint = false} : vector<2000x128xf32>, vector<128x128xf32>, vector<2000x128xf32> -> vector<2000x128xf32>
    %mul3A = vector.broadcast %rsqrt3A : vector<2000x1xf32> to vector<2000x128xf32>
    %mul3A_15 = arith.mulf %dot_general3A_14, %mul3A : vector<2000x128xf32>
    %swap3A = arith.constant 0 : index
    %swap3A_16 = arith.constant 0 : index
    %swap3A_17 = vector.load %arg5[%swap3A, %swap3A_16] : memref<2000x128xf32, #tpu.memory_space<vmem>>, vector<2000x128xf32>
    tpu.vector_store %arg5[%swap3A, %swap3A_16], %mul3A_15 {strides = array<i32>} : memref<2000x128xf32, #tpu.memory_space<vmem>>, vector<2000x128xf32>,
    return
  }
  func.func @transform_0(%arg0: i32) -> (i32, i32) {
    %c0_i32 = arith.constant 0 : i32
    %c0_i32_0 = arith.constant 0 : i32
    return %arg0, %c0_i32 : i32, i32
  }
  func.func @transform_1(%arg0: i32) -> (i32, i32) {
    %c0_i32 = arith.constant 0 : i32
    %c0_i32_0 = arith.constant 0 : i32
    return %arg0, %c0_i32 : i32, i32
  }
  func.func @transform_2(%arg0: i32) -> (i32, i32) {
    %c0_i32 = arith.constant 0 : i32
    %c0_i32_0 = arith.constant 0 : i32
    return %arg0, %c0_i32 : i32, i32
  }
  func.func @transform_3(%arg0: i32) -> (i32, i32) {
    %c0_i32 = arith.constant 0 : i32
    %c0_i32_0 = arith.constant 0 : i32
    %c0_i32_1 = arith.constant 0 : i32
    return %c0_i32, %c0_i32_0 : i32, i32
  }
  func.func @transform_4(%arg0: i32) -> (i32, i32) {
    %c0_i32 = arith.constant 0 : i32
    %c0_i32_0 = arith.constant 0 : i32
    return %arg0, %c0_i32 : i32, i32
  }
}

module attributes {stable_mosaic.version = 14 : i64} {
  func.func @_mid_body(%arg0: i32, %arg1: memref<2000x1xf32, #tpu.memory_space<vmem>>, %arg2: memref<2000x1xf32, #tpu.memory_space<vmem>>, %arg3: memref<2000x128xf32, #tpu.memory_space<vmem>>, %arg4: memref<2000x128xf32, #tpu.memory_space<vmem>>, %arg5: memref<2000x128xf32, #tpu.memory_space<vmem>>, %arg6: memref<1x128xf32, #tpu.memory_space<vmem>>, %arg7: memref<128x128xf32, #tpu.memory_space<vmem>>, %arg8: memref<2000x128xf32, #tpu.memory_space<vmem>>) attributes {dimension_semantics = [#tpu.dimension_semantics<arbitrary>], iteration_bounds = array<i64: 5>, scalar_prefetch = 0 : i64, scratch_operands = 0 : i64, tpu.core_type = #tpu.core_type<tc>, window_params = [{transform_indices = @transform_0, window_bounds = array<i64: 2000, 1>}, {transform_indices = @transform_1, window_bounds = array<i64: 2000, 1>}, {transform_indices = @transform_2, window_bounds = array<i64: 2000, 128>}, {transform_indices = @transform_3, window_bounds = array<i64: 2000, 128>}, {transform_indices = @transform_4, window_bounds = array<i64: 2000, 128>}, {pipeline_mode = #tpu.pipeline_mode<synchronous>, transform_indices = @transform_5, window_bounds = array<i64: 1, 128>}, {pipeline_mode = #tpu.pipeline_mode<synchronous>, transform_indices = @transform_6, window_bounds = array<i64: 128, 128>}, {transform_indices = @transform_7, window_bounds = array<i64: 2000, 128>}]} {
    %get3A = arith.constant 0 : index
    %get3A_0 = arith.constant 0 : index
    %get3A_1 = vector.load %arg1[%get3A, %get3A_0] : memref<2000x1xf32, #tpu.memory_space<vmem>>, vector<2000x1xf32>
    %get3A_2 = arith.constant 0 : index
    %get3A_3 = arith.constant 0 : index
    %get3A_4 = vector.load %arg2[%get3A_2, %get3A_3] : memref<2000x1xf32, #tpu.memory_space<vmem>>, vector<2000x1xf32>
    %add3A = arith.addf %get3A_1, %get3A_4 : vector<2000x1xf32>
    %add3A_5 = arith.constant 1.000000e+00 : f32
    %add3A_6 = vector.broadcast %add3A_5 : f32 to vector<2000x1xf32>
    %add3A_7 = arith.addf %add3A, %add3A_6 : vector<2000x1xf32>
    %rsqrt3A = math.rsqrt %add3A_7 : vector<2000x1xf32>
    %get3A_8 = arith.constant 0 : index
    %get3A_9 = arith.constant 0 : index
    %get3A_10 = vector.load %arg3[%get3A_8, %get3A_9] : memref<2000x128xf32, #tpu.memory_space<vmem>>, vector<2000x128xf32>
    %get3A_11 = arith.constant 0 : index
    %get3A_12 = arith.constant 0 : index
    %get3A_13 = vector.load %arg4[%get3A_11, %get3A_12] : memref<2000x128xf32, #tpu.memory_space<vmem>>, vector<2000x128xf32>
    %add3A_14 = arith.addf %get3A_10, %get3A_13 : vector<2000x128xf32>
    %get3A_15 = arith.constant 0 : index
    %get3A_16 = arith.constant 0 : index
    %get3A_17 = vector.load %arg5[%get3A_15, %get3A_16] : memref<2000x128xf32, #tpu.memory_space<vmem>>, vector<2000x128xf32>
    %add3A_18 = arith.addf %add3A_14, %get3A_17 : vector<2000x128xf32>
    %mul3A = vector.broadcast %rsqrt3A : vector<2000x1xf32> to vector<2000x128xf32>
    %mul3A_19 = arith.mulf %add3A_18, %mul3A : vector<2000x128xf32>
    %get3A_20 = arith.constant 0 : index
    %get3A_21 = arith.constant 0 : index
    %get3A_22 = vector.load %arg6[%get3A_20, %get3A_21] : memref<1x128xf32, #tpu.memory_space<vmem>>, vector<1x128xf32>
    %add3A_23 = vector.broadcast %get3A_22 : vector<1x128xf32> to vector<2000x128xf32>
    %add3A_24 = arith.addf %mul3A_19, %add3A_23 : vector<2000x128xf32>
    %max3A = arith.constant 0.000000e+00 : f32
    %max3A_25 = vector.broadcast %max3A : f32 to vector<2000x128xf32>
    %max3A_26 = arith.maximumf %add3A_24, %max3A_25 : vector<2000x128xf32>
    %get3A_27 = arith.constant 0 : index
    %get3A_28 = arith.constant 0 : index
    %get3A_29 = vector.load %arg7[%get3A_27, %get3A_28] : memref<128x128xf32, #tpu.memory_space<vmem>>, vector<128x128xf32>
    %dot_general3A = arith.constant dense<0.000000e+00> : vector<2000x128xf32>
    %dot_general3A_30 = tpu.matmul %max3A_26, %get3A_29, %dot_general3A {dimension_numbers = #tpu.dot_dimension_numbers<[1], [0], [0], [1], [0, 0, 1, 1], [], []>, transpose_lhs_hint = false} : vector<2000x128xf32>, vector<128x128xf32>, vector<2000x128xf32> -> vector<2000x128xf32>
    %mul3A_31 = vector.broadcast %rsqrt3A : vector<2000x1xf32> to vector<2000x128xf32>
    %mul3A_32 = arith.mulf %dot_general3A_30, %mul3A_31 : vector<2000x128xf32>
    %swap3A = arith.constant 0 : index
    %swap3A_33 = arith.constant 0 : index
    %swap3A_34 = vector.load %arg8[%swap3A, %swap3A_33] : memref<2000x128xf32, #tpu.memory_space<vmem>>, vector<2000x128xf32>
    tpu.vector_store %arg8[%swap3A, %swap3A_33], %mul3A_32 {strides = array<i32>} : memref<2000x128xf32, #tpu.memory_space<vmem>>, vector<2000x128xf32>,
    return
  }
  func.func @transform_0(%arg0: i32) -> (i32, i32) {
    %c0_i32 = arith.constant 0 : i32
    %c0_i32_0 = arith.constant 0 : i32
    return %arg0, %c0_i32 : i32, i32
  }
  func.func @transform_1(%arg0: i32) -> (i32, i32) {
    %c0_i32 = arith.constant 0 : i32
    %c0_i32_0 = arith.constant 0 : i32
    return %arg0, %c0_i32 : i32, i32
  }
  func.func @transform_2(%arg0: i32) -> (i32, i32) {
    %c0_i32 = arith.constant 0 : i32
    %c0_i32_0 = arith.constant 0 : i32
    return %arg0, %c0_i32 : i32, i32
  }
  func.func @transform_3(%arg0: i32) -> (i32, i32) {
    %c0_i32 = arith.constant 0 : i32
    %c0_i32_0 = arith.constant 0 : i32
    return %arg0, %c0_i32 : i32, i32
  }
  func.func @transform_4(%arg0: i32) -> (i32, i32) {
    %c0_i32 = arith.constant 0 : i32
    %c0_i32_0 = arith.constant 0 : i32
    return %arg0, %c0_i32 : i32, i32
  }
  func.func @transform_5(%arg0: i32) -> (i32, i32) {
    %c0_i32 = arith.constant 0 : i32
    %c0_i32_0 = arith.constant 0 : i32
    %c0_i32_1 = arith.constant 0 : i32
    return %c0_i32, %c0_i32_0 : i32, i32
  }
  func.func @transform_6(%arg0: i32) -> (i32, i32) {
    %c0_i32 = arith.constant 0 : i32
    %c0_i32_0 = arith.constant 0 : i32
    %c0_i32_1 = arith.constant 0 : i32
    return %c0_i32, %c0_i32_0 : i32, i32
  }
  func.func @transform_7(%arg0: i32) -> (i32, i32) {
    %c0_i32 = arith.constant 0 : i32
    %c0_i32_0 = arith.constant 0 : i32
    return %arg0, %c0_i32 : i32, i32
  }
}

module attributes {stable_mosaic.version = 14 : i64} {
  func.func @_fin_body(%arg0: i32, %arg1: memref<2000x1xf32, #tpu.memory_space<vmem>>, %arg2: memref<2000x1xf32, #tpu.memory_space<vmem>>, %arg3: memref<2000x128xf32, #tpu.memory_space<vmem>>, %arg4: memref<2000x128xf32, #tpu.memory_space<vmem>>, %arg5: memref<2000x128xf32, #tpu.memory_space<vmem>>, %arg6: memref<1x128xf32, #tpu.memory_space<vmem>>, %arg7: memref<2000x1xi32, #tpu.memory_space<vmem>>, %arg8: memref<16x128xf32, #tpu.memory_space<vmem>>, %arg9: memref<16x128xf32, #tpu.memory_space<vmem>>, %arg10: memref<16x128xf32, #tpu.memory_space<vmem>>) attributes {dimension_semantics = [#tpu.dimension_semantics<arbitrary>], iteration_bounds = array<i64: 5>, scalar_prefetch = 0 : i64, scratch_operands = 2 : i64, tpu.core_type = #tpu.core_type<tc>, window_params = [{transform_indices = @transform_0, window_bounds = array<i64: 2000, 1>}, {transform_indices = @transform_1, window_bounds = array<i64: 2000, 1>}, {transform_indices = @transform_2, window_bounds = array<i64: 2000, 128>}, {transform_indices = @transform_3, window_bounds = array<i64: 2000, 128>}, {transform_indices = @transform_4, window_bounds = array<i64: 2000, 128>}, {pipeline_mode = #tpu.pipeline_mode<synchronous>, transform_indices = @transform_5, window_bounds = array<i64: 1, 128>}, {transform_indices = @transform_6, window_bounds = array<i64: 2000, 1>}, {pipeline_mode = #tpu.pipeline_mode<synchronous>, transform_indices = @transform_7, window_bounds = array<i64: 16, 128>}]} {
    %eq3A = arith.constant 0 : i32
    %eq3A_0 = arith.cmpi eq, %arg0, %eq3A : i32
    %convert_element_type3A = arith.extui %eq3A_0 : i1 to i32
    %cond3A = arith.constant 0 : i32
    %cond3A_1 = arith.cmpi ne, %convert_element_type3A, %cond3A : i32
    scf.if %cond3A_1 {
      %broadcast_in_dim3A_65 = arith.constant 0.000000e+00 : f32
      %broadcast_in_dim3A_66 = vector.broadcast %broadcast_in_dim3A_65 : f32 to vector<16x128xf32>
      %swap3A_67 = arith.constant 0 : index
      %swap3A_68 = arith.constant 0 : index
      %swap3A_69 = vector.load %arg9[%swap3A_67, %swap3A_68] : memref<16x128xf32, #tpu.memory_space<vmem>>, vector<16x128xf32>
      tpu.vector_store %arg9[%swap3A_67, %swap3A_68], %broadcast_in_dim3A_66 {strides = array<i32>} : memref<16x128xf32, #tpu.memory_space<vmem>>, vector<16x128xf32>,
      %broadcast_in_dim3A_70 = arith.constant 0.000000e+00 : f32
      %broadcast_in_dim3A_71 = vector.broadcast %broadcast_in_dim3A_70 : f32 to vector<16x128xf32>
      %swap3A_72 = arith.constant 0 : index
      %swap3A_73 = arith.constant 0 : index
      %swap3A_74 = vector.load %arg10[%swap3A_72, %swap3A_73] : memref<16x128xf32, #tpu.memory_space<vmem>>, vector<16x128xf32>
      tpu.vector_store %arg10[%swap3A_72, %swap3A_73], %broadcast_in_dim3A_71 {strides = array<i32>} : memref<16x128xf32, #tpu.memory_space<vmem>>, vector<16x128xf32>,
    } else {
    }
    %get3A = arith.constant 0 : index
    %get3A_2 = arith.constant 0 : index
    %get3A_3 = vector.load %arg1[%get3A, %get3A_2] : memref<2000x1xf32, #tpu.memory_space<vmem>>, vector<2000x1xf32>
    %get3A_4 = arith.constant 0 : index
    %get3A_5 = arith.constant 0 : index
    %get3A_6 = vector.load %arg2[%get3A_4, %get3A_5] : memref<2000x1xf32, #tpu.memory_space<vmem>>, vector<2000x1xf32>
    %add3A = arith.addf %get3A_3, %get3A_6 : vector<2000x1xf32>
    %add3A_7 = arith.constant 1.000000e+00 : f32
    %add3A_8 = vector.broadcast %add3A_7 : f32 to vector<2000x1xf32>
    %add3A_9 = arith.addf %add3A, %add3A_8 : vector<2000x1xf32>
    %rsqrt3A = math.rsqrt %add3A_9 : vector<2000x1xf32>
    %get3A_10 = arith.constant 0 : index
    %get3A_11 = arith.constant 0 : index
    %get3A_12 = vector.load %arg3[%get3A_10, %get3A_11] : memref<2000x128xf32, #tpu.memory_space<vmem>>, vector<2000x128xf32>
    %get3A_13 = arith.constant 0 : index
    %get3A_14 = arith.constant 0 : index
    %get3A_15 = vector.load %arg4[%get3A_13, %get3A_14] : memref<2000x128xf32, #tpu.memory_space<vmem>>, vector<2000x128xf32>
    %add3A_16 = arith.addf %get3A_12, %get3A_15 : vector<2000x128xf32>
    %get3A_17 = arith.constant 0 : index
    %get3A_18 = arith.constant 0 : index
    %get3A_19 = vector.load %arg5[%get3A_17, %get3A_18] : memref<2000x128xf32, #tpu.memory_space<vmem>>, vector<2000x128xf32>
    %add3A_20 = arith.addf %add3A_16, %get3A_19 : vector<2000x128xf32>
    %mul3A = vector.broadcast %rsqrt3A : vector<2000x1xf32> to vector<2000x128xf32>
    %mul3A_21 = arith.mulf %add3A_20, %mul3A : vector<2000x128xf32>
    %get3A_22 = arith.constant 0 : index
    %get3A_23 = arith.constant 0 : index
    %get3A_24 = vector.load %arg6[%get3A_22, %get3A_23] : memref<1x128xf32, #tpu.memory_space<vmem>>, vector<1x128xf32>
    %add3A_25 = vector.broadcast %get3A_24 : vector<1x128xf32> to vector<2000x128xf32>
    %add3A_26 = arith.addf %mul3A_21, %add3A_25 : vector<2000x128xf32>
    %max3A = arith.constant 0.000000e+00 : f32
    %max3A_27 = vector.broadcast %max3A : f32 to vector<2000x128xf32>
    %max3A_28 = arith.maximumf %add3A_26, %max3A_27 : vector<2000x128xf32>
    %get3A_29 = arith.constant 0 : index
    %get3A_30 = arith.constant 0 : index
    %get3A_31 = vector.load %arg7[%get3A_29, %get3A_30] : memref<2000x1xi32, #tpu.memory_space<vmem>>, vector<2000x1xi32>
    %iota3A = tpu.iota {dimensions = array<i32: 1>} : vector<2000x16xi32>
    %eq3A_32 = vector.broadcast %get3A_31 : vector<2000x1xi32> to vector<2000x16xi32>
    %eq3A_33 = arith.cmpi eq, %eq3A_32, %iota3A : vector<2000x16xi32>
    %convert_element_type3A_34 = arith.extui %eq3A_33 : vector<2000x16xi1> to vector<2000x16xi32>
    %convert_element_type3A_35 = arith.sitofp %convert_element_type3A_34 : vector<2000x16xi32> to vector<2000x16xf32>
    %get3A_36 = arith.constant 0 : index
    %get3A_37 = arith.constant 0 : index
    %get3A_38 = vector.load %arg9[%get3A_36, %get3A_37] : memref<16x128xf32, #tpu.memory_space<vmem>>, vector<16x128xf32>
    %dot_general3A = arith.constant dense<0.000000e+00> : vector<16x128xf32>
    %dot_general3A_39 = tpu.matmul %convert_element_type3A_35, %max3A_28, %dot_general3A {dimension_numbers = #tpu.dot_dimension_numbers<[0], [0], [1], [1], [0, 1, 1, 1], [], []>, transpose_lhs_hint = false} : vector<2000x16xf32>, vector<2000x128xf32>, vector<16x128xf32> -> vector<16x128xf32>
    %add3A_40 = arith.addf %get3A_38, %dot_general3A_39 : vector<16x128xf32>
    %swap3A = arith.constant 0 : index
    %swap3A_41 = arith.constant 0 : index
    %swap3A_42 = vector.load %arg9[%swap3A, %swap3A_41] : memref<16x128xf32, #tpu.memory_space<vmem>>, vector<16x128xf32>
    tpu.vector_store %arg9[%swap3A, %swap3A_41], %add3A_40 {strides = array<i32>} : memref<16x128xf32, #tpu.memory_space<vmem>>, vector<16x128xf32>,
    %get3A_43 = arith.constant 0 : index
    %get3A_44 = arith.constant 0 : index
    %get3A_45 = vector.load %arg10[%get3A_43, %get3A_44] : memref<16x128xf32, #tpu.memory_space<vmem>>, vector<16x128xf32>
    %broadcast_in_dim3A = arith.constant 1.000000e+00 : f32
    %broadcast_in_dim3A_46 = vector.broadcast %broadcast_in_dim3A : f32 to vector<2000x128xf32>
    %dot_general3A_47 = arith.constant dense<0.000000e+00> : vector<16x128xf32>
    %dot_general3A_48 = tpu.matmul %convert_element_type3A_35, %broadcast_in_dim3A_46, %dot_general3A_47 {dimension_numbers = #tpu.dot_dimension_numbers<[0], [0], [1], [1], [0, 1, 1, 1], [], []>, transpose_lhs_hint = false} : vector<2000x16xf32>, vector<2000x128xf32>, vector<16x128xf32> -> vector<16x128xf32>
    %add3A_49 = arith.addf %get3A_45, %dot_general3A_48 : vector<16x128xf32>
    %swap3A_50 = arith.constant 0 : index
    %swap3A_51 = arith.constant 0 : index
    %swap3A_52 = vector.load %arg10[%swap3A_50, %swap3A_51] : memref<16x128xf32, #tpu.memory_space<vmem>>, vector<16x128xf32>
    tpu.vector_store %arg10[%swap3A_50, %swap3A_51], %add3A_49 {strides = array<i32>} : memref<16x128xf32, #tpu.memory_space<vmem>>, vector<16x128xf32>,
    %get3A_53 = arith.constant 0 : index
    %get3A_54 = arith.constant 0 : index
    %get3A_55 = vector.load %arg9[%get3A_53, %get3A_54] : memref<16x128xf32, #tpu.memory_space<vmem>>, vector<16x128xf32>
    %get3A_56 = arith.constant 0 : index
    %get3A_57 = arith.constant 0 : index
    %get3A_58 = vector.load %arg10[%get3A_56, %get3A_57] : memref<16x128xf32, #tpu.memory_space<vmem>>, vector<16x128xf32>
    %max3A_59 = arith.constant 1.000000e+00 : f32
    %max3A_60 = vector.broadcast %max3A_59 : f32 to vector<16x128xf32>
    %max3A_61 = arith.maximumf %get3A_58, %max3A_60 : vector<16x128xf32>
    %div3A = arith.divf %get3A_55, %max3A_61 : vector<16x128xf32>
    %swap3A_62 = arith.constant 0 : index
    %swap3A_63 = arith.constant 0 : index
    %swap3A_64 = vector.load %arg8[%swap3A_62, %swap3A_63] : memref<16x128xf32, #tpu.memory_space<vmem>>, vector<16x128xf32>
    tpu.vector_store %arg8[%swap3A_62, %swap3A_63], %div3A {strides = array<i32>} : memref<16x128xf32, #tpu.memory_space<vmem>>, vector<16x128xf32>,
    return
  }
  func.func @transform_0(%arg0: i32) -> (i32, i32) {
    %c0_i32 = arith.constant 0 : i32
    %c0_i32_0 = arith.constant 0 : i32
    return %arg0, %c0_i32 : i32, i32
  }
  func.func @transform_1(%arg0: i32) -> (i32, i32) {
    %c0_i32 = arith.constant 0 : i32
    %c0_i32_0 = arith.constant 0 : i32
    return %arg0, %c0_i32 : i32, i32
  }
  func.func @transform_2(%arg0: i32) -> (i32, i32) {
    %c0_i32 = arith.constant 0 : i32
    %c0_i32_0 = arith.constant 0 : i32
    return %arg0, %c0_i32 : i32, i32
  }
  func.func @transform_3(%arg0: i32) -> (i32, i32) {
    %c0_i32 = arith.constant 0 : i32
    %c0_i32_0 = arith.constant 0 : i32
    return %arg0, %c0_i32 : i32, i32
  }
  func.func @transform_4(%arg0: i32) -> (i32, i32) {
    %c0_i32 = arith.constant 0 : i32
    %c0_i32_0 = arith.constant 0 : i32
    return %arg0, %c0_i32 : i32, i32
  }
  func.func @transform_5(%arg0: i32) -> (i32, i32) {
    %c0_i32 = arith.constant 0 : i32
    %c0_i32_0 = arith.constant 0 : i32
    %c0_i32_1 = arith.constant 0 : i32
    return %c0_i32, %c0_i32_0 : i32, i32
  }
  func.func @transform_6(%arg0: i32) -> (i32, i32) {
    %c0_i32 = arith.constant 0 : i32
    %c0_i32_0 = arith.constant 0 : i32
    return %arg0, %c0_i32 : i32, i32
  }
  func.func @transform_7(%arg0: i32) -> (i32, i32) {
    %c0_i32 = arith.constant 0 : i32
    %c0_i32_0 = arith.constant 0 : i32
    %c0_i32_1 = arith.constant 0 : i32
    return %c0_i32, %c0_i32_0 : i32, i32
  }
}

</mosaic_0001>

<sc_bundles>
// kernel: kernel.11.cloned.1.call-start
scs
__scs_entry_jumppad:
0x0: {  	(pc) =	sbr.rel $0x88, $3  }
0x1: {  	(tag) =	ssettag $0x0;
	lr =	simm.s32 $0x1  }
0x2: {  	[smem:$0x3F9A] =	sst lr;
	_ =	strace $0xD0000000  }
0x3: {  	_ = 	snop  }
0x4: {  	_ = 	snop  }
0x5: {  	_ = 	snop  }
0x6: {  	_ = 	snop  }
0x7: {  	_ = 	snop  }
__scs_overlays_trampoline_lowered:
0x8: {  	[smem:$0x3FA9] =	sst s0  }
0x9: {  	[smem:$0x3FAA] =	sst s1  }
0xa: {  	[smem:$0x3FAB] =	sst s2  }
0xb: {  	[smem:$0x3FAC] =	sst s3  }
0xc: {  	[smem:$0x3FAD] =	sst s4  }
0xd: {  	[smem:$0x3FAE] =	sst s5  }
0xe: {  	[smem:$0x3FAF] =	sst s6  }
0xf: {  	[smem:$0x3FB0] =	sst s7  }
0x10: {  	[smem:$0x3FB1] =	sst s8  }
0x11: {  	[smem:$0x3FB2] =	sst s9;
	s0 =	simm.s32 @!p0 $0x0  }
0x12: {  	s1 =	sld [smem:$0x3F98];
	s0 =	simm.s32 @p0 $0x1  }
0x13: {  	[smem:$0x3FB3] =	sst s0;
	s0 =	simm.s32 @!p1 $0x0  }
0x14: {  	s2 =	sld [smem:$0x3F97];
	s0 =	simm.s32 @p1 $0x1  }
0x15: {  	[smem:$0x3FB4] =	sst s0;
	s0 =	simm.s32 @!p2 $0x0  }
0x16: {  	s3 =	sld [smem:$0x3FDB];
	s0 =	simm.s32 @p2 $0x1  }
0x17: {  	s4 =	simm.s32 $0x1BF5;
	[smem:$0x3FB6] =	sst s0  }
0x18: {  	s0 =	sld [smem:$0x3F99];
	_ =	swait.ge [sflag:s4], $0x0  }
0x19: {  	s7 =	sld [smem:$0x3F9A]  }
0x1a: {  	s8 =	sadd.s32 $0xFFFFE003, lr  }
0x1b: {  	s9 =	sadd.s32 $0xFFFFFEF7, lr;
	s5 =	simm.s32 $0xFFFFFFFF;
	p2 =	slt.u32 s8, $0xFFFFF086  }
0x1c: {  	p1 =	slt.u32 s9, $0xF7A;
	s5 =	simm.s32 @!p2 $0x0  }
0x1d: {  	s5 =	simm.s32 @p1 $0x1;
	p0 =	seq.s32 s7, s2  }
0x1e: {  	s7 =	smul.u32 @!p0 $0xF7A, s2;
	p2 =	seq.s32 @!p0 s5, $0x0  }
0x1f: {  	s9 =	smul.u32 $0xF7A, s1;
	s8 =	simm.s32 @!p0 $0x1BF5;
	p2 =	por !p2, p0  }
0x20: {  	[sflag:s8] =	ssyncset.s32 @!p0 $0xFFFFF086;
	s6 =	sadd.s32 @!p0 s3, s7;
	s7 =	simm.s32 @!p0 $0x108  }
0x21: {  	s3 =	sadd.s32 s3, s9;
	s6 =	sadd.s32 @!p0 $0x88, s6;
	s7 =	simm.s32 @p2 $0x1082  }
0x22: {  	[simem:s7], [sflag:s8] =	dma.local @!p0 [hbm:s6], $0xF7A  }
0x23: {  	s9 =	sor.u32 $0xD0000000, s2;
	s6 =	simm.s32 $0x108;
	_ =	swait.ge @!p0 [sflag:s8], $0x0  }
0x24: {  	s3 =	sadd.s32 $0x88, s3;
	s6 =	simm.s32 @!p1 $0x1082;
	[sflag:s4] =	ssyncset.s32 $0xFFFFF086  }
0x25: {  	[simem:s6], [sflag:s4] =	dma.local [hbm:s3], $0xF7A  }
0x26: {  	[smem:$0x3F9A] =	sst s1;
	(tag) =	ssettag s2;
	_ =	strace s9  }
0x27: {  	s1 =	sld [smem:$0x3FAA]  }
0x28: {  	s2 =	sld [smem:$0x3FAB]  }
0x29: {  	s4 =	sld [smem:$0x3FAD]  }
0x2a: {  	p0 =	seq.s32 s5, $0x0;
	s5 =	sld [smem:$0x3FAE]  }
0x2b: {  	s6 =	sld [smem:$0x3FAF]  }
0x2c: {  	s7 =	sld [smem:$0x3FB0]  }
0x2d: {  	s3 =	simm.s32 $0x108;
	s8 =	sld [smem:$0x3FB1]  }
0x2e: {  	s3 =	simm.s32 @!p0 $0x1082;
	s9 =	sld [smem:$0x3FB2]  }
0x2f: {  	lr =	sadd.s32 s0, s3;
	s0 =	sld [smem:$0x3FA9]  }
0x30: {  	s3 =	sld [smem:$0x3FAC]  }
0x31: {  	[smem:$0x3FB5] =	sst s10  }
0x32: {  	s10 =	sld [smem:$0x3FB3];
	_ =	sdelay $0x3  }
0x33: {  	p0 =	seq.s32 s10, $0x1;
	s10 =	sld [smem:$0x3FB5];
	_ =	sdelay $0x3  }
0x34: {  	[smem:$0x3FB5] =	sst s10  }
0x35: {  	s10 =	sld [smem:$0x3FB4];
	_ =	sdelay $0x3  }
0x36: {  	p1 =	seq.s32 s10, $0x1;
	s10 =	sld [smem:$0x3FB5];
	_ =	sdelay $0x3  }
0x37: {  	[smem:$0x3FB5] =	sst s10  }
0x38: {  	s10 =	sld [smem:$0x3FB6]  }
0x39: {  	_ = 	snop;
	(pc) =	sbr.ind lr, $3  }
0x3a: {  	_ = 	snop  }
0x3b: {  	_ = 	snop  }
0x3c: {  	p2 =	seq.s32 s10, $0x1;
	s10 =	sld [smem:$0x3FB5]  }
0x3d: {  	_ =	shalt  }
0x3e: {  	_ =	shalt  }
0x3f: {  	_ =	shalt  }
0x40: {  	_ =	shalt  }
0x41: {  	_ =	shalt  }
0x42: {  	_ =	shalt  }
0x43: {  	_ =	shalt  }
0x44: {  	_ =	shalt  }
0x45: {  	_ =	shalt  }
0x46: {  	_ =	shalt  }
0x47: {  	_ =	shalt  }
0x48: {  	_ =	shalt  }
0x49: {  	_ =	shalt  }
0x4a: {  	_ =	shalt  }
0x4b: {  	_ =	shalt  }
0x4c: {  	_ =	shalt  }
0x4d: {  	_ =	shalt  }
0x4e: {  	_ =	shalt  }
0x4f: {  	_ =	shalt  }
0x50: {  	_ =	shalt  }
0x51: {  	_ =	shalt  }
0x52: {  	_ =	shalt  }
0x53: {  	_ =	shalt  }
0x54: {  	_ =	shalt  }
0x55: {  	_ =	shalt  }
0x56: {  	_ =	shalt  }
0x57: {  	_ =	shalt  }
0x58: {  	_ =	shalt  }
0x59: {  	_ =	shalt  }
0x5a: {  	_ =	shalt  }
0x5b: {  	_ =	shalt  }
0x5c: {  	_ =	shalt  }
0x5d: {  	_ =	shalt  }
0x5e: {  	_ =	shalt  }
0x5f: {  	_ =	shalt  }
0x60: {  	_ =	shalt  }
0x61: {  	_ =	shalt  }
0x62: {  	_ =	shalt  }
0x63: {  	_ =	shalt  }
0x64: {  	_ =	shalt  }
0x65: {  	_ =	shalt  }
0x66: {  	_ =	shalt  }
0x67: {  	_ =	shalt  }
0x68: {  	_ =	shalt  }
0x69: {  	_ =	shalt  }
0x6a: {  	_ =	shalt  }
0x6b: {  	_ =	shalt  }
0x6c: {  	_ =	shalt  }
0x6d: {  	_ =	shalt  }
0x6e: {  	_ =	shalt  }
0x6f: {  	_ =	shalt  }
0x70: {  	_ =	shalt  }
0x71: {  	_ =	shalt  }
0x72: {  	_ =	shalt  }
0x73: {  	_ =	shalt  }
0x74: {  	_ =	shalt  }
0x75: {  	_ =	shalt  }
0x76: {  	_ =	shalt  }
0x77: {  	_ =	shalt  }
0x78: {  	_ =	shalt  }
0x79: {  	_ =	shalt  }
0x7a: {  	_ =	shalt  }
0x7b: {  	_ =	shalt  }
0x7c: {  	_ =	shalt  }
0x7d: {  	_ =	shalt  }
0x7e: {  	_ =	shalt  }
0x7f: {  	_ =	shalt  }
0x80: {  	_ =	shalt  }
0x81: {  	_ =	shalt  }
0x82: {  	_ =	shalt  }
0x83: {  	_ =	shalt  }
0x84: {  	_ =	shalt  }
0x85: {  	_ =	shalt  }
0x86: {  	_ =	shalt  }
0x87: {  	_ =	shalt  }
.Lfunc_end0:
.L_simem_size_0:
called_computation.1_lowered:
.L_overlay_start_0:
0x88: {  	s2 =	sld [smem:$0x3FD9]  }
0x89: {  	s3 =	sld [smem:$0x3FFE];
	_ =	sdelay $0x1  }
0x8a: {  	s1 =	srdreg.scid  }
0x8b: {  	s0 =	sand.u32 $0x1, s1  }
0x8c: {  	s16 =	sshll.u32 s0, $0xA;
	s2 =	sadd.s32 s3, s2  }
0x8d: {  	s2 =	sadd.s32 s2, s16  }
0x8e: {  	[smem:$0x3FC1] =	sst s2  }
0x8f: {  	_ = 	snop  }
0x90: {  	(tm) =	ssettm $0x1  }
0x91: {  	s17 =	sld [smem:$0x3FFB];
	_ =	sdelay $0x3  }
0x92: {  	_ =	strace s17  }
0x93: {  	s2 =	sld [smem:$0x3FFC];
	_ =	sdelay $0x3  }
0x94: {  	_ =	strace s2  }
0x95: {  	s2 =	sld [smem:$0x3FFD];
	_ =	sdelay $0x3  }
0x96: {  	_ =	strace s2  }
0x97: {  	_ =	strace $0x8FFFFFFF  }
0x98: {  	s18 =	sld [smem:$0x3FDB];
	_ =	sdelay $0x1  }
0x99: {  	s19 =	simm.s32 $_scs_section_size  }
0x9a: {  	s4 =	simm.s32 $_size__tile_overlayer_lowered;
	s5 =	simm.s32 $_tile_overlayer_lowered  }
0x9b: {  	s22 =	simm.s32 $0x1BFF;
	s21 =	sshll.u32 s5, $0x1;
	s2 =	sadd.s32 s19, s18  }
0x9c: {  	s6 =	simm.s32 $0x0;
	s20 =	sshll.u32 s4, $0x1;
	s4 =	sadd.s32 s21, s2  }
0x9d: {  	[timem:s6], [sflag:s22] =	dma.local [hbm:s4], s20  }
0x9e: {  	_ =	swait.ge [sflag:s22], s20  }
0x9f: {  	s3 =	ssub.s32 $0x0, s20;
	[sflag:s22] =	ssyncset.done $0x0  }
0xa0: {  	[sflag:s22] =	ssyncadd.s32 s3;
	_ =	sdelay $0x1  }
0xa1: {  	s23 =	simm.s32 $0x1B8B  }
0xa2: {  	_ =	swait.ge [sflag:s23], $0x1  }
0xa3: {  	[sflag:s23] =	ssyncset.done $0x0  }
0xa4: {  	s25 =	simm.s32 $0x1B8E;
	s24 =	sld [smem:$0x3FFE];
	[sflag:s23] =	ssyncadd.s32 $0xFFFFFFFF  }
0xa5: {  	s26 =	simm.s32 $execute0_lowered;
	[smem:$0x3FD2] =	sst s25  }
0xa6: {  	s4 =	sshll.u32 s26, $0x1;
	_ =	strace $0x80000049;
	[dreg:$0x1] =	wrdreg $0xFFFFFFFF  }
0xa7: {  	s28 =	simm.s32 $_size_execute0_lowered;
	s2 =	sadd.s32 s2, s4;
	[dreg:$0x0] =	wrdreg $0x0  }
0xa8: {  	s4 =	sshll.u32 s28, $0x1;
	[dreg:$0x2] =	wrdreg s2  }
0xa9: {  	[dreg:$0x3] =	wrdreg s4  }
0xaa: {  	[dreg:$0x4] =	wrdreg $0xC0  }
0xab: {  	_ =	task [dreg:s6], $0x5FFFF  }
0xac: {  	[dreg:$0x1] =	wrdreg $0xFFFFFFFF  }
0xad: {  	[dreg:$0x0] =	wrdreg $0x60  }
0xae: {  	[dreg:$0x2] =	wrdreg s24  }
0xaf: {  	[dreg:$0x3] =	wrdreg $0xAA000  }
0xb0: {  	[dreg:$0x4] =	wrdreg $0x9  }
0xb1: {  	_ =	task.clear_ibuf [dreg:s6], $0x5FFFF;
	_ =	strace $0x90000049  }
0xb2: {  	s29 =	simm.s32 $0x9;
	_ =	strace $0x8000004B  }
0xb3: {  	_ =	swait.ge [sflag:s29], $0x1  }
0xb4: {  	[sflag:s29] =	ssyncadd.s32 $0xFFFFFFFF  }
0xb5: {  	_ =	strace $0x9000004B  }
0xb6: {  	_ =	sfence  }
0xb7: {  	s30 =	sld [smem:$0x0];
	_ =	sdelay $0x2  }
0xb8: {  	s31 =	sshll.u32 s1, $0xD;
	s1 =	sshrl.u32 s1, $0x2  }
0xb9: {  	s3 =	sand.u32 $0x4000, s31;
	s1 =	sadd.s32 s1, s30  }
0xba: {  	s0 =	sor.u32 s3, s0;
	s1 =	sshll.u32 s1, $0x11  }
0xbb: {  	s0 =	sor.u32 s1, s0  }
0xbc: {  	s0 =	sadd.s32 $0x8F2B, s0  }
0xbd: {  	[sflag:s0] =	ssyncadd.remote.s32 $0x1  }
0xbe: {  	_ =	sfence.sel $0xFFFF  }
0xbf: {  	[dreg:$0x0] =	wrdreg $0xFFFFFFFF;
	(pc) =	sbr.abs _section_cstart, $3  }
0xc0: {  	[dreg:$0x1] =	wrdreg $0xFFFFFFFF  }
0xc1: {  	_ =	task.clear_ibuf [dreg:s6], $0x2FFFF;
	_ =	strace $0x9FFFFFFF  }
0xc2: {  	(tm) =	ssettm $0x7FFFFFFF  }
0xc3: {  	_ =	shalt  }
tec
execute0_lowered:
.L_overlay_start_1:
0x0: {  	(tag) =	ssettag $0x1  }
0x1: {  	s6 =	rddreg [dreg:$0x0];
	s0 =	srdreg.scid  }
0x2: {  	s2 =	rddreg [dreg:$0x1];
	s1 =	stileid.u32  }
0x3: {  	s3 =	simm.s32 $0x0;
	s13 =	simm.s32 $0x2800;
	s14 =	simm.s32 $0x2A00  }
0x4: {  	s15 =	simm.s32 $0x2880;
	s16 =	simm.s32 $0x6A00;
	s17 =	simm.s32 $0x1  }
0x5: {  	s18 =	simm.s32 $0x2900;
	s19 =	simm.s32 $0x2;
	s20 =	simm.s32 $0x2980  }
0x6: {  	s21 =	simm.s32 $0x0;
	s7 =	sand.u32 $0x1, s0;
	s8 =	smul.u32 $0x14000, s1  }
0x7: {  	s0 =	rddreg [dreg:$0x2];
	s4 =	sshll.u32 s1, $0x1;
	s10 =	smul.u32 $0x50000, s1  }
0x8: {  	[smem:$0x7FF] =	sst s3;
	s11 =	sshll.u32 s1, $0x6;
	s5 =	smul.u32 $0x140000, s7  }
0x9: {  	s4 =	sor.u32 s7, s4;
	_ =	strace $0x8000004A;
	s31 =	ssub.s32 $0x2, s7  }
0xa: {  	s9 =	smul.u32 $0x500, s4;
	s4 =	sadd.s32 $0x16C00, s6;
	s7 =	sshrl.u32 s31, $0x1  }
0xb: {  	s10 =	sshrl.u32 s10, $0x2;
	s5 =	sadd.s32 s8, s5;
	s12 =	ssub.s32 s31, s7  }
0xc: {  	s10 =	sadd.s32 s10, s2;
	s29 =	sadd.s32 s9, s6;
	s30 =	sshrl.u32 s5, $0x3  }
0xd: {  	s5 =	sadd.s32 $0x2200, s6;
	s10 =	sshrl.u32 s10, $0x3;
	s9 =	sadd.s32 s30, s6  }
0xe: {  	s6 =	sor.u32 $0x1C03, s11;
	s7 =	sadd.s32 $0xCC00, s29;
	s11 =	simm.s32 $0x3  }
0xf: {  	s8 =	sadd.s32 $0x3DE00, s9;
	s9 =	smax.u32 s12, $0x1;
	s12 =	simm.s32 $0x80  }
.LBB2_1:
0x10: {  	[spmem:s10], [sflag:s6] =	dma.local [hbm:s5], $0x2800  }
0x11: {  	_ =	swait.ge [sflag:s11], $0x2800  }
0x12: {  	[sflag:s11] =	ssyncset.done $0x0  }
0x13: {  	[sflag:s11] =	ssyncadd.s32 $0xFFFFD800  }
0x14: {  	[tilespmem:s3], [sflag:$0x3] =	stream.linear.gather [hbm4b:s7+s3], $0x2800, $0x38;
	[tilespmem:$0x1EA00] =	vst v63  }
0x15: {  	_ =	swait.ge [sflag:s11], $0x2800  }
0x16: {  	[sflag:s11] =	ssyncset.done $0x0  }
0x17: {  	[sflag:s11] =	ssyncadd.s32 $0xFFFFD800  }
0x18: {  	[bflag:$0x0] =	sbarrier.arrive $0xFFFF  }
0x19: {  	v0 =	vld [tilespmem:$0x0];
	_ =	sdelay $0x1  }
0x1a: {  	v1 =	vld [tilespmem:$0x10];
	_ =	sdelay $0x1  }
0x1b: {  	v2 =	vld [tilespmem:$0x20]  }
0x1c: {  	v3 =	vand.u32 $0x3FFF, v0  }
0x1d: {  	v0 =	vshrl.u32 v0, $0xE;
	[tilespmem:$0x2800] =	vst v3;
	v3 =	vld [tilespmem:$0x30]  }
0x1e: {  	[tilespmem:$0x2900] =	vst v0;
	v0 =	vand.u32 $0x3FFF, v1  }
0x1f: {  	[tilespmem:$0x2810] =	vst v0;
	v0 =	vshrl.u32 v1, $0xE;
	v1 =	vld [tilespmem:$0x40]  }
0x20: {  	[tilespmem:$0x2910] =	vst v0;
	v0 =	vand.u32 $0x3FFF, v2  }
0x21: {  	[tilespmem:$0x2820] =	vst v0;
	v0 =	vshrl.u32 v2, $0xE;
	v2 =	vld [tilespmem:$0x50]  }
0x22: {  	[tilespmem:$0x2920] =	vst v0;
	v0 =	vand.u32 $0x3FFF, v3  }
0x23: {  	[tilespmem:$0x2830] =	vst v0;
	v0 =	vshrl.u32 v3, $0xE;
	v3 =	vld [tilespmem:$0x60]  }
0x24: {  	[tilespmem:$0x2930] =	vst v0;
	v0 =	vand.u32 $0x3FFF, v1  }
0x25: {  	[tilespmem:$0x2840] =	vst v0;
	v0 =	vshrl.u32 v1, $0xE;
	v1 =	vld [tilespmem:$0x70]  }
0x26: {  	[tilespmem:$0x2940] =	vst v0;
	v0 =	vand.u32 $0x3FFF, v2  }
0x27: {  	[tilespmem:$0x2850] =	vst v0;
	v0 =	vshrl.u32 v2, $0xE  }
0x28: {  	[tilespmem:$0x2950] =	vst v0;
	v0 =	vand.u32 $0x3FFF, v3  }
0x29: {  	[tilespmem:$0x2860] =	vst v0;
	v0 =	vshrl.u32 v3, $0xE  }
0x2a: {  	[tilespmem:$0x2960] =	vst v0;
	v0 =	vand.u32 $0x3FFF, v1  }
0x2b: {  	[tilespmem:$0x2870] =	vst v0;
	v0 =	vshrl.u32 v1, $0xE  }
0x2c: {  	s22 =	simm.s32 $0x0;
	[tilespmem:$0x2970] =	vst v0  }
0x2d: {  	[tilespmem:s14], [sflag:$0x1] =	stream.indirect.gather [hbm4b:s4+s12], $0x80, s13, s12, $0xb8;
	[tilespmem:$0x1EA00] =	vst v63  }
0x2e: {  	v0 =	vld [tilespmem:s22+$0x80];
	_ =	sdelay $0x4  }
0x2f: {  	v1 =	vand.u32 $0x3FFF, v0  }
0x30: {  	v0 =	vshrl.u32 v0, $0xE;
	[tilespmem:$0x2880] =	vst v1  }
0x31: {  	[tilespmem:$0x2980] =	vst v0  }
0x32: {  	v0 =	vld [tilespmem:s22+$0x90];
	_ =	sdelay $0x4  }
0x33: {  	v1 =	vand.u32 $0x3FFF, v0  }
0x34: {  	v0 =	vshrl.u32 v0, $0xE;
	[tilespmem:$0x2890] =	vst v1  }
0x35: {  	[tilespmem:$0x2990] =	vst v0  }
0x36: {  	v0 =	vld [tilespmem:s22+$0xA0];
	_ =	sdelay $0x4  }
0x37: {  	v1 =	vand.u32 $0x3FFF, v0  }
0x38: {  	v0 =	vshrl.u32 v0, $0xE;
	[tilespmem:$0x28A0] =	vst v1  }
0x39: {  	[tilespmem:$0x29A0] =	vst v0  }
0x3a: {  	v0 =	vld [tilespmem:s22+$0xB0];
	_ =	sdelay $0x4  }
0x3b: {  	v1 =	vand.u32 $0x3FFF, v0  }
0x3c: {  	v0 =	vshrl.u32 v0, $0xE;
	[tilespmem:$0x28B0] =	vst v1  }
0x3d: {  	[tilespmem:$0x29B0] =	vst v0  }
0x3e: {  	v0 =	vld [tilespmem:s22+$0xC0];
	_ =	sdelay $0x4  }
0x3f: {  	v1 =	vand.u32 $0x3FFF, v0  }
0x40: {  	v0 =	vshrl.u32 v0, $0xE;
	[tilespmem:$0x28C0] =	vst v1  }
0x41: {  	[tilespmem:$0x29C0] =	vst v0  }
0x42: {  	v0 =	vld [tilespmem:s22+$0xD0];
	_ =	sdelay $0x4  }
0x43: {  	v1 =	vand.u32 $0x3FFF, v0  }
0x44: {  	v0 =	vshrl.u32 v0, $0xE;
	[tilespmem:$0x28D0] =	vst v1  }
0x45: {  	[tilespmem:$0x29D0] =	vst v0  }
0x46: {  	v0 =	vld [tilespmem:s22+$0xE0];
	_ =	sdelay $0x4  }
0x47: {  	v1 =	vand.u32 $0x3FFF, v0  }
0x48: {  	v0 =	vshrl.u32 v0, $0xE;
	[tilespmem:$0x28E0] =	vst v1  }
0x49: {  	[tilespmem:$0x29E0] =	vst v0  }
0x4a: {  	v0 =	vld [tilespmem:s22+$0xF0];
	_ =	sdelay $0x4  }
0x4b: {  	v1 =	vand.u32 $0x3FFF, v0  }
0x4c: {  	v0 =	vshrl.u32 v0, $0xE;
	[tilespmem:$0x28F0] =	vst v1  }
0x4d: {  	[tilespmem:$0x29F0] =	vst v0  }
0x4e: {  	[tilespmem:s16], [sflag:$0x2] =	stream.indirect.gather [hbm4b:s4+s12], $0x80, s15, s12, $0xb8;
	[tilespmem:$0x1EA00] =	vst v63  }
0x4f: {  	_ =	swait.ge [sflag:s17], $0x4000  }
0x50: {  	[sflag:s17] =	ssyncset.done $0x0  }
0x51: {  	[sflag:s17] =	ssyncadd.s32 $0xFFFFC000  }
0x52: {  	[spmem:s2] =	stream.indirect.scatter.add.f32 [tilespmem:s14], [sflag:$0x3], $0x80, s18, s12, $0xb8;
	[tilespmem:$0x1EA00] =	vst v63  }
0x53: {  	_ =	swait.ge [sflag:s11], $0x4000  }
0x54: {  	p1 =	por $0x0, $0x0;
	[sflag:s11] =	ssyncset.done $0x0  }
0x55: {  	s23 =	simm.s32 @!p1 $0x0;
	[sflag:s11] =	ssyncadd.s32 $0xFFFFC000  }
0x56: {  	v0 =	vld @!p1 [tilespmem:s23+$0x100];
	_ =	sdelay $0x4  }
0x57: {  	v1 =	vand.u32 @!p1 $0x3FFF, v0  }
0x58: {  	v0 =	vshrl.u32 @!p1 v0, $0xE;
	[tilespmem:$0x2800] =	vst @!p1 v1  }
0x59: {  	[tilespmem:$0x2900] =	vst @!p1 v0  }
0x5a: {  	v0 =	vld @!p1 [tilespmem:s23+$0x110];
	_ =	sdelay $0x4  }
0x5b: {  	v1 =	vand.u32 @!p1 $0x3FFF, v0  }
0x5c: {  	v0 =	vshrl.u32 @!p1 v0, $0xE;
	[tilespmem:$0x2810] =	vst @!p1 v1  }
0x5d: {  	[tilespmem:$0x2910] =	vst @!p1 v0  }
0x5e: {  	v0 =	vld @!p1 [tilespmem:s23+$0x120];
	_ =	sdelay $0x4  }
0x5f: {  	v1 =	vand.u32 @!p1 $0x3FFF, v0  }
0x60: {  	v0 =	vshrl.u32 @!p1 v0, $0xE;
	[tilespmem:$0x2820] =	vst @!p1 v1  }
0x61: {  	[tilespmem:$0x2920] =	vst @!p1 v0  }
0x62: {  	v0 =	vld @!p1 [tilespmem:s23+$0x130];
	_ =	sdelay $0x4  }
0x63: {  	v1 =	vand.u32 @!p1 $0x3FFF, v0  }
0x64: {  	v0 =	vshrl.u32 @!p1 v0, $0xE;
	[tilespmem:$0x2830] =	vst @!p1 v1  }
0x65: {  	[tilespmem:$0x2930] =	vst @!p1 v0  }
0x66: {  	v0 =	vld @!p1 [tilespmem:s23+$0x140];
	_ =	sdelay $0x4  }
0x67: {  	v1 =	vand.u32 @!p1 $0x3FFF, v0  }
0x68: {  	v0 =	vshrl.u32 @!p1 v0, $0xE;
	[tilespmem:$0x2840] =	vst @!p1 v1  }
0x69: {  	[tilespmem:$0x2940] =	vst @!p1 v0  }
0x6a: {  	v0 =	vld @!p1 [tilespmem:s23+$0x150];
	_ =	sdelay $0x4  }
0x6b: {  	v1 =	vand.u32 @!p1 $0x3FFF, v0  }
0x6c: {  	v0 =	vshrl.u32 @!p1 v0, $0xE;
	[tilespmem:$0x2850] =	vst @!p1 v1  }
0x6d: {  	[tilespmem:$0x2950] =	vst @!p1 v0  }
0x6e: {  	v0 =	vld @!p1 [tilespmem:s23+$0x160];
	_ =	sdelay $0x4  }
0x6f: {  	s25 =	simm.s32 @!p1 $0x80;
	v1 =	vand.u32 @!p1 $0x3FFF, v0  }
0x70: {  	s26 =	simm.s32 @!p1 $0x2800;
	s28 =	simm.s32 @!p1 $0x2A00;
	s22 =	simm.s32 $0x400;
	v0 =	vshrl.u32 @!p1 v0, $0xE;
	[tilespmem:$0x2860] =	vst @!p1 v1  }
.LBB2_2:
0x71: {  	[tilespmem:$0x2960] =	vst @!p1 v0;
	s24 =	smov.u32 s22;
	s22 =	sadd.s32 $0x400, s22  }
0x72: {  	p0 =	sne.s32 s22, $0xA000;
	v0 =	vld @!p1 [tilespmem:s23+$0x170];
	_ =	sdelay $0x4  }
0x73: {  	v1 =	vand.u32 @!p1 $0x3FFF, v0;
	v0 =	vshrl.u32 @!p1 v0, $0xE  }
0x74: {  	[tilespmem:$0x2870] =	vst @!p1 v1  }
0x75: {  	[tilespmem:$0x2970] =	vst @!p1 v0  }
0x76: {  	[tilespmem:s28], [sflag:$0x1] =	stream.indirect.gather @!p1 [hbm4b:s4+s25], $0x80, s26, s25, $0xb8;
	[tilespmem:$0x1EA00] =	vst v63  }
0x77: {  	_ =	swait.ge [sflag:s19], $0x4000  }
0x78: {  	[sflag:s19] =	ssyncset.done $0x0  }
0x79: {  	[sflag:s19] =	ssyncadd.s32 $0xFFFFC000  }
0x7a: {  	[spmem:s2] =	stream.indirect.scatter.add.f32 [tilespmem:s16], [sflag:$0x3], $0x80, s20, s12, $0xb8;
	[tilespmem:$0x1EA00] =	vst v63  }
0x7b: {  	_ =	swait.ge [sflag:s11], $0x4000  }
0x7c: {  	[sflag:s11] =	ssyncset.done $0x0  }
0x7d: {  	s23 =	sshra.s32 s24, $0x2;
	[sflag:s11] =	ssyncadd.s32 $0xFFFFC000  }
0x7e: {  	v0 =	vld [tilespmem:s23+$0x80];
	_ =	sdelay $0x4  }
0x7f: {  	v1 =	vand.u32 $0x3FFF, v0;
	v0 =	vshrl.u32 v0, $0xE  }
0x80: {  	[tilespmem:$0x2880] =	vst v1  }
0x81: {  	[tilespmem:$0x2980] =	vst v0  }
0x82: {  	v0 =	vld [tilespmem:s23+$0x90];
	_ =	sdelay $0x4  }
0x83: {  	v1 =	vand.u32 $0x3FFF, v0;
	v0 =	vshrl.u32 v0, $0xE  }
0x84: {  	[tilespmem:$0x2890] =	vst v1  }
0x85: {  	[tilespmem:$0x2990] =	vst v0  }
0x86: {  	v0 =	vld [tilespmem:s23+$0xA0];
	_ =	sdelay $0x4  }
0x87: {  	v1 =	vand.u32 $0x3FFF, v0;
	v0 =	vshrl.u32 v0, $0xE  }
0x88: {  	[tilespmem:$0x28A0] =	vst v1  }
0x89: {  	[tilespmem:$0x29A0] =	vst v0  }
0x8a: {  	v0 =	vld [tilespmem:s23+$0xB0];
	_ =	sdelay $0x4  }
0x8b: {  	v1 =	vand.u32 $0x3FFF, v0;
	v0 =	vshrl.u32 v0, $0xE  }
0x8c: {  	[tilespmem:$0x28B0] =	vst v1  }
0x8d: {  	[tilespmem:$0x29B0] =	vst v0  }
0x8e: {  	v0 =	vld [tilespmem:s23+$0xC0];
	_ =	sdelay $0x4  }
0x8f: {  	v1 =	vand.u32 $0x3FFF, v0;
	v0 =	vshrl.u32 v0, $0xE  }
0x90: {  	[tilespmem:$0x28C0] =	vst v1  }
0x91: {  	[tilespmem:$0x29C0] =	vst v0  }
0x92: {  	v0 =	vld [tilespmem:s23+$0xD0];
	_ =	sdelay $0x4  }
0x93: {  	v1 =	vand.u32 $0x3FFF, v0;
	v0 =	vshrl.u32 v0, $0xE  }
0x94: {  	[tilespmem:$0x28D0] =	vst v1  }
0x95: {  	[tilespmem:$0x29D0] =	vst v0  }
0x96: {  	v0 =	vld [tilespmem:s23+$0xE0];
	_ =	sdelay $0x4  }
0x97: {  	v1 =	vand.u32 $0x3FFF, v0;
	v0 =	vshrl.u32 v0, $0xE  }
0x98: {  	[tilespmem:$0x28E0] =	vst v1  }
0x99: {  	[tilespmem:$0x29E0] =	vst v0  }
0x9a: {  	v0 =	vld [tilespmem:s23+$0xF0];
	_ =	sdelay $0x4  }
0x9b: {  	v1 =	vand.u32 $0x3FFF, v0;
	v0 =	vshrl.u32 v0, $0xE  }
0x9c: {  	p1 =	seq.s32 s24, $0x9C00;
	[tilespmem:$0x28F0] =	vst v1  }
0x9d: {  	s23 =	sshra.s32 @!p1 s24, $0x2;
	[tilespmem:$0x29F0] =	vst v0  }
0x9e: {  	[tilespmem:s16], [sflag:$0x2] =	stream.indirect.gather [hbm4b:s4+s12], $0x80, s15, s12, $0xb8;
	[tilespmem:$0x1EA00] =	vst v63  }
0x9f: {  	_ =	swait.ge [sflag:s17], $0x4000  }
0xa0: {  	[sflag:s17] =	ssyncset.done $0x0  }
0xa1: {  	[sflag:s17] =	ssyncadd.s32 $0xFFFFC000  }
0xa2: {  	[spmem:s2] =	stream.indirect.scatter.add.f32 [tilespmem:s14], [sflag:$0x3], $0x80, s18, s12, $0xb8;
	[tilespmem:$0x1EA00] =	vst v63  }
0xa3: {  	_ =	swait.ge [sflag:s11], $0x4000  }
0xa4: {  	[sflag:s11] =	ssyncset.done $0x0  }
0xa5: {  	[sflag:s11] =	ssyncadd.s32 $0xFFFFC000  }
0xa6: {  	v0 =	vld @!p1 [tilespmem:s23+$0x100];
	_ =	sdelay $0x4  }
0xa7: {  	v1 =	vand.u32 @!p1 $0x3FFF, v0;
	v0 =	vshrl.u32 @!p1 v0, $0xE  }
0xa8: {  	[tilespmem:$0x2800] =	vst @!p1 v1  }
0xa9: {  	[tilespmem:$0x2900] =	vst @!p1 v0  }
0xaa: {  	v0 =	vld @!p1 [tilespmem:s23+$0x110];
	_ =	sdelay $0x4  }
0xab: {  	v1 =	vand.u32 @!p1 $0x3FFF, v0;
	v0 =	vshrl.u32 @!p1 v0, $0xE  }
0xac: {  	[tilespmem:$0x2810] =	vst @!p1 v1  }
0xad: {  	[tilespmem:$0x2910] =	vst @!p1 v0  }
0xae: {  	v0 =	vld @!p1 [tilespmem:s23+$0x120];
	_ =	sdelay $0x4  }
0xaf: {  	v1 =	vand.u32 @!p1 $0x3FFF, v0;
	v0 =	vshrl.u32 @!p1 v0, $0xE  }
0xb0: {  	[tilespmem:$0x2820] =	vst @!p1 v1  }
0xb1: {  	[tilespmem:$0x2920] =	vst @!p1 v0  }
0xb2: {  	v0 =	vld @!p1 [tilespmem:s23+$0x130];
	_ =	sdelay $0x4  }
0xb3: {  	v1 =	vand.u32 @!p1 $0x3FFF, v0;
	v0 =	vshrl.u32 @!p1 v0, $0xE  }
0xb4: {  	[tilespmem:$0x2830] =	vst @!p1 v1  }
0xb5: {  	[tilespmem:$0x2930] =	vst @!p1 v0  }
0xb6: {  	v0 =	vld @!p1 [tilespmem:s23+$0x140];
	_ =	sdelay $0x4  }
0xb7: {  	v1 =	vand.u32 @!p1 $0x3FFF, v0;
	v0 =	vshrl.u32 @!p1 v0, $0xE  }
0xb8: {  	[tilespmem:$0x2840] =	vst @!p1 v1  }
0xb9: {  	[tilespmem:$0x2940] =	vst @!p1 v0  }
0xba: {  	v0 =	vld @!p1 [tilespmem:s23+$0x150];
	_ =	sdelay $0x4  }
0xbb: {  	v1 =	vand.u32 @!p1 $0x3FFF, v0;
	v0 =	vshrl.u32 @!p1 v0, $0xE  }
0xbc: {  	[tilespmem:$0x2850] =	vst @!p1 v1  }
0xbd: {  	s25 =	simm.s32 @!p1 $0x80;
	s26 =	simm.s32 @!p1 $0x2800;
	s28 =	simm.s32 @!p1 $0x2A00;
	[tilespmem:$0x2950] =	vst @!p1 v0  }
0xbe: {  	v0 =	vld @!p1 [tilespmem:s23+$0x160];
	_ =	sdelay $0x1  }
.Ltmp0:
0xbf: {  	(pc) =	sbr.rel @p0 .LBB2_2-.Ltmp0, $3  }
0xc0: {  	_ =	sdelay $0x1  }
0xc1: {  	v1 =	vand.u32 @!p1 $0x3FFF, v0;
	v0 =	vshrl.u32 @!p1 v0, $0xE  }
0xc2: {  	[tilespmem:$0x2860] =	vst @!p1 v1  }
0xc3: {  	[tilespmem:$0x2960] =	vst @!p1 v0  }
0xc4: {  	v0 =	vld @!p1 [tilespmem:s23+$0x170];
	_ =	sdelay $0x4  }
0xc5: {  	v1 =	vand.u32 @!p1 $0x3FFF, v0  }
0xc6: {  	v0 =	vshrl.u32 @!p1 v0, $0xE;
	[tilespmem:$0x2870] =	vst @!p1 v1  }
0xc7: {  	[tilespmem:$0x2970] =	vst @!p1 v0  }
0xc8: {  	[tilespmem:s28], [sflag:$0x1] =	stream.indirect.gather @!p1 [hbm4b:s4+s25], $0x80, s26, s25, $0xb8;
	[tilespmem:$0x1EA00] =	vst v63  }
0xc9: {  	_ =	swait.ge [sflag:s19], $0x4000  }
0xca: {  	[sflag:s19] =	ssyncset.done $0x0  }
0xcb: {  	[sflag:s19] =	ssyncadd.s32 $0xFFFFC000  }
0xcc: {  	[spmem:s2] =	stream.indirect.scatter.add.f32 [tilespmem:s16], [sflag:$0x3], $0x80, s20, s12, $0xb8;
	[tilespmem:$0x1EA00] =	vst v63  }
0xcd: {  	_ =	swait.ge [sflag:s11], $0x4000  }
0xce: {  	s21 =	sadd.s32 $0x1, s21;
	[sflag:s11] =	ssyncset.done $0x0  }
0xcf: {  	p0 =	sne.s32 s21, s9;
	[sflag:s11] =	ssyncadd.s32 $0xFFFFC000  }
.Ltmp1:
0xd0: {  	[bflag:$0x0] =	sbarrier.arrive $0xFFFF;
	(pc) =	sbr.rel @p0 .LBB2_1-.Ltmp1, $4  }
0xd1: {  	[hbm:s8], [sflag:s6] =	dma.local [spmem:s10], $0x2800  }
0xd2: {  	_ =	swait.ge [sflag:s11], $0x2800  }
0xd3: {  	[sflag:s11] =	ssyncset.done $0x0  }
0xd4: {  	[sflag:s11] =	ssyncadd.s32 $0xFFFFD800  }
0xd5: {  	_ =	sfence.sel $0x180000  }
0xd6: {  	[bflag:$0x0] =	sbarrier.arrive $0xFFFF  }
0xd7: {  	p0 =	sne.s32 s1, $0x0;
	_ =	strace $0x9000004A  }
0xd8: {  	s0 =	sadd.s32 @!p0 $0x100000, s0;
	[bflag:$0x2] =	sbarrier.arrive $0xFFFF  }
0xd9: {  	[sflag:s0] =	ssyncadd.tile.s32 @!p0 $0x1;
	_ =	shalt  }
.Lfunc_end2:
_tile_overlayer_lowered:
.L_overlay_start_2:
0xda: {  	(tag) =	ssettag $0x2  }
0xdb: {  	s0 =	rddreg [dreg:$0x0];
	s2 =	stileid.u32  }
0xdc: {  	s1 =	rddreg [dreg:$0x1];
	p0 =	sne.s32 s2, $0x0  }
0xdd: {  	s3 =	rddreg [dreg:$0x2];
	[bflag:$0x3] =	sbarrier.arrive $0xFFFF;
	s2 =	simm.s32 @!p0 $0x1C03  }
0xde: {  	[timem:s3], [sflag:s2] =	dma.local @!p0 [hbm:s0], s1  }
0xdf: {  	s0 =	simm.s32 @!p0 $0x3  }
0xe0: {  	_ =	swait.ge @!p0 [sflag:s0], s1  }
0xe1: {  	s1 =	ssub.s32 @!p0 $0x0, s1;
	[sflag:s0] =	ssyncset.done @!p0 $0x0  }
0xe2: {  	[sflag:s0] =	ssyncadd.s32 @!p0 s1  }
0xe3: {  	[bflag:$0x3] =	sbarrier.arrive $0xFFFF  }
0xe4: {  	_ =	shalt  }

// kernel: kernel.14.cloned.1.call-start
scs
__scs_entry_jumppad:
0x0: {  	(pc) =	sbr.rel $0x88, $3  }
0x1: {  	(tag) =	ssettag $0x0;
	lr =	simm.s32 $0x1  }
0x2: {  	[smem:$0x3F9A] =	sst lr;
	_ =	strace $0xD0000000  }
0x3: {  	_ = 	snop  }
0x4: {  	_ = 	snop  }
0x5: {  	_ = 	snop  }
0x6: {  	_ = 	snop  }
0x7: {  	_ = 	snop  }
__scs_overlays_trampoline_lowered:
0x8: {  	[smem:$0x3FA9] =	sst s0  }
0x9: {  	[smem:$0x3FAA] =	sst s1  }
0xa: {  	[smem:$0x3FAB] =	sst s2  }
0xb: {  	[smem:$0x3FAC] =	sst s3  }
0xc: {  	[smem:$0x3FAD] =	sst s4  }
0xd: {  	[smem:$0x3FAE] =	sst s5  }
0xe: {  	[smem:$0x3FAF] =	sst s6  }
0xf: {  	[smem:$0x3FB0] =	sst s7  }
0x10: {  	[smem:$0x3FB1] =	sst s8  }
0x11: {  	[smem:$0x3FB2] =	sst s9;
	s0 =	simm.s32 @!p0 $0x0  }
0x12: {  	s1 =	sld [smem:$0x3F98];
	s0 =	simm.s32 @p0 $0x1  }
0x13: {  	[smem:$0x3FB3] =	sst s0;
	s0 =	simm.s32 @!p1 $0x0  }
0x14: {  	s2 =	sld [smem:$0x3F97];
	s0 =	simm.s32 @p1 $0x1  }
0x15: {  	[smem:$0x3FB4] =	sst s0;
	s0 =	simm.s32 @!p2 $0x0  }
0x16: {  	s3 =	sld [smem:$0x3FDB];
	s0 =	simm.s32 @p2 $0x1  }
0x17: {  	s4 =	simm.s32 $0x1BF5;
	[smem:$0x3FB6] =	sst s0  }
0x18: {  	s0 =	sld [smem:$0x3F99];
	_ =	swait.ge [sflag:s4], $0x0  }
0x19: {  	s7 =	sld [smem:$0x3F9A]  }
0x1a: {  	s8 =	sadd.s32 $0xFFFFE003, lr  }
0x1b: {  	s9 =	sadd.s32 $0xFFFFFEF7, lr;
	s5 =	simm.s32 $0xFFFFFFFF;
	p2 =	slt.u32 s8, $0xFFFFF086  }
0x1c: {  	p1 =	slt.u32 s9, $0xF7A;
	s5 =	simm.s32 @!p2 $0x0  }
0x1d: {  	s5 =	simm.s32 @p1 $0x1;
	p0 =	seq.s32 s7, s2  }
0x1e: {  	s7 =	smul.u32 @!p0 $0xF7A, s2;
	p2 =	seq.s32 @!p0 s5, $0x0  }
0x1f: {  	s9 =	smul.u32 $0xF7A, s1;
	s8 =	simm.s32 @!p0 $0x1BF5;
	p2 =	por !p2, p0  }
0x20: {  	[sflag:s8] =	ssyncset.s32 @!p0 $0xFFFFF086;
	s6 =	sadd.s32 @!p0 s3, s7;
	s7 =	simm.s32 @!p0 $0x108  }
0x21: {  	s3 =	sadd.s32 s3, s9;
	s6 =	sadd.s32 @!p0 $0x88, s6;
	s7 =	simm.s32 @p2 $0x1082  }
0x22: {  	[simem:s7], [sflag:s8] =	dma.local @!p0 [hbm:s6], $0xF7A  }
0x23: {  	s9 =	sor.u32 $0xD0000000, s2;
	s6 =	simm.s32 $0x108;
	_ =	swait.ge @!p0 [sflag:s8], $0x0  }
0x24: {  	s3 =	sadd.s32 $0x88, s3;
	s6 =	simm.s32 @!p1 $0x1082;
	[sflag:s4] =	ssyncset.s32 $0xFFFFF086  }
0x25: {  	[simem:s6], [sflag:s4] =	dma.local [hbm:s3], $0xF7A  }
0x26: {  	[smem:$0x3F9A] =	sst s1;
	(tag) =	ssettag s2;
	_ =	strace s9  }
0x27: {  	s1 =	sld [smem:$0x3FAA]  }
0x28: {  	s2 =	sld [smem:$0x3FAB]  }
0x29: {  	s4 =	sld [smem:$0x3FAD]  }
0x2a: {  	p0 =	seq.s32 s5, $0x0;
	s5 =	sld [smem:$0x3FAE]  }
0x2b: {  	s6 =	sld [smem:$0x3FAF]  }
0x2c: {  	s7 =	sld [smem:$0x3FB0]  }
0x2d: {  	s3 =	simm.s32 $0x108;
	s8 =	sld [smem:$0x3FB1]  }
0x2e: {  	s3 =	simm.s32 @!p0 $0x1082;
	s9 =	sld [smem:$0x3FB2]  }
0x2f: {  	lr =	sadd.s32 s0, s3;
	s0 =	sld [smem:$0x3FA9]  }
0x30: {  	s3 =	sld [smem:$0x3FAC]  }
0x31: {  	[smem:$0x3FB5] =	sst s10  }
0x32: {  	s10 =	sld [smem:$0x3FB3];
	_ =	sdelay $0x3  }
0x33: {  	p0 =	seq.s32 s10, $0x1;
	s10 =	sld [smem:$0x3FB5];
	_ =	sdelay $0x3  }
0x34: {  	[smem:$0x3FB5] =	sst s10  }
0x35: {  	s10 =	sld [smem:$0x3FB4];
	_ =	sdelay $0x3  }
0x36: {  	p1 =	seq.s32 s10, $0x1;
	s10 =	sld [smem:$0x3FB5];
	_ =	sdelay $0x3  }
0x37: {  	[smem:$0x3FB5] =	sst s10  }
0x38: {  	s10 =	sld [smem:$0x3FB6]  }
0x39: {  	_ = 	snop;
	(pc) =	sbr.ind lr, $3  }
0x3a: {  	_ = 	snop  }
0x3b: {  	_ = 	snop  }
0x3c: {  	p2 =	seq.s32 s10, $0x1;
	s10 =	sld [smem:$0x3FB5]  }
0x3d: {  	_ =	shalt  }
0x3e: {  	_ =	shalt  }
0x3f: {  	_ =	shalt  }
0x40: {  	_ =	shalt  }
0x41: {  	_ =	shalt  }
0x42: {  	_ =	shalt  }
0x43: {  	_ =	shalt  }
0x44: {  	_ =	shalt  }
0x45: {  	_ =	shalt  }
0x46: {  	_ =	shalt  }
0x47: {  	_ =	shalt  }
0x48: {  	_ =	shalt  }
0x49: {  	_ =	shalt  }
0x4a: {  	_ =	shalt  }
0x4b: {  	_ =	shalt  }
0x4c: {  	_ =	shalt  }
0x4d: {  	_ =	shalt  }
0x4e: {  	_ =	shalt  }
0x4f: {  	_ =	shalt  }
0x50: {  	_ =	shalt  }
0x51: {  	_ =	shalt  }
0x52: {  	_ =	shalt  }
0x53: {  	_ =	shalt  }
0x54: {  	_ =	shalt  }
0x55: {  	_ =	shalt  }
0x56: {  	_ =	shalt  }
0x57: {  	_ =	shalt  }
0x58: {  	_ =	shalt  }
0x59: {  	_ =	shalt  }
0x5a: {  	_ =	shalt  }
0x5b: {  	_ =	shalt  }
0x5c: {  	_ =	shalt  }
0x5d: {  	_ =	shalt  }
0x5e: {  	_ =	shalt  }
0x5f: {  	_ =	shalt  }
0x60: {  	_ =	shalt  }
0x61: {  	_ =	shalt  }
0x62: {  	_ =	shalt  }
0x63: {  	_ =	shalt  }
0x64: {  	_ =	shalt  }
0x65: {  	_ =	shalt  }
0x66: {  	_ =	shalt  }
0x67: {  	_ =	shalt  }
0x68: {  	_ =	shalt  }
0x69: {  	_ =	shalt  }
0x6a: {  	_ =	shalt  }
0x6b: {  	_ =	shalt  }
0x6c: {  	_ =	shalt  }
0x6d: {  	_ =	shalt  }
0x6e: {  	_ =	shalt  }
0x6f: {  	_ =	shalt  }
0x70: {  	_ =	shalt  }
0x71: {  	_ =	shalt  }
0x72: {  	_ =	shalt  }
0x73: {  	_ =	shalt  }
0x74: {  	_ =	shalt  }
0x75: {  	_ =	shalt  }
0x76: {  	_ =	shalt  }
0x77: {  	_ =	shalt  }
0x78: {  	_ =	shalt  }
0x79: {  	_ =	shalt  }
0x7a: {  	_ =	shalt  }
0x7b: {  	_ =	shalt  }
0x7c: {  	_ =	shalt  }
0x7d: {  	_ =	shalt  }
0x7e: {  	_ =	shalt  }
0x7f: {  	_ =	shalt  }
0x80: {  	_ =	shalt  }
0x81: {  	_ =	shalt  }
0x82: {  	_ =	shalt  }
0x83: {  	_ =	shalt  }
0x84: {  	_ =	shalt  }
0x85: {  	_ =	shalt  }
0x86: {  	_ =	shalt  }
0x87: {  	_ =	shalt  }
.Lfunc_end0:
.L_simem_size_0:
called_computation.2_lowered:
.L_overlay_start_0:
0x88: {  	s2 =	sld [smem:$0x3FD9]  }
0x89: {  	s3 =	sld [smem:$0x3FFE];
	_ =	sdelay $0x1  }
0x8a: {  	s1 =	srdreg.scid  }
0x8b: {  	s0 =	sand.u32 $0x1, s1  }
0x8c: {  	s16 =	sshll.u32 s0, $0xA;
	s2 =	sadd.s32 s3, s2  }
0x8d: {  	s2 =	sadd.s32 s2, s16  }
0x8e: {  	[smem:$0x3FC1] =	sst s2  }
0x8f: {  	_ = 	snop  }
0x90: {  	(tm) =	ssettm $0x1  }
0x91: {  	s17 =	sld [smem:$0x3FFB];
	_ =	sdelay $0x3  }
0x92: {  	_ =	strace s17  }
0x93: {  	s2 =	sld [smem:$0x3FFC];
	_ =	sdelay $0x3  }
0x94: {  	_ =	strace s2  }
0x95: {  	s2 =	sld [smem:$0x3FFD];
	_ =	sdelay $0x3  }
0x96: {  	_ =	strace s2  }
0x97: {  	_ =	strace $0x8FFFFFFF  }
0x98: {  	s18 =	sld [smem:$0x3FDB];
	_ =	sdelay $0x1  }
0x99: {  	s19 =	simm.s32 $_scs_section_size  }
0x9a: {  	s4 =	simm.s32 $_size__tile_overlayer_lowered;
	s5 =	simm.s32 $_tile_overlayer_lowered  }
0x9b: {  	s22 =	simm.s32 $0x1BFF;
	s21 =	sshll.u32 s5, $0x1;
	s2 =	sadd.s32 s19, s18  }
0x9c: {  	s6 =	simm.s32 $0x0;
	s20 =	sshll.u32 s4, $0x1;
	s4 =	sadd.s32 s21, s2  }
0x9d: {  	[timem:s6], [sflag:s22] =	dma.local [hbm:s4], s20  }
0x9e: {  	_ =	swait.ge [sflag:s22], s20  }
0x9f: {  	s3 =	ssub.s32 $0x0, s20;
	[sflag:s22] =	ssyncset.done $0x0  }
0xa0: {  	[sflag:s22] =	ssyncadd.s32 s3;
	_ =	sdelay $0x1  }
0xa1: {  	s23 =	simm.s32 $0x1B8B  }
0xa2: {  	_ =	swait.ge [sflag:s23], $0x1  }
0xa3: {  	[sflag:s23] =	ssyncset.done $0x0  }
0xa4: {  	s25 =	simm.s32 $0x1B8E;
	s24 =	sld [smem:$0x3FFE];
	[sflag:s23] =	ssyncadd.s32 $0xFFFFFFFF  }
0xa5: {  	s26 =	simm.s32 $execute0_lowered;
	[smem:$0x3FD2] =	sst s25  }
0xa6: {  	s4 =	sshll.u32 s26, $0x1;
	_ =	strace $0x8000004C;
	[dreg:$0x1] =	wrdreg $0xFFFFFFFF  }
0xa7: {  	s28 =	simm.s32 $_size_execute0_lowered;
	s2 =	sadd.s32 s2, s4;
	[dreg:$0x0] =	wrdreg $0x0  }
0xa8: {  	s4 =	sshll.u32 s28, $0x1;
	[dreg:$0x2] =	wrdreg s2  }
0xa9: {  	[dreg:$0x3] =	wrdreg s4  }
0xaa: {  	[dreg:$0x4] =	wrdreg $0xC0  }
0xab: {  	_ =	task [dreg:s6], $0x5FFFF  }
0xac: {  	[dreg:$0x1] =	wrdreg $0xFFFFFFFF  }
0xad: {  	[dreg:$0x0] =	wrdreg $0x60  }
0xae: {  	[dreg:$0x2] =	wrdreg s24  }
0xaf: {  	[dreg:$0x3] =	wrdreg $0xAA000  }
0xb0: {  	[dreg:$0x4] =	wrdreg $0x9  }
0xb1: {  	_ =	task.clear_ibuf [dreg:s6], $0x5FFFF;
	_ =	strace $0x9000004C  }
0xb2: {  	s29 =	simm.s32 $0x9;
	_ =	strace $0x8000004E  }
0xb3: {  	_ =	swait.ge [sflag:s29], $0x1  }
0xb4: {  	[sflag:s29] =	ssyncadd.s32 $0xFFFFFFFF  }
0xb5: {  	_ =	strace $0x9000004E  }
0xb6: {  	_ =	sfence  }
0xb7: {  	s30 =	sld [smem:$0x0];
	_ =	sdelay $0x2  }
0xb8: {  	s31 =	sshll.u32 s1, $0xD;
	s1 =	sshrl.u32 s1, $0x2  }
0xb9: {  	s3 =	sand.u32 $0x4000, s31;
	s1 =	sadd.s32 s1, s30  }
0xba: {  	s0 =	sor.u32 s3, s0;
	s1 =	sshll.u32 s1, $0x11  }
0xbb: {  	s0 =	sor.u32 s1, s0  }
0xbc: {  	s0 =	sadd.s32 $0x8F2B, s0  }
0xbd: {  	[sflag:s0] =	ssyncadd.remote.s32 $0x1  }
0xbe: {  	_ =	sfence.sel $0xFFFF  }
0xbf: {  	[dreg:$0x0] =	wrdreg $0xFFFFFFFF;
	(pc) =	sbr.abs _section_cstart, $3  }
0xc0: {  	[dreg:$0x1] =	wrdreg $0xFFFFFFFF  }
0xc1: {  	_ =	task.clear_ibuf [dreg:s6], $0x2FFFF;
	_ =	strace $0x9FFFFFFF  }
0xc2: {  	(tm) =	ssettm $0x7FFFFFFF  }
0xc3: {  	_ =	shalt  }
tec
execute0_lowered:
.L_overlay_start_1:
0x0: {  	(tag) =	ssettag $0x1  }
0x1: {  	s6 =	rddreg [dreg:$0x0];
	s0 =	srdreg.scid  }
0x2: {  	s2 =	rddreg [dreg:$0x1];
	s1 =	stileid.u32  }
0x3: {  	s3 =	simm.s32 $0x0;
	s13 =	simm.s32 $0x2800;
	s14 =	simm.s32 $0x2A00  }
0x4: {  	s15 =	simm.s32 $0x2880;
	s16 =	simm.s32 $0x6A00;
	s17 =	simm.s32 $0x1  }
0x5: {  	s18 =	simm.s32 $0x2900;
	s19 =	simm.s32 $0x2;
	s20 =	simm.s32 $0x2980  }
0x6: {  	s21 =	simm.s32 $0x0;
	s7 =	sand.u32 $0x1, s0;
	s8 =	smul.u32 $0x14000, s1  }
0x7: {  	s0 =	rddreg [dreg:$0x2];
	s4 =	sshll.u32 s1, $0x1;
	s10 =	smul.u32 $0x50000, s1  }
0x8: {  	[smem:$0x7FF] =	sst s3;
	s11 =	sshll.u32 s1, $0x6;
	s5 =	smul.u32 $0x140000, s7  }
0x9: {  	s4 =	sor.u32 s7, s4;
	_ =	strace $0x8000004D;
	s31 =	ssub.s32 $0x2, s7  }
0xa: {  	s9 =	smul.u32 $0x500, s4;
	s4 =	sadd.s32 $0x16C00, s6;
	s7 =	sshrl.u32 s31, $0x1  }
0xb: {  	s10 =	sshrl.u32 s10, $0x2;
	s5 =	sadd.s32 s8, s5;
	s12 =	ssub.s32 s31, s7  }
0xc: {  	s10 =	sadd.s32 s10, s2;
	s29 =	sadd.s32 s9, s6;
	s30 =	sshrl.u32 s5, $0x3  }
0xd: {  	s5 =	sadd.s32 $0x2200, s6;
	s10 =	sshrl.u32 s10, $0x3;
	s9 =	sadd.s32 s30, s6  }
0xe: {  	s6 =	sor.u32 $0x1C03, s11;
	s7 =	sadd.s32 $0xCC00, s29;
	s11 =	simm.s32 $0x3  }
0xf: {  	s8 =	sadd.s32 $0x3DE00, s9;
	s9 =	smax.u32 s12, $0x1;
	s12 =	simm.s32 $0x80  }
.LBB2_1:
0x10: {  	[spmem:s10], [sflag:s6] =	dma.local [hbm:s5], $0x2800  }
0x11: {  	_ =	swait.ge [sflag:s11], $0x2800  }
0x12: {  	[sflag:s11] =	ssyncset.done $0x0  }
0x13: {  	[sflag:s11] =	ssyncadd.s32 $0xFFFFD800  }
0x14: {  	[tilespmem:s3], [sflag:$0x3] =	stream.linear.gather [hbm4b:s7+s3], $0x2800, $0x38;
	[tilespmem:$0x1EA00] =	vst v63  }
0x15: {  	_ =	swait.ge [sflag:s11], $0x2800  }
0x16: {  	[sflag:s11] =	ssyncset.done $0x0  }
0x17: {  	[sflag:s11] =	ssyncadd.s32 $0xFFFFD800  }
0x18: {  	[bflag:$0x0] =	sbarrier.arrive $0xFFFF  }
0x19: {  	v0 =	vld [tilespmem:$0x0];
	_ =	sdelay $0x1  }
0x1a: {  	v1 =	vld [tilespmem:$0x10];
	_ =	sdelay $0x1  }
0x1b: {  	v2 =	vld [tilespmem:$0x20]  }
0x1c: {  	v3 =	vand.u32 $0x3FFF, v0  }
0x1d: {  	v0 =	vshrl.u32 v0, $0xE;
	[tilespmem:$0x2800] =	vst v3;
	v3 =	vld [tilespmem:$0x30]  }
0x1e: {  	[tilespmem:$0x2900] =	vst v0;
	v0 =	vand.u32 $0x3FFF, v1  }
0x1f: {  	[tilespmem:$0x2810] =	vst v0;
	v0 =	vshrl.u32 v1, $0xE;
	v1 =	vld [tilespmem:$0x40]  }
0x20: {  	[tilespmem:$0x2910] =	vst v0;
	v0 =	vand.u32 $0x3FFF, v2  }
0x21: {  	[tilespmem:$0x2820] =	vst v0;
	v0 =	vshrl.u32 v2, $0xE;
	v2 =	vld [tilespmem:$0x50]  }
0x22: {  	[tilespmem:$0x2920] =	vst v0;
	v0 =	vand.u32 $0x3FFF, v3  }
0x23: {  	[tilespmem:$0x2830] =	vst v0;
	v0 =	vshrl.u32 v3, $0xE;
	v3 =	vld [tilespmem:$0x60]  }
0x24: {  	[tilespmem:$0x2930] =	vst v0;
	v0 =	vand.u32 $0x3FFF, v1  }
0x25: {  	[tilespmem:$0x2840] =	vst v0;
	v0 =	vshrl.u32 v1, $0xE;
	v1 =	vld [tilespmem:$0x70]  }
0x26: {  	[tilespmem:$0x2940] =	vst v0;
	v0 =	vand.u32 $0x3FFF, v2  }
0x27: {  	[tilespmem:$0x2850] =	vst v0;
	v0 =	vshrl.u32 v2, $0xE  }
0x28: {  	[tilespmem:$0x2950] =	vst v0;
	v0 =	vand.u32 $0x3FFF, v3  }
0x29: {  	[tilespmem:$0x2860] =	vst v0;
	v0 =	vshrl.u32 v3, $0xE  }
0x2a: {  	[tilespmem:$0x2960] =	vst v0;
	v0 =	vand.u32 $0x3FFF, v1  }
0x2b: {  	[tilespmem:$0x2870] =	vst v0;
	v0 =	vshrl.u32 v1, $0xE  }
0x2c: {  	s22 =	simm.s32 $0x0;
	[tilespmem:$0x2970] =	vst v0  }
0x2d: {  	[tilespmem:s14], [sflag:$0x1] =	stream.indirect.gather [hbm4b:s4+s12], $0x80, s13, s12, $0xb8;
	[tilespmem:$0x1EA00] =	vst v63  }
0x2e: {  	v0 =	vld [tilespmem:s22+$0x80];
	_ =	sdelay $0x4  }
0x2f: {  	v1 =	vand.u32 $0x3FFF, v0  }
0x30: {  	v0 =	vshrl.u32 v0, $0xE;
	[tilespmem:$0x2880] =	vst v1  }
0x31: {  	[tilespmem:$0x2980] =	vst v0  }
0x32: {  	v0 =	vld [tilespmem:s22+$0x90];
	_ =	sdelay $0x4  }
0x33: {  	v1 =	vand.u32 $0x3FFF, v0  }
0x34: {  	v0 =	vshrl.u32 v0, $0xE;
	[tilespmem:$0x2890] =	vst v1  }
0x35: {  	[tilespmem:$0x2990] =	vst v0  }
0x36: {  	v0 =	vld [tilespmem:s22+$0xA0];
	_ =	sdelay $0x4  }
0x37: {  	v1 =	vand.u32 $0x3FFF, v0  }
0x38: {  	v0 =	vshrl.u32 v0, $0xE;
	[tilespmem:$0x28A0] =	vst v1  }
0x39: {  	[tilespmem:$0x29A0] =	vst v0  }
0x3a: {  	v0 =	vld [tilespmem:s22+$0xB0];
	_ =	sdelay $0x4  }
0x3b: {  	v1 =	vand.u32 $0x3FFF, v0  }
0x3c: {  	v0 =	vshrl.u32 v0, $0xE;
	[tilespmem:$0x28B0] =	vst v1  }
0x3d: {  	[tilespmem:$0x29B0] =	vst v0  }
0x3e: {  	v0 =	vld [tilespmem:s22+$0xC0];
	_ =	sdelay $0x4  }
0x3f: {  	v1 =	vand.u32 $0x3FFF, v0  }
0x40: {  	v0 =	vshrl.u32 v0, $0xE;
	[tilespmem:$0x28C0] =	vst v1  }
0x41: {  	[tilespmem:$0x29C0] =	vst v0  }
0x42: {  	v0 =	vld [tilespmem:s22+$0xD0];
	_ =	sdelay $0x4  }
0x43: {  	v1 =	vand.u32 $0x3FFF, v0  }
0x44: {  	v0 =	vshrl.u32 v0, $0xE;
	[tilespmem:$0x28D0] =	vst v1  }
0x45: {  	[tilespmem:$0x29D0] =	vst v0  }
0x46: {  	v0 =	vld [tilespmem:s22+$0xE0];
	_ =	sdelay $0x4  }
0x47: {  	v1 =	vand.u32 $0x3FFF, v0  }
0x48: {  	v0 =	vshrl.u32 v0, $0xE;
	[tilespmem:$0x28E0] =	vst v1  }
0x49: {  	[tilespmem:$0x29E0] =	vst v0  }
0x4a: {  	v0 =	vld [tilespmem:s22+$0xF0];
	_ =	sdelay $0x4  }
0x4b: {  	v1 =	vand.u32 $0x3FFF, v0  }
0x4c: {  	v0 =	vshrl.u32 v0, $0xE;
	[tilespmem:$0x28F0] =	vst v1  }
0x4d: {  	[tilespmem:$0x29F0] =	vst v0  }
0x4e: {  	[tilespmem:s16], [sflag:$0x2] =	stream.indirect.gather [hbm4b:s4+s12], $0x80, s15, s12, $0xb8;
	[tilespmem:$0x1EA00] =	vst v63  }
0x4f: {  	_ =	swait.ge [sflag:s17], $0x4000  }
0x50: {  	[sflag:s17] =	ssyncset.done $0x0  }
0x51: {  	[sflag:s17] =	ssyncadd.s32 $0xFFFFC000  }
0x52: {  	[spmem:s2] =	stream.indirect.scatter.add.f32 [tilespmem:s14], [sflag:$0x3], $0x80, s18, s12, $0xb8;
	[tilespmem:$0x1EA00] =	vst v63  }
0x53: {  	_ =	swait.ge [sflag:s11], $0x4000  }
0x54: {  	p1 =	por $0x0, $0x0;
	[sflag:s11] =	ssyncset.done $0x0  }
0x55: {  	s23 =	simm.s32 @!p1 $0x0;
	[sflag:s11] =	ssyncadd.s32 $0xFFFFC000  }
0x56: {  	v0 =	vld @!p1 [tilespmem:s23+$0x100];
	_ =	sdelay $0x4  }
0x57: {  	v1 =	vand.u32 @!p1 $0x3FFF, v0  }
0x58: {  	v0 =	vshrl.u32 @!p1 v0, $0xE;
	[tilespmem:$0x2800] =	vst @!p1 v1  }
0x59: {  	[tilespmem:$0x2900] =	vst @!p1 v0  }
0x5a: {  	v0 =	vld @!p1 [tilespmem:s23+$0x110];
	_ =	sdelay $0x4  }
0x5b: {  	v1 =	vand.u32 @!p1 $0x3FFF, v0  }
0x5c: {  	v0 =	vshrl.u32 @!p1 v0, $0xE;
	[tilespmem:$0x2810] =	vst @!p1 v1  }
0x5d: {  	[tilespmem:$0x2910] =	vst @!p1 v0  }
0x5e: {  	v0 =	vld @!p1 [tilespmem:s23+$0x120];
	_ =	sdelay $0x4  }
0x5f: {  	v1 =	vand.u32 @!p1 $0x3FFF, v0  }
0x60: {  	v0 =	vshrl.u32 @!p1 v0, $0xE;
	[tilespmem:$0x2820] =	vst @!p1 v1  }
0x61: {  	[tilespmem:$0x2920] =	vst @!p1 v0  }
0x62: {  	v0 =	vld @!p1 [tilespmem:s23+$0x130];
	_ =	sdelay $0x4  }
0x63: {  	v1 =	vand.u32 @!p1 $0x3FFF, v0  }
0x64: {  	v0 =	vshrl.u32 @!p1 v0, $0xE;
	[tilespmem:$0x2830] =	vst @!p1 v1  }
0x65: {  	[tilespmem:$0x2930] =	vst @!p1 v0  }
0x66: {  	v0 =	vld @!p1 [tilespmem:s23+$0x140];
	_ =	sdelay $0x4  }
0x67: {  	v1 =	vand.u32 @!p1 $0x3FFF, v0  }
0x68: {  	v0 =	vshrl.u32 @!p1 v0, $0xE;
	[tilespmem:$0x2840] =	vst @!p1 v1  }
0x69: {  	[tilespmem:$0x2940] =	vst @!p1 v0  }
0x6a: {  	v0 =	vld @!p1 [tilespmem:s23+$0x150];
	_ =	sdelay $0x4  }
0x6b: {  	v1 =	vand.u32 @!p1 $0x3FFF, v0  }
0x6c: {  	v0 =	vshrl.u32 @!p1 v0, $0xE;
	[tilespmem:$0x2850] =	vst @!p1 v1  }
0x6d: {  	[tilespmem:$0x2950] =	vst @!p1 v0  }
0x6e: {  	v0 =	vld @!p1 [tilespmem:s23+$0x160];
	_ =	sdelay $0x4  }
0x6f: {  	s25 =	simm.s32 @!p1 $0x80;
	v1 =	vand.u32 @!p1 $0x3FFF, v0  }
0x70: {  	s26 =	simm.s32 @!p1 $0x2800;
	s28 =	simm.s32 @!p1 $0x2A00;
	s22 =	simm.s32 $0x400;
	v0 =	vshrl.u32 @!p1 v0, $0xE;
	[tilespmem:$0x2860] =	vst @!p1 v1  }
.LBB2_2:
0x71: {  	[tilespmem:$0x2960] =	vst @!p1 v0;
	s24 =	smov.u32 s22;
	s22 =	sadd.s32 $0x400, s22  }
0x72: {  	p0 =	sne.s32 s22, $0xA000;
	v0 =	vld @!p1 [tilespmem:s23+$0x170];
	_ =	sdelay $0x4  }
0x73: {  	v1 =	vand.u32 @!p1 $0x3FFF, v0;
	v0 =	vshrl.u32 @!p1 v0, $0xE  }
0x74: {  	[tilespmem:$0x2870] =	vst @!p1 v1  }
0x75: {  	[tilespmem:$0x2970] =	vst @!p1 v0  }
0x76: {  	[tilespmem:s28], [sflag:$0x1] =	stream.indirect.gather @!p1 [hbm4b:s4+s25], $0x80, s26, s25, $0xb8;
	[tilespmem:$0x1EA00] =	vst v63  }
0x77: {  	_ =	swait.ge [sflag:s19], $0x4000  }
0x78: {  	[sflag:s19] =	ssyncset.done $0x0  }
0x79: {  	[sflag:s19] =	ssyncadd.s32 $0xFFFFC000  }
0x7a: {  	[spmem:s2] =	stream.indirect.scatter.add.f32 [tilespmem:s16], [sflag:$0x3], $0x80, s20, s12, $0xb8;
	[tilespmem:$0x1EA00] =	vst v63  }
0x7b: {  	_ =	swait.ge [sflag:s11], $0x4000  }
0x7c: {  	[sflag:s11] =	ssyncset.done $0x0  }
0x7d: {  	s23 =	sshra.s32 s24, $0x2;
	[sflag:s11] =	ssyncadd.s32 $0xFFFFC000  }
0x7e: {  	v0 =	vld [tilespmem:s23+$0x80];
	_ =	sdelay $0x4  }
0x7f: {  	v1 =	vand.u32 $0x3FFF, v0;
	v0 =	vshrl.u32 v0, $0xE  }
0x80: {  	[tilespmem:$0x2880] =	vst v1  }
0x81: {  	[tilespmem:$0x2980] =	vst v0  }
0x82: {  	v0 =	vld [tilespmem:s23+$0x90];
	_ =	sdelay $0x4  }
0x83: {  	v1 =	vand.u32 $0x3FFF, v0;
	v0 =	vshrl.u32 v0, $0xE  }
0x84: {  	[tilespmem:$0x2890] =	vst v1  }
0x85: {  	[tilespmem:$0x2990] =	vst v0  }
0x86: {  	v0 =	vld [tilespmem:s23+$0xA0];
	_ =	sdelay $0x4  }
0x87: {  	v1 =	vand.u32 $0x3FFF, v0;
	v0 =	vshrl.u32 v0, $0xE  }
0x88: {  	[tilespmem:$0x28A0] =	vst v1  }
0x89: {  	[tilespmem:$0x29A0] =	vst v0  }
0x8a: {  	v0 =	vld [tilespmem:s23+$0xB0];
	_ =	sdelay $0x4  }
0x8b: {  	v1 =	vand.u32 $0x3FFF, v0;
	v0 =	vshrl.u32 v0, $0xE  }
0x8c: {  	[tilespmem:$0x28B0] =	vst v1  }
0x8d: {  	[tilespmem:$0x29B0] =	vst v0  }
0x8e: {  	v0 =	vld [tilespmem:s23+$0xC0];
	_ =	sdelay $0x4  }
0x8f: {  	v1 =	vand.u32 $0x3FFF, v0;
	v0 =	vshrl.u32 v0, $0xE  }
0x90: {  	[tilespmem:$0x28C0] =	vst v1  }
0x91: {  	[tilespmem:$0x29C0] =	vst v0  }
0x92: {  	v0 =	vld [tilespmem:s23+$0xD0];
	_ =	sdelay $0x4  }
0x93: {  	v1 =	vand.u32 $0x3FFF, v0;
	v0 =	vshrl.u32 v0, $0xE  }
0x94: {  	[tilespmem:$0x28D0] =	vst v1  }
0x95: {  	[tilespmem:$0x29D0] =	vst v0  }
0x96: {  	v0 =	vld [tilespmem:s23+$0xE0];
	_ =	sdelay $0x4  }
0x97: {  	v1 =	vand.u32 $0x3FFF, v0;
	v0 =	vshrl.u32 v0, $0xE  }
0x98: {  	[tilespmem:$0x28E0] =	vst v1  }
0x99: {  	[tilespmem:$0x29E0] =	vst v0  }
0x9a: {  	v0 =	vld [tilespmem:s23+$0xF0];
	_ =	sdelay $0x4  }
0x9b: {  	v1 =	vand.u32 $0x3FFF, v0;
	v0 =	vshrl.u32 v0, $0xE  }
0x9c: {  	p1 =	seq.s32 s24, $0x9C00;
	[tilespmem:$0x28F0] =	vst v1  }
0x9d: {  	s23 =	sshra.s32 @!p1 s24, $0x2;
	[tilespmem:$0x29F0] =	vst v0  }
0x9e: {  	[tilespmem:s16], [sflag:$0x2] =	stream.indirect.gather [hbm4b:s4+s12], $0x80, s15, s12, $0xb8;
	[tilespmem:$0x1EA00] =	vst v63  }
0x9f: {  	_ =	swait.ge [sflag:s17], $0x4000  }
0xa0: {  	[sflag:s17] =	ssyncset.done $0x0  }
0xa1: {  	[sflag:s17] =	ssyncadd.s32 $0xFFFFC000  }
0xa2: {  	[spmem:s2] =	stream.indirect.scatter.add.f32 [tilespmem:s14], [sflag:$0x3], $0x80, s18, s12, $0xb8;
	[tilespmem:$0x1EA00] =	vst v63  }
0xa3: {  	_ =	swait.ge [sflag:s11], $0x4000  }
0xa4: {  	[sflag:s11] =	ssyncset.done $0x0  }
0xa5: {  	[sflag:s11] =	ssyncadd.s32 $0xFFFFC000  }
0xa6: {  	v0 =	vld @!p1 [tilespmem:s23+$0x100];
	_ =	sdelay $0x4  }
0xa7: {  	v1 =	vand.u32 @!p1 $0x3FFF, v0;
	v0 =	vshrl.u32 @!p1 v0, $0xE  }
0xa8: {  	[tilespmem:$0x2800] =	vst @!p1 v1  }
0xa9: {  	[tilespmem:$0x2900] =	vst @!p1 v0  }
0xaa: {  	v0 =	vld @!p1 [tilespmem:s23+$0x110];
	_ =	sdelay $0x4  }
0xab: {  	v1 =	vand.u32 @!p1 $0x3FFF, v0;
	v0 =	vshrl.u32 @!p1 v0, $0xE  }
0xac: {  	[tilespmem:$0x2810] =	vst @!p1 v1  }
0xad: {  	[tilespmem:$0x2910] =	vst @!p1 v0  }
0xae: {  	v0 =	vld @!p1 [tilespmem:s23+$0x120];
	_ =	sdelay $0x4  }
0xaf: {  	v1 =	vand.u32 @!p1 $0x3FFF, v0;
	v0 =	vshrl.u32 @!p1 v0, $0xE  }
0xb0: {  	[tilespmem:$0x2820] =	vst @!p1 v1  }
0xb1: {  	[tilespmem:$0x2920] =	vst @!p1 v0  }
0xb2: {  	v0 =	vld @!p1 [tilespmem:s23+$0x130];
	_ =	sdelay $0x4  }
0xb3: {  	v1 =	vand.u32 @!p1 $0x3FFF, v0;
	v0 =	vshrl.u32 @!p1 v0, $0xE  }
0xb4: {  	[tilespmem:$0x2830] =	vst @!p1 v1  }
0xb5: {  	[tilespmem:$0x2930] =	vst @!p1 v0  }
0xb6: {  	v0 =	vld @!p1 [tilespmem:s23+$0x140];
	_ =	sdelay $0x4  }
0xb7: {  	v1 =	vand.u32 @!p1 $0x3FFF, v0;
	v0 =	vshrl.u32 @!p1 v0, $0xE  }
0xb8: {  	[tilespmem:$0x2840] =	vst @!p1 v1  }
0xb9: {  	[tilespmem:$0x2940] =	vst @!p1 v0  }
0xba: {  	v0 =	vld @!p1 [tilespmem:s23+$0x150];
	_ =	sdelay $0x4  }
0xbb: {  	v1 =	vand.u32 @!p1 $0x3FFF, v0;
	v0 =	vshrl.u32 @!p1 v0, $0xE  }
0xbc: {  	[tilespmem:$0x2850] =	vst @!p1 v1  }
0xbd: {  	s25 =	simm.s32 @!p1 $0x80;
	s26 =	simm.s32 @!p1 $0x2800;
	s28 =	simm.s32 @!p1 $0x2A00;
	[tilespmem:$0x2950] =	vst @!p1 v0  }
0xbe: {  	v0 =	vld @!p1 [tilespmem:s23+$0x160];
	_ =	sdelay $0x1  }
.Ltmp0:
0xbf: {  	(pc) =	sbr.rel @p0 .LBB2_2-.Ltmp0, $3  }
0xc0: {  	_ =	sdelay $0x1  }
0xc1: {  	v1 =	vand.u32 @!p1 $0x3FFF, v0;
	v0 =	vshrl.u32 @!p1 v0, $0xE  }
0xc2: {  	[tilespmem:$0x2860] =	vst @!p1 v1  }
0xc3: {  	[tilespmem:$0x2960] =	vst @!p1 v0  }
0xc4: {  	v0 =	vld @!p1 [tilespmem:s23+$0x170];
	_ =	sdelay $0x4  }
0xc5: {  	v1 =	vand.u32 @!p1 $0x3FFF, v0  }
0xc6: {  	v0 =	vshrl.u32 @!p1 v0, $0xE;
	[tilespmem:$0x2870] =	vst @!p1 v1  }
0xc7: {  	[tilespmem:$0x2970] =	vst @!p1 v0  }
0xc8: {  	[tilespmem:s28], [sflag:$0x1] =	stream.indirect.gather @!p1 [hbm4b:s4+s25], $0x80, s26, s25, $0xb8;
	[tilespmem:$0x1EA00] =	vst v63  }
0xc9: {  	_ =	swait.ge [sflag:s19], $0x4000  }
0xca: {  	[sflag:s19] =	ssyncset.done $0x0  }
0xcb: {  	[sflag:s19] =	ssyncadd.s32 $0xFFFFC000  }
0xcc: {  	[spmem:s2] =	stream.indirect.scatter.add.f32 [tilespmem:s16], [sflag:$0x3], $0x80, s20, s12, $0xb8;
	[tilespmem:$0x1EA00] =	vst v63  }
0xcd: {  	_ =	swait.ge [sflag:s11], $0x4000  }
0xce: {  	s21 =	sadd.s32 $0x1, s21;
	[sflag:s11] =	ssyncset.done $0x0  }
0xcf: {  	p0 =	sne.s32 s21, s9;
	[sflag:s11] =	ssyncadd.s32 $0xFFFFC000  }
.Ltmp1:
0xd0: {  	[bflag:$0x0] =	sbarrier.arrive $0xFFFF;
	(pc) =	sbr.rel @p0 .LBB2_1-.Ltmp1, $4  }
0xd1: {  	[hbm:s8], [sflag:s6] =	dma.local [spmem:s10], $0x2800  }
0xd2: {  	_ =	swait.ge [sflag:s11], $0x2800  }
0xd3: {  	[sflag:s11] =	ssyncset.done $0x0  }
0xd4: {  	[sflag:s11] =	ssyncadd.s32 $0xFFFFD800  }
0xd5: {  	_ =	sfence.sel $0x180000  }
0xd6: {  	[bflag:$0x0] =	sbarrier.arrive $0xFFFF  }
0xd7: {  	p0 =	sne.s32 s1, $0x0;
	_ =	strace $0x9000004D  }
0xd8: {  	s0 =	sadd.s32 @!p0 $0x100000, s0;
	[bflag:$0x2] =	sbarrier.arrive $0xFFFF  }
0xd9: {  	[sflag:s0] =	ssyncadd.tile.s32 @!p0 $0x1;
	_ =	shalt  }
.Lfunc_end2:
_tile_overlayer_lowered:
.L_overlay_start_2:
0xda: {  	(tag) =	ssettag $0x2  }
0xdb: {  	s0 =	rddreg [dreg:$0x0];
	s2 =	stileid.u32  }
0xdc: {  	s1 =	rddreg [dreg:$0x1];
	p0 =	sne.s32 s2, $0x0  }
0xdd: {  	s3 =	rddreg [dreg:$0x2];
	[bflag:$0x3] =	sbarrier.arrive $0xFFFF;
	s2 =	simm.s32 @!p0 $0x1C03  }
0xde: {  	[timem:s3], [sflag:s2] =	dma.local @!p0 [hbm:s0], s1  }
0xdf: {  	s0 =	simm.s32 @!p0 $0x3  }
0xe0: {  	_ =	swait.ge @!p0 [sflag:s0], s1  }
0xe1: {  	s1 =	ssub.s32 @!p0 $0x0, s1;
	[sflag:s0] =	ssyncset.done @!p0 $0x0  }
0xe2: {  	[sflag:s0] =	ssyncadd.s32 @!p0 s1  }
0xe3: {  	[bflag:$0x3] =	sbarrier.arrive $0xFFFF  }
0xe4: {  	_ =	shalt  }

// kernel: kernel.8.cloned.1.call-start
scs
__scs_entry_jumppad:
0x0: {  	(pc) =	sbr.rel $0x88, $3  }
0x1: {  	(tag) =	ssettag $0x0;
	lr =	simm.s32 $0x1  }
0x2: {  	[smem:$0x3F9A] =	sst lr;
	_ =	strace $0xD0000000  }
0x3: {  	_ = 	snop  }
0x4: {  	_ = 	snop  }
0x5: {  	_ = 	snop  }
0x6: {  	_ = 	snop  }
0x7: {  	_ = 	snop  }
__scs_overlays_trampoline_lowered:
0x8: {  	[smem:$0x3FA9] =	sst s0  }
0x9: {  	[smem:$0x3FAA] =	sst s1  }
0xa: {  	[smem:$0x3FAB] =	sst s2  }
0xb: {  	[smem:$0x3FAC] =	sst s3  }
0xc: {  	[smem:$0x3FAD] =	sst s4  }
0xd: {  	[smem:$0x3FAE] =	sst s5  }
0xe: {  	[smem:$0x3FAF] =	sst s6  }
0xf: {  	[smem:$0x3FB0] =	sst s7  }
0x10: {  	[smem:$0x3FB1] =	sst s8  }
0x11: {  	[smem:$0x3FB2] =	sst s9;
	s0 =	simm.s32 @!p0 $0x0  }
0x12: {  	s1 =	sld [smem:$0x3F98];
	s0 =	simm.s32 @p0 $0x1  }
0x13: {  	[smem:$0x3FB3] =	sst s0;
	s0 =	simm.s32 @!p1 $0x0  }
0x14: {  	s2 =	sld [smem:$0x3F97];
	s0 =	simm.s32 @p1 $0x1  }
0x15: {  	[smem:$0x3FB4] =	sst s0;
	s0 =	simm.s32 @!p2 $0x0  }
0x16: {  	s3 =	sld [smem:$0x3FDB];
	s0 =	simm.s32 @p2 $0x1  }
0x17: {  	s4 =	simm.s32 $0x1BF5;
	[smem:$0x3FB6] =	sst s0  }
0x18: {  	s0 =	sld [smem:$0x3F99];
	_ =	swait.ge [sflag:s4], $0x0  }
0x19: {  	s7 =	sld [smem:$0x3F9A]  }
0x1a: {  	s8 =	sadd.s32 $0xFFFFE003, lr  }
0x1b: {  	s9 =	sadd.s32 $0xFFFFFEF7, lr;
	s5 =	simm.s32 $0xFFFFFFFF;
	p2 =	slt.u32 s8, $0xFFFFF086  }
0x1c: {  	p1 =	slt.u32 s9, $0xF7A;
	s5 =	simm.s32 @!p2 $0x0  }
0x1d: {  	s5 =	simm.s32 @p1 $0x1;
	p0 =	seq.s32 s7, s2  }
0x1e: {  	s7 =	smul.u32 @!p0 $0xF7A, s2;
	p2 =	seq.s32 @!p0 s5, $0x0  }
0x1f: {  	s9 =	smul.u32 $0xF7A, s1;
	s8 =	simm.s32 @!p0 $0x1BF5;
	p2 =	por !p2, p0  }
0x20: {  	[sflag:s8] =	ssyncset.s32 @!p0 $0xFFFFF086;
	s6 =	sadd.s32 @!p0 s3, s7;
	s7 =	simm.s32 @!p0 $0x108  }
0x21: {  	s3 =	sadd.s32 s3, s9;
	s6 =	sadd.s32 @!p0 $0x88, s6;
	s7 =	simm.s32 @p2 $0x1082  }
0x22: {  	[simem:s7], [sflag:s8] =	dma.local @!p0 [hbm:s6], $0xF7A  }
0x23: {  	s9 =	sor.u32 $0xD0000000, s2;
	s6 =	simm.s32 $0x108;
	_ =	swait.ge @!p0 [sflag:s8], $0x0  }
0x24: {  	s3 =	sadd.s32 $0x88, s3;
	s6 =	simm.s32 @!p1 $0x1082;
	[sflag:s4] =	ssyncset.s32 $0xFFFFF086  }
0x25: {  	[simem:s6], [sflag:s4] =	dma.local [hbm:s3], $0xF7A  }
0x26: {  	[smem:$0x3F9A] =	sst s1;
	(tag) =	ssettag s2;
	_ =	strace s9  }
0x27: {  	s1 =	sld [smem:$0x3FAA]  }
0x28: {  	s2 =	sld [smem:$0x3FAB]  }
0x29: {  	s4 =	sld [smem:$0x3FAD]  }
0x2a: {  	p0 =	seq.s32 s5, $0x0;
	s5 =	sld [smem:$0x3FAE]  }
0x2b: {  	s6 =	sld [smem:$0x3FAF]  }
0x2c: {  	s7 =	sld [smem:$0x3FB0]  }
0x2d: {  	s3 =	simm.s32 $0x108;
	s8 =	sld [smem:$0x3FB1]  }
0x2e: {  	s3 =	simm.s32 @!p0 $0x1082;
	s9 =	sld [smem:$0x3FB2]  }
0x2f: {  	lr =	sadd.s32 s0, s3;
	s0 =	sld [smem:$0x3FA9]  }
0x30: {  	s3 =	sld [smem:$0x3FAC]  }
0x31: {  	[smem:$0x3FB5] =	sst s10  }
0x32: {  	s10 =	sld [smem:$0x3FB3];
	_ =	sdelay $0x3  }
0x33: {  	p0 =	seq.s32 s10, $0x1;
	s10 =	sld [smem:$0x3FB5];
	_ =	sdelay $0x3  }
0x34: {  	[smem:$0x3FB5] =	sst s10  }
0x35: {  	s10 =	sld [smem:$0x3FB4];
	_ =	sdelay $0x3  }
0x36: {  	p1 =	seq.s32 s10, $0x1;
	s10 =	sld [smem:$0x3FB5];
	_ =	sdelay $0x3  }
0x37: {  	[smem:$0x3FB5] =	sst s10  }
0x38: {  	s10 =	sld [smem:$0x3FB6]  }
0x39: {  	_ = 	snop;
	(pc) =	sbr.ind lr, $3  }
0x3a: {  	_ = 	snop  }
0x3b: {  	_ = 	snop  }
0x3c: {  	p2 =	seq.s32 s10, $0x1;
	s10 =	sld [smem:$0x3FB5]  }
0x3d: {  	_ =	shalt  }
0x3e: {  	_ =	shalt  }
0x3f: {  	_ =	shalt  }
0x40: {  	_ =	shalt  }
0x41: {  	_ =	shalt  }
0x42: {  	_ =	shalt  }
0x43: {  	_ =	shalt  }
0x44: {  	_ =	shalt  }
0x45: {  	_ =	shalt  }
0x46: {  	_ =	shalt  }
0x47: {  	_ =	shalt  }
0x48: {  	_ =	shalt  }
0x49: {  	_ =	shalt  }
0x4a: {  	_ =	shalt  }
0x4b: {  	_ =	shalt  }
0x4c: {  	_ =	shalt  }
0x4d: {  	_ =	shalt  }
0x4e: {  	_ =	shalt  }
0x4f: {  	_ =	shalt  }
0x50: {  	_ =	shalt  }
0x51: {  	_ =	shalt  }
0x52: {  	_ =	shalt  }
0x53: {  	_ =	shalt  }
0x54: {  	_ =	shalt  }
0x55: {  	_ =	shalt  }
0x56: {  	_ =	shalt  }
0x57: {  	_ =	shalt  }
0x58: {  	_ =	shalt  }
0x59: {  	_ =	shalt  }
0x5a: {  	_ =	shalt  }
0x5b: {  	_ =	shalt  }
0x5c: {  	_ =	shalt  }
0x5d: {  	_ =	shalt  }
0x5e: {  	_ =	shalt  }
0x5f: {  	_ =	shalt  }
0x60: {  	_ =	shalt  }
0x61: {  	_ =	shalt  }
0x62: {  	_ =	shalt  }
0x63: {  	_ =	shalt  }
0x64: {  	_ =	shalt  }
0x65: {  	_ =	shalt  }
0x66: {  	_ =	shalt  }
0x67: {  	_ =	shalt  }
0x68: {  	_ =	shalt  }
0x69: {  	_ =	shalt  }
0x6a: {  	_ =	shalt  }
0x6b: {  	_ =	shalt  }
0x6c: {  	_ =	shalt  }
0x6d: {  	_ =	shalt  }
0x6e: {  	_ =	shalt  }
0x6f: {  	_ =	shalt  }
0x70: {  	_ =	shalt  }
0x71: {  	_ =	shalt  }
0x72: {  	_ =	shalt  }
0x73: {  	_ =	shalt  }
0x74: {  	_ =	shalt  }
0x75: {  	_ =	shalt  }
0x76: {  	_ =	shalt  }
0x77: {  	_ =	shalt  }
0x78: {  	_ =	shalt  }
0x79: {  	_ =	shalt  }
0x7a: {  	_ =	shalt  }
0x7b: {  	_ =	shalt  }
0x7c: {  	_ =	shalt  }
0x7d: {  	_ =	shalt  }
0x7e: {  	_ =	shalt  }
0x7f: {  	_ =	shalt  }
0x80: {  	_ =	shalt  }
0x81: {  	_ =	shalt  }
0x82: {  	_ =	shalt  }
0x83: {  	_ =	shalt  }
0x84: {  	_ =	shalt  }
0x85: {  	_ =	shalt  }
0x86: {  	_ =	shalt  }
0x87: {  	_ =	shalt  }
.Lfunc_end0:
.L_simem_size_0:
called_computation_lowered:
.L_overlay_start_0:
0x88: {  	s2 =	sld [smem:$0x3FD9]  }
0x89: {  	s3 =	sld [smem:$0x3FFE];
	_ =	sdelay $0x1  }
0x8a: {  	s1 =	srdreg.scid  }
0x8b: {  	s0 =	sand.u32 $0x1, s1  }
0x8c: {  	s17 =	sshll.u32 s0, $0xA;
	s2 =	sadd.s32 s3, s2  }
0x8d: {  	s2 =	sadd.s32 s2, s17  }
0x8e: {  	[smem:$0x3FC1] =	sst s2  }
0x8f: {  	_ = 	snop  }
0x90: {  	s2 =	sld [smem:$0x3FD0];
	(tm) =	ssettm $0x1  }
0x91: {  	s18 =	sld [smem:$0x3FFB];
	_ =	sdelay $0x3  }
0x92: {  	_ =	strace s18  }
0x93: {  	s3 =	sld [smem:$0x3FFC];
	_ =	sdelay $0x3  }
0x94: {  	_ =	strace s3  }
0x95: {  	s3 =	sld [smem:$0x3FFD];
	_ =	sdelay $0x3  }
0x96: {  	_ =	strace s3  }
0x97: {  	_ =	strace $0x8FFFFFFF  }
0x98: {  	s19 =	sld [smem:$0x3FDB];
	_ =	sdelay $0x1  }
0x99: {  	s4 =	simm.s32 $_scs_section_size  }
0x9a: {  	s5 =	simm.s32 $_size__tile_overlayer_lowered;
	s6 =	simm.s32 $_tile_overlayer_lowered  }
0x9b: {  	s22 =	simm.s32 $0x1BFF;
	s21 =	sshll.u32 s6, $0x1;
	s3 =	sadd.s32 s4, s19  }
0x9c: {  	s7 =	simm.s32 $0x0;
	s20 =	sshll.u32 s5, $0x1;
	s5 =	sadd.s32 s21, s3  }
0x9d: {  	[timem:s7], [sflag:s22] =	dma.local [hbm:s5], s20  }
0x9e: {  	_ =	swait.ge [sflag:s22], s20  }
0x9f: {  	s4 =	ssub.s32 $0x0, s20;
	[sflag:s22] =	ssyncset.done $0x0  }
0xa0: {  	[sflag:s22] =	ssyncadd.s32 s4;
	_ =	sdelay $0x1  }
0xa1: {  	s23 =	simm.s32 $0x1B8B  }
0xa2: {  	_ =	swait.ge [sflag:s23], $0x1  }
0xa3: {  	[sflag:s23] =	ssyncset.done $0x0  }
0xa4: {  	s25 =	simm.s32 $0x1B8E;
	s24 =	sld [smem:$0x3FFE];
	[sflag:s23] =	ssyncadd.s32 $0xFFFFFFFF  }
0xa5: {  	s26 =	simm.s32 $execute0_lowered;
	[smem:$0x3FD2] =	sst s25  }
0xa6: {  	s5 =	sshll.u32 s26, $0x1;
	_ =	strace $0x80000046;
	[dreg:$0x1] =	wrdreg $0xFFFFFFFF  }
0xa7: {  	s28 =	simm.s32 $_size_execute0_lowered;
	s3 =	sadd.s32 s3, s5;
	[dreg:$0x0] =	wrdreg $0x0  }
0xa8: {  	s5 =	sshll.u32 s28, $0x1;
	[dreg:$0x2] =	wrdreg s3  }
0xa9: {  	[dreg:$0x3] =	wrdreg s5  }
0xaa: {  	[dreg:$0x4] =	wrdreg $0xC0  }
0xab: {  	_ =	task [dreg:s7], $0x5FFFF  }
0xac: {  	[dreg:$0x1] =	wrdreg $0xFFFFFFFF  }
0xad: {  	[dreg:$0x0] =	wrdreg $0x60  }
0xae: {  	[dreg:$0x2] =	wrdreg s24  }
0xaf: {  	[dreg:$0x3] =	wrdreg s2  }
0xb0: {  	[dreg:$0x4] =	wrdreg $0x28800  }
0xb1: {  	[dreg:$0x5] =	wrdreg $0x9  }
0xb2: {  	_ =	task.clear_ibuf [dreg:s7], $0x6FFFF;
	_ =	strace $0x90000046  }
0xb3: {  	s29 =	simm.s32 $0x9;
	_ =	strace $0x80000048  }
0xb4: {  	_ =	swait.ge [sflag:s29], $0x1  }
0xb5: {  	[sflag:s29] =	ssyncadd.s32 $0xFFFFFFFF  }
0xb6: {  	_ =	strace $0x90000048  }
0xb7: {  	_ =	sfence  }
0xb8: {  	s30 =	sld [smem:$0x0];
	_ =	sdelay $0x2  }
0xb9: {  	s31 =	sshll.u32 s1, $0xD;
	s1 =	sshrl.u32 s1, $0x2  }
0xba: {  	s3 =	sand.u32 $0x4000, s31;
	s1 =	sadd.s32 s1, s30  }
0xbb: {  	s0 =	sor.u32 s3, s0;
	s1 =	sshll.u32 s1, $0x11  }
0xbc: {  	s0 =	sor.u32 s1, s0  }
0xbd: {  	s0 =	sadd.s32 $0x8F2B, s0  }
0xbe: {  	[sflag:s0] =	ssyncadd.remote.s32 $0x1  }
0xbf: {  	_ =	sfence.sel $0xFFFF  }
0xc0: {  	[dreg:$0x0] =	wrdreg $0xFFFFFFFF;
	(pc) =	sbr.abs _section_cstart, $3  }
0xc1: {  	[dreg:$0x1] =	wrdreg $0xFFFFFFFF  }
0xc2: {  	_ =	task.clear_ibuf [dreg:s7], $0x2FFFF;
	_ =	strace $0x9FFFFFFF  }
0xc3: {  	(tm) =	ssettm $0x7FFFFFFF  }
tec
execute0_lowered:
.L_overlay_start_1:
0x0: {  	(tag) =	ssettag $0x1  }
0x1: {  	s5 =	rddreg [dreg:$0x0]  }
0x2: {  	s1 =	srdreg.scid;
	s2 =	rddreg [dreg:$0x1]  }
0x3: {  	s0 =	stileid.u32;
	s3 =	rddreg [dreg:$0x2];
	s4 =	simm.s32 $0x0  }
0x4: {  	s12 =	simm.s32 $0x2800;
	s13 =	simm.s32 $0x0;
	s6 =	sand.u32 $0x1, s1  }
0x5: {  	s7 =	smul.u32 $0x280, s0;
	s8 =	sshll.u32 s0, $0x1;
	s1 =	rddreg [dreg:$0x3]  }
0x6: {  	[smem:$0x7FF] =	sst s4;
	s31 =	sshll.u32 s0, $0x6;
	s9 =	smul.u32 $0x2800, s6  }
0x7: {  	s8 =	sor.u32 s6, s8;
	_ =	strace $0x80000047;
	s6 =	ssub.s32 $0x2, s6  }
0x8: {  	s8 =	smul.u32 $0x500, s8;
	s30 =	sshrl.u32 s6, $0x1;
	s9 =	sadd.s32 s7, s9  }
0x9: {  	s11 =	sadd.s32 s7, s3;
	s10 =	ssub.s32 s6, s30;
	s9 =	sshrl.u32 s9, $0x3  }
0xa: {  	s8 =	sadd.s32 s8, s5;
	s9 =	sadd.s32 s9, s5;
	s5 =	sor.u32 $0x1C01, s31  }
0xb: {  	s6 =	sadd.s32 $0x2200, s8;
	s8 =	smax.u32 s10, $0x1;
	s10 =	simm.s32 $0x1  }
0xc: {  	v0 =	vimm.f32 $1.000000000e+00;
	s7 =	sadd.s32 $0xC200, s9;
	s9 =	sshrl.u32 s11, $0x3;
	s11 =	simm.s32 $0x80  }
.LBB2_1:
0xd: {  	[spmem:s9], [sflag:s5] =	dma.local [hbm:s2], $0x50  }
0xe: {  	_ =	swait.ge [sflag:s10], $0x50  }
0xf: {  	[sflag:s10] =	ssyncset.done $0x0  }
0x10: {  	[sflag:s10] =	ssyncadd.s32 $0xFFFFFFB0  }
0x11: {  	[tilespmem:s4], [sflag:$0x1] =	stream.linear.gather [hbm4b:s6+s4], $0x2800, $0x38;
	[tilespmem:$0x2B00] =	vst v63  }
0x12: {  	_ =	swait.ge [sflag:s10], $0x2800  }
0x13: {  	[sflag:s10] =	ssyncset.done $0x0  }
0x14: {  	[sflag:s10] =	ssyncadd.s32 $0xFFFFD800  }
0x15: {  	[tilespmem:$0x2800] =	vst v0  }
0x16: {  	[tilespmem:$0x2810] =	vst v0  }
0x17: {  	[tilespmem:$0x2820] =	vst v0  }
0x18: {  	[tilespmem:$0x2830] =	vst v0  }
0x19: {  	[tilespmem:$0x2840] =	vst v0  }
0x1a: {  	[tilespmem:$0x2850] =	vst v0  }
0x1b: {  	[tilespmem:$0x2860] =	vst v0  }
0x1c: {  	[tilespmem:$0x2870] =	vst v0  }
0x1d: {  	s14 =	simm.s32 $0x0;
	[bflag:$0x0] =	sbarrier.arrive $0xFFFF  }
0x1e: {  	[spmem:s3] =	stream.indirect.scatter.add.f32 [tilespmem:s12], [sflag:$0x1], $0x1, s14, s11, $0xb8;
	[tilespmem:$0x2B00] =	vst v63  }
0x1f: {  	_ =	swait.ge [sflag:s10], $0x80  }
0x20: {  	s14 =	simm.s32 $0x200;
	[sflag:s10] =	ssyncset.done $0x0  }
.LBB2_2:
0x21: {  	s15 =	sshra.s32 s14, $0x2;
	[sflag:s10] =	ssyncadd.s32 $0xFFFFFF80;
	p0 =	sne.s32 s14, $0x9E00  }
0x22: {  	[spmem:s3] =	stream.indirect.scatter.add.f32 [tilespmem:s12], [sflag:$0x1], $0x1, s15, s11, $0xb8;
	[tilespmem:$0x2B00] =	vst v63  }
.Ltmp0:
0x23: {  	_ = 	snop;
	(pc) =	sbr.rel @p0 .LBB2_2-.Ltmp0, $4  }
0x24: {  	_ = 	snop  }
0x25: {  	s14 =	sadd.s32 $0x200, s14  }
0x26: {  	_ =	swait.ge [sflag:s10], $0x80  }
0x27: {  	[sflag:s10] =	ssyncset.done $0x0  }
0x28: {  	s13 =	sadd.s32 $0x1, s13  }
0x29: {  	[sflag:s10] =	ssyncadd.s32 $0xFFFFFF80;
	p0 =	sne.s32 s13, s8  }
.Ltmp1:
0x2a: {  	[bflag:$0x0] =	sbarrier.arrive $0xFFFF;
	(pc) =	sbr.rel @p0 .LBB2_1-.Ltmp1, $4  }
0x2b: {  	[hbm:s7], [sflag:s5] =	dma.local [spmem:s9], $0x50  }
0x2c: {  	_ =	swait.ge [sflag:s10], $0x50  }
0x2d: {  	[sflag:s10] =	ssyncset.done $0x0  }
0x2e: {  	[sflag:s10] =	ssyncadd.s32 $0xFFFFFFB0  }
0x2f: {  	_ =	sfence.sel $0x180000  }
0x30: {  	[bflag:$0x0] =	sbarrier.arrive $0xFFFF  }
0x31: {  	p0 =	sne.s32 s0, $0x0;
	_ =	strace $0x90000047  }
0x32: {  	s0 =	sadd.s32 @!p0 $0x100000, s1;
	[bflag:$0x2] =	sbarrier.arrive $0xFFFF  }
0x33: {  	[sflag:s0] =	ssyncadd.tile.s32 @!p0 $0x1;
	_ =	shalt  }
.Lfunc_end2:
_tile_overlayer_lowered:
.L_overlay_start_2:
0x34: {  	(tag) =	ssettag $0x2  }
0x35: {  	s0 =	rddreg [dreg:$0x0];
	s2 =	stileid.u32  }
0x36: {  	s1 =	rddreg [dreg:$0x1];
	p0 =	sne.s32 s2, $0x0  }
0x37: {  	s3 =	rddreg [dreg:$0x2];
	[bflag:$0x3] =	sbarrier.arrive $0xFFFF;
	s2 =	simm.s32 @!p0 $0x1C01  }
0x38: {  	[timem:s3], [sflag:s2] =	dma.local @!p0 [hbm:s0], s1  }
0x39: {  	s0 =	simm.s32 @!p0 $0x1  }
0x3a: {  	_ =	swait.ge @!p0 [sflag:s0], s1  }
0x3b: {  	s1 =	ssub.s32 @!p0 $0x0, s1;
	[sflag:s0] =	ssyncset.done @!p0 $0x0  }
0x3c: {  	[sflag:s0] =	ssyncadd.s32 @!p0 s1  }
0x3d: {  	[bflag:$0x3] =	sbarrier.arrive $0xFFFF  }
0x3e: {  	_ =	shalt  }

</sc_bundles>
